<compile_context>
chip_gen: v7x
topology: tpu7x:2x2x1
jax: 0.10.2.dev20260603
libtpu: 0.0.44.dev20260713+nightly
codegen_flags: <defaults>
</compile_context>

<pallas_src>
import functools

import jax
import jax.numpy as jnp
from jax import lax
from jax.experimental import pallas as pl
from jax.experimental.pallas import tpu as pltpu
from jax.experimental.pallas import tpu_sc as plsc

N = 100000
E = 3200000
F = 4
HID = 64
NC, NS = 2, 16
E_PER_W = E // (NC * NS)
CB = 2000
KB = E_PER_W // CB
SLICE_R = 6256
BLK = 8192
GRID = 13
NP = BLK * GRID

_MESH = plsc.VectorSubcoreMesh(
    core_axis_name="c", subcore_axis_name="s", num_cores=NC, num_subcores=NS)
_PARAMS = pltpu.CompilerParams(
    needs_layout_passes=False, use_tc_tiling_on_sc=False)

_AGG_SCRATCH = [
    pltpu.VMEM_SHARED((N,), jnp.float32),
    pltpu.VMEM((N,), jnp.float32),
    [pltpu.VMEM((CB,), jnp.int32) for _ in range(2)],
    [pltpu.VMEM((CB,), jnp.int32) for _ in range(2)],
    [pltpu.VMEM((CB,), jnp.float32) for _ in range(2)],
    [pltpu.VMEM((CB,), jnp.int32) for _ in range(2)],
    [pltpu.VMEM((CB,), jnp.float32) for _ in range(2)],
    pltpu.SemaphoreType.DMA,
    pltpu.SemaphoreType.DMA,
]


def _zero_acc_slice(acc, m0, r0):
    z16 = jnp.zeros((16,), jnp.float32)

    def zb(i, carry):
        m0[pl.ds(i * 16, 16)] = z16
        return carry
    lax.fori_loop(0, CB // 16, zb, 0)
    nz = SLICE_R // CB + 1

    def zcp(i, carry):
        o2 = jnp.minimum(r0 + i * CB, r0 + SLICE_R - CB)
        pltpu.sync_copy(m0, acc.at[pl.ds(o2, CB)])
        return carry
    lax.fori_loop(0, nz, zcp, 0)


def _edge_round(ei_hbm, w_hbm, tab, acc, base,
                src_v, dst_v, w_v, dsts_v, m_v, sem_ld, sem_s):

    def issue_loads(k, b):
        off = base + k * CB
        pltpu.async_copy(ei_hbm.at[0, pl.ds(off, CB)], src_v[b], sem_ld)
        pltpu.async_copy(ei_hbm.at[1, pl.ds(off, CB)], dst_v[b], sem_ld)
        pltpu.async_copy(w_hbm.at[pl.ds(off, CB)], w_v[b], sem_ld)

    def wait_loads(b):
        pltpu.make_async_copy(ei_hbm.at[0, pl.ds(0, CB)], src_v[b],
                              sem_ld).wait()
        pltpu.make_async_copy(ei_hbm.at[1, pl.ds(0, CB)], dst_v[b],
                              sem_ld).wait()
        pltpu.make_async_copy(w_hbm.at[pl.ds(0, CB)], w_v[b], sem_ld).wait()

    def wait_scatter(q):
        pltpu.make_async_copy(m_v[q], acc.at[dsts_v[q]], sem_s).wait()

    issue_loads(0, 0)

    def pair(k2, carry):
        for b in range(2):
            k = k2 * 2 + b

            @pl.when(k < KB - 1)
            def _():
                issue_loads(k + 1, 1 - b)
            wait_loads(b)

            @pl.when(k >= 2)
            def _():
                wait_scatter(b)

            def scale(i, carry2):
                sl = pl.ds(i * 16, 16)
                gv = plsc.load_gather(tab, [src_v[b][sl]])
                m_v[b][sl] = gv * w_v[b][sl]
                dsts_v[b][sl] = dst_v[b][sl]
                return carry2
            lax.fori_loop(0, CB // 16, scale, 0)
            pltpu.async_copy(m_v[b], acc.at[dsts_v[b]], sem_s, add=True)
        return carry
    lax.fori_loop(0, KB // 2, pair, 0)
    wait_scatter(0)
    wait_scatter(1)


@functools.partial(
    pl.kernel,
    out_type=jax.ShapeDtypeStruct((NC * F, N), jnp.float32),
    mesh=_MESH,
    scratch_types=_AGG_SCRATCH,
    compiler_params=_PARAMS,
)
def _agg4(ei_hbm, w_hbm, x0, x1, x2, x3, out_hbm,
          acc, xtab, src_v, dst_v, w_v, dsts_v, m_v, sem_ld, sem_s):
    c = lax.axis_index("c")
    s = lax.axis_index("s")
    wid = c * NS + s
    r0 = jnp.minimum(s * SLICE_R, N - SLICE_R)
    base = wid * E_PER_W

    for f, xf in enumerate((x0, x1, x2, x3)):
        gd = pltpu.async_copy(xf, xtab, sem_ld)
        _zero_acc_slice(acc, m_v[0], r0)
        gd.wait()
        plsc.subcore_barrier()
        _edge_round(ei_hbm, w_hbm, xtab, acc, base,
                    src_v, dst_v, w_v, dsts_v, m_v, sem_ld, sem_s)
        plsc.subcore_barrier()
        pltpu.sync_copy(acc.at[pl.ds(r0, SLICE_R)],
                        out_hbm.at[c * F + f, pl.ds(r0, SLICE_R)])
        plsc.subcore_barrier()


@functools.partial(
    pl.kernel,
    out_type=jax.ShapeDtypeStruct((NC, N), jnp.float32),
    mesh=_MESH,
    scratch_types=_AGG_SCRATCH,
    compiler_params=_PARAMS,
)
def _agg1(ei_hbm, w_hbm, g_hbm, out_hbm,
          acc, gtab, src_v, dst_v, w_v, dsts_v, m_v, sem_ld, sem_s):
    c = lax.axis_index("c")
    s = lax.axis_index("s")
    wid = c * NS + s
    r0 = jnp.minimum(s * SLICE_R, N - SLICE_R)
    base = wid * E_PER_W

    gd = pltpu.async_copy(g_hbm.at[pl.ds(0, N)], gtab, sem_ld)
    _zero_acc_slice(acc, m_v[0], r0)
    gd.wait()
    plsc.subcore_barrier()
    _edge_round(ei_hbm, w_hbm, gtab, acc, base,
                src_v, dst_v, w_v, dsts_v, m_v, sem_ld, sem_s)
    plsc.subcore_barrier()
    pltpu.sync_copy(acc.at[pl.ds(r0, SLICE_R)],
                    out_hbm.at[c, pl.ds(r0, SLICE_R)])


def _mid_body(p, x0, x1, x2, x3, w1, b1, wr1, w2, wr2, b2, g_out, rb_out):
    pv = p[...]
    aggT = pv[0:F] + pv[F:2 * F]
    w1v, wr1v = w1[...], wr1[...]
    preT = jnp.broadcast_to(b1[...][:, None], (HID, BLK))
    for f, xf in enumerate((x0, x1, x2, x3)):
        preT = preT + w1v[f][:, None] * aggT[f][None, :]
        preT = preT + wr1v[f][:, None] * xf[...][None, :]
    hT = jnp.maximum(preT, 0.0)
    g_out[...] = jnp.sum(hT * w2[...].reshape(HID, 1), axis=0)
    rb_out[...] = (jnp.sum(hT * wr2[...].reshape(HID, 1), axis=0)
                   + b2[...][0])


def _fin_body(sp, rb, out):
    spv = sp[...]
    out[...] = spv[0] + spv[1] + rb[...]


def _full_spec(shape):
    nd = len(shape)
    return pl.BlockSpec(shape, lambda i: (0,) * nd)


def _vec_spec():
    return pl.BlockSpec((BLK,), lambda i: (i,))


_mid = pl.pallas_call(
    _mid_body,
    grid=(GRID,),
    in_specs=[
        pl.BlockSpec((NC * F, BLK), lambda i: (0, i)),
        _vec_spec(), _vec_spec(), _vec_spec(), _vec_spec(),
        _full_spec((F, HID)), _full_spec((HID,)), _full_spec((F, HID)),
        _full_spec((1, HID)), _full_spec((1, HID)), _full_spec((1,)),
    ],
    out_specs=[_vec_spec(), _vec_spec()],
    out_shape=[jax.ShapeDtypeStruct((NP,), jnp.float32),
               jax.ShapeDtypeStruct((NP,), jnp.float32)],
)

_fin = pl.pallas_call(
    _fin_body,
    grid=(GRID,),
    in_specs=[pl.BlockSpec((NC, BLK), lambda i: (0, i)),
              _vec_spec()],
    out_specs=_vec_spec(),
    out_shape=jax.ShapeDtypeStruct((NP,), jnp.float32),
)


def kernel(x, edge_index, edge_attr, W_rel1, b_rel1, W_root1,
           W_rel2, b_rel2, W_root2):
    ei = edge_index.astype(jnp.int32)
    w = edge_attr.astype(jnp.float32)
    xcols = [x[:, f] for f in range(F)]

    p = _agg4(ei, w, *xcols)
    g, rb = _mid(p, *xcols, W_rel1, b_rel1, W_root1,
                 W_rel2.reshape(1, HID), W_root2.reshape(1, HID),
                 b_rel2)
    sp = _agg1(ei, w, g)
    return _fin(sp, rb)[:N].reshape(N, 1)

# --- scband reference (transcript-rebuilt; emitter-appended) ---
"""Pipeline reference for scband-model-80513456931023 (READ-ONLY COPY).

The authoritative reference and input builder live on the scoring server;
editing this copy changes nothing except your own understanding.
"""

import jax, jax.numpy as jnp
import numpy as np

N_NODES = 100000
N_EDGES = 3200000
IN_DIM = 4
HID = 64
OUT_DIM = 1

def setup_inputs(seed: int = 0) -> dict:
    key = jax.random.key(seed)
    ks = jax.random.split(key, 10)
    x = jax.random.normal(ks[0], (N_NODES, IN_DIM), dtype=jnp.float32)
    edge_index = jax.random.randint(ks[1], (2, N_EDGES), 0, N_NODES, dtype=jnp.int64)
    edge_attr = jax.random.uniform(ks[2], (N_EDGES,), dtype=jnp.float32)
    # GraphConv layer1: lin_rel (with bias), lin_root (no bias)
    W_rel1 = jax.random.normal(ks[3], (IN_DIM, HID), dtype=jnp.float32) / np.sqrt(IN_DIM)
    b_rel1 = jnp.zeros((HID,), dtype=jnp.float32)
    W_root1 = jax.random.normal(ks[4], (IN_DIM, HID), dtype=jnp.float32) / np.sqrt(IN_DIM)
    # GraphConv layer2
    W_rel2 = jax.random.normal(ks[5], (HID, OUT_DIM), dtype=jnp.float32) / np.sqrt(HID)
    b_rel2 = jnp.zeros((OUT_DIM,), dtype=jnp.float32)
    W_root2 = jax.random.normal(ks[6], (HID, OUT_DIM), dtype=jnp.float32) / np.sqrt(HID)
    return {"x": x, "edge_index": edge_index, "edge_attr": edge_attr,
            "W_rel1": W_rel1, "b_rel1": b_rel1, "W_root1": W_root1,
            "W_rel2": W_rel2, "b_rel2": b_rel2, "W_root2": W_root2}

def _graph_conv(x, src, dst, edge_w, W_rel, b_rel, W_root, num_nodes):
    # message: edge_weight * x_j (x_j = source node features)
    m = edge_w[:, None] * jnp.take(x, src, axis=0)
    # aggregate: sum at destination nodes
    agg = jax.ops.segment_sum(m, dst, num_segments=num_nodes)
    return agg @ W_rel + b_rel + x @ W_root

def reference(x, edge_index, edge_attr, W_rel1, b_rel1, W_root1, W_rel2, b_rel2, W_root2):
    src = edge_index[0]
    dst = edge_index[1]
    h = _graph_conv(x, src, dst, edge_attr, W_rel1, b_rel1, W_root1, N_NODES)
    h = jax.nn.relu(h)
    out = _graph_conv(h, src, dst, edge_attr, W_rel2, b_rel2, W_root2, N_NODES)
    return out

if __name__ == "__main__":
    import jax
    _d = setup_inputs()
    print(jax.jit(kernel)(*tuple(_d.values())))

</pallas_src>

<mosaic_0001>
#map = affine_map<(d0, d1) -> (0, 0)>
#map1 = affine_map<(d0, d1) -> (0)>
module attributes {stable_mosaic.version = 14 : i64} {
  func.func @_agg1(%arg0: i32, %arg1: i32, %arg2: memref<2x3200000xi32, #tpu.memory_space<hbm>>, %arg3: memref<3200000xf32, #tpu.memory_space<hbm>>, %arg4: memref<106496xf32, #tpu.memory_space<hbm>>, %arg5: memref<2x100000xf32, #tpu.memory_space<hbm>>, %arg6: memref<100000xf32, #tpu.memory_space<vmem_shared>>, %arg7: memref<100000xf32, #tpu.memory_space<vmem>>, %arg8: memref<2000xi32, #tpu.memory_space<vmem>>, %arg9: memref<2000xi32, #tpu.memory_space<vmem>>, %arg10: memref<2000xi32, #tpu.memory_space<vmem>>, %arg11: memref<2000xi32, #tpu.memory_space<vmem>>, %arg12: memref<2000xf32, #tpu.memory_space<vmem>>, %arg13: memref<2000xf32, #tpu.memory_space<vmem>>, %arg14: memref<2000xi32, #tpu.memory_space<vmem>>, %arg15: memref<2000xi32, #tpu.memory_space<vmem>>, %arg16: memref<2000xf32, #tpu.memory_space<vmem>>, %arg17: memref<2000xf32, #tpu.memory_space<vmem>>, %arg18: memref<!tpu.dma_semaphore, #tpu.memory_space<semaphore_mem>>, %arg19: memref<!tpu.dma_semaphore, #tpu.memory_space<semaphore_mem>>) attributes {dimension_semantics = [#tpu.dimension_semantics<core_parallel>, #tpu.dimension_semantics<subcore_parallel>], iteration_bounds = array<i64: 2, 16>, scalar_prefetch = 0 : i64, scratch_operands = 14 : i64, tpu.core_type = #tpu.core_type<sc_vector_subcore>, window_params = [{transform_indices = #map}, {transform_indices = #map1}, {transform_indices = #map1}, {transform_indices = #map}]} {
    %mul3A = arith.constant 16 : i32
    %mul3A_0 = arith.muli %arg0, %mul3A : i32
    %add3A = arith.addi %mul3A_0, %arg1 : i32
    %mul3A_1 = arith.constant 6256 : i32
    %mul3A_2 = arith.muli %arg1, %mul3A_1 : i32
    %min3A = arith.constant 93744 : i32
    %min3A_3 = arith.minsi %mul3A_2, %min3A : i32
    %mul3A_4 = arith.constant 100000 : i32
    %mul3A_5 = arith.muli %add3A, %mul3A_4 : i32
    %dma_start3A = arith.constant 0 : i32
    %dma_start3A_6 = tpu.memref_slice %arg4[%dma_start3A] : memref<106496xf32, #tpu.memory_space<hbm>> -> memref<100000xf32, #tpu.memory_space<hbm>>
    %dma_start3A_7 = arith.constant 0 : i32
    %dma_start3A_8 = tpu.memref_slice %arg4[%dma_start3A_7] : memref<106496xf32, #tpu.memory_space<hbm>> -> memref<100000xf32, #tpu.memory_space<hbm>>
    tpu.enqueue_dma source(%dma_start3A_8 : memref<100000xf32, #tpu.memory_space<hbm>>) target(%arg7 : memref<100000xf32, #tpu.memory_space<vmem>>) target_semaphore(%arg18 : memref<!tpu.dma_semaphore, #tpu.memory_space<semaphore_mem>>)
    %broadcast_in_dim3A = arith.constant 0.000000e+00 : f32
    %broadcast_in_dim3A_9 = vector.broadcast %broadcast_in_dim3A : f32 to vector<16xf32>
    %scan3A = arith.constant 0 : i32
    %scan3A_10 = arith.constant 0 : i32
    %scan3A_11 = arith.constant 125 : i32
    %scan3A_12 = arith.addi %scan3A_10, %scan3A_11 : i32
    %scan3A_13 = arith.constant 1 : i32
    scf.for %scan3A_49 = %scan3A_10 to %scan3A_12 step %scan3A_13  : i32 {
      %mul3A_50 = arith.constant 16 : i32
      %mul3A_51 = arith.muli %scan3A_49, %mul3A_50 : i32
      %swap3A = arith.index_cast %mul3A_51 : i32 to index
      %swap3A_52 = tpu.vector_load %arg16[%swap3A] {strides = array<i32>} : memref<2000xf32, #tpu.memory_space<vmem>>, vector<16xf32>,
      tpu.vector_store %arg16[%swap3A], %broadcast_in_dim3A_9 {strides = array<i32>} : memref<2000xf32, #tpu.memory_space<vmem>>, vector<16xf32>,
    }
    %scan3A_14 = arith.constant 125 : i32
    %scan3A_15 = arith.constant 0 : i32
    %scan3A_16 = arith.constant 0 : i32
    %scan3A_17 = arith.constant 4 : i32
    %scan3A_18 = arith.addi %scan3A_16, %scan3A_17 : i32
    %scan3A_19 = arith.constant 1 : i32
    scf.for %scan3A_49 = %scan3A_16 to %scan3A_18 step %scan3A_19  : i32 {
      %mul3A_50 = arith.constant 2000 : i32
      %mul3A_51 = arith.muli %scan3A_49, %mul3A_50 : i32
      %add3A_52 = arith.addi %min3A_3, %mul3A_51 : i32
      %add3A_53 = arith.constant 6256 : i32
      %add3A_54 = arith.addi %min3A_3, %add3A_53 : i32
      %sub3A = arith.constant 2000 : i32
      %sub3A_55 = arith.subi %add3A_54, %sub3A : i32
      %min3A_56 = arith.minsi %add3A_52, %sub3A_55 : i32
      "tpu.region"() ({
        %run_scoped3A = tpu.sem_alloc : memref<!tpu.dma_semaphore, #tpu.memory_space<semaphore_mem>>
        %dma_start3A_57 = tpu.memref_slice %arg6[%min3A_56] : memref<100000xf32, #tpu.memory_space<vmem_shared>> -> memref<2000xf32, #tpu.memory_space<vmem_shared>>
        %dma_start3A_58 = tpu.memref_slice %arg6[%min3A_56] : memref<100000xf32, #tpu.memory_space<vmem_shared>> -> memref<2000xf32, #tpu.memory_space<vmem_shared>>
        tpu.enqueue_dma source(%arg16 : memref<2000xf32, #tpu.memory_space<vmem>>) target(%dma_start3A_58 : memref<2000xf32, #tpu.memory_space<vmem_shared>>) target_semaphore(%run_scoped3A : memref<!tpu.dma_semaphore, #tpu.memory_space<semaphore_mem>>)
        %dma_wait3A_59 = tpu.memref_slice %arg6[%min3A_56] : memref<100000xf32, #tpu.memory_space<vmem_shared>> -> memref<2000xf32, #tpu.memory_space<vmem_shared>>
        %dma_wait3A_60 = tpu.memref_slice %arg6[%min3A_56] : memref<100000xf32, #tpu.memory_space<vmem_shared>> -> memref<2000xf32, #tpu.memory_space<vmem_shared>>
        tpu.wait_dma2 semaphore(%run_scoped3A : memref<!tpu.dma_semaphore, #tpu.memory_space<semaphore_mem>>) src(%arg16 : memref<2000xf32, #tpu.memory_space<vmem>>) dst(%dma_wait3A_60 : memref<2000xf32, #tpu.memory_space<vmem_shared>>)
        tpu.yield
      }) : () -> ()
    }
    %scan3A_20 = arith.constant 4 : i32
    %dma_wait3A = arith.constant 0 : i32
    %dma_wait3A_21 = tpu.memref_slice %arg4[%dma_wait3A] : memref<106496xf32, #tpu.memory_space<hbm>> -> memref<100000xf32, #tpu.memory_space<hbm>>
    %dma_wait3A_22 = arith.constant 0 : i32
    %dma_wait3A_23 = tpu.memref_slice %arg4[%dma_wait3A_22] : memref<106496xf32, #tpu.memory_space<hbm>> -> memref<100000xf32, #tpu.memory_space<hbm>>
    tpu.wait_dma2 semaphore(%arg18 : memref<!tpu.dma_semaphore, #tpu.memory_space<semaphore_mem>>) src(%dma_wait3A_23 : memref<100000xf32, #tpu.memory_space<hbm>>) dst(%arg7 : memref<100000xf32, #tpu.memory_space<vmem>>)
    %barrier3A = arith.constant 0 : index
    tpu.barrier barrier_id(%barrier3A)
    %add3A_24 = arith.constant 0 : i32
    %add3A_25 = arith.addi %mul3A_5, %add3A_24 : i32
    %dma_start3A_26 = arith.constant 0 : i32
    %dma_start3A_27 = tpu.memref_slice %arg2[%dma_start3A_26, %add3A_25] : memref<2x3200000xi32, #tpu.memory_space<hbm>> -> memref<1x2000xi32, #tpu.memory_space<hbm>>
    %dma_start3A_28 = tpu.memref_squeeze %dma_start3A_27 : memref<1x2000xi32, #tpu.memory_space<hbm>> -> memref<2000xi32, #tpu.memory_space<hbm>>
    %dma_start3A_29 = tpu.memref_slice %arg2[%dma_start3A_26, %add3A_25] : memref<2x3200000xi32, #tpu.memory_space<hbm>> -> memref<1x2000xi32, #tpu.memory_space<hbm>>
    %dma_start3A_30 = tpu.memref_squeeze %dma_start3A_29 : memref<1x2000xi32, #tpu.memory_space<hbm>> -> memref<2000xi32, #tpu.memory_space<hbm>>
    tpu.enqueue_dma source(%dma_start3A_30 : memref<2000xi32, #tpu.memory_space<hbm>>) target(%arg8 : memref<2000xi32, #tpu.memory_space<vmem>>) target_semaphore(%arg18 : memref<!tpu.dma_semaphore, #tpu.memory_space<semaphore_mem>>)
    %dma_start3A_31 = arith.constant 1 : i32
    %dma_start3A_32 = tpu.memref_slice %arg2[%dma_start3A_31, %add3A_25] : memref<2x3200000xi32, #tpu.memory_space<hbm>> -> memref<1x2000xi32, #tpu.memory_space<hbm>>
    %dma_start3A_33 = tpu.memref_squeeze %dma_start3A_32 : memref<1x2000xi32, #tpu.memory_space<hbm>> -> memref<2000xi32, #tpu.memory_space<hbm>>
    %dma_start3A_34 = tpu.memref_slice %arg2[%dma_start3A_31, %add3A_25] : memref<2x3200000xi32, #tpu.memory_space<hbm>> -> memref<1x2000xi32, #tpu.memory_space<hbm>>
    %dma_start3A_35 = tpu.memref_squeeze %dma_start3A_34 : memref<1x2000xi32, #tpu.memory_space<hbm>> -> memref<2000xi32, #tpu.memory_space<hbm>>
    tpu.enqueue_dma source(%dma_start3A_35 : memref<2000xi32, #tpu.memory_space<hbm>>) target(%arg10 : memref<2000xi32, #tpu.memory_space<vmem>>) target_semaphore(%arg18 : memref<!tpu.dma_semaphore, #tpu.memory_space<semaphore_mem>>)
    %dma_start3A_36 = tpu.memref_slice %arg3[%add3A_25] : memref<3200000xf32, #tpu.memory_space<hbm>> -> memref<2000xf32, #tpu.memory_space<hbm>>
    %dma_start3A_37 = tpu.memref_slice %arg3[%add3A_25] : memref<3200000xf32, #tpu.memory_space<hbm>> -> memref<2000xf32, #tpu.memory_space<hbm>>
    tpu.enqueue_dma source(%dma_start3A_37 : memref<2000xf32, #tpu.memory_space<hbm>>) target(%arg12 : memref<2000xf32, #tpu.memory_space<vmem>>) target_semaphore(%arg18 : memref<!tpu.dma_semaphore, #tpu.memory_space<semaphore_mem>>)
    %scan3A_38 = arith.constant 0 : i32
    %scan3A_39 = arith.constant 0 : i32
    %scan3A_40 = arith.constant 25 : i32
    %scan3A_41 = arith.addi %scan3A_39, %scan3A_40 : i32
    %scan3A_42 = arith.constant 1 : i32
    scf.for %scan3A_49 = %scan3A_39 to %scan3A_41 step %scan3A_42  : i32 {
      %mul3A_50 = arith.constant 2 : i32
      %mul3A_51 = arith.muli %scan3A_49, %mul3A_50 : i32
      %add3A_52 = arith.constant 0 : i32
      %add3A_53 = arith.addi %mul3A_51, %add3A_52 : i32
      %lt3A = arith.constant 49 : i32
      %lt3A_54 = arith.cmpi slt, %add3A_53, %lt3A : i32
      %convert_element_type3A = arith.extui %lt3A_54 : i1 to i32
      %cond3A = arith.constant 0 : i32
      %cond3A_55 = arith.cmpi ne, %convert_element_type3A, %cond3A : i32
      scf.if %cond3A_55 {
        %add3A_126 = arith.constant 1 : i32
        %add3A_127 = arith.addi %add3A_53, %add3A_126 : i32
        %mul3A_128 = arith.constant 2000 : i32
        %mul3A_129 = arith.muli %add3A_127, %mul3A_128 : i32
        %add3A_130 = arith.addi %mul3A_5, %mul3A_129 : i32
        %dma_start3A_131 = arith.constant 0 : i32
        %dma_start3A_132 = tpu.memref_slice %arg2[%dma_start3A_131, %add3A_130] : memref<2x3200000xi32, #tpu.memory_space<hbm>> -> memref<1x2000xi32, #tpu.memory_space<hbm>>
        %dma_start3A_133 = tpu.memref_squeeze %dma_start3A_132 : memref<1x2000xi32, #tpu.memory_space<hbm>> -> memref<2000xi32, #tpu.memory_space<hbm>>
        %dma_start3A_134 = tpu.memref_slice %arg2[%dma_start3A_131, %add3A_130] : memref<2x3200000xi32, #tpu.memory_space<hbm>> -> memref<1x2000xi32, #tpu.memory_space<hbm>>
        %dma_start3A_135 = tpu.memref_squeeze %dma_start3A_134 : memref<1x2000xi32, #tpu.memory_space<hbm>> -> memref<2000xi32, #tpu.memory_space<hbm>>
        tpu.enqueue_dma source(%dma_start3A_135 : memref<2000xi32, #tpu.memory_space<hbm>>) target(%arg9 : memref<2000xi32, #tpu.memory_space<vmem>>) target_semaphore(%arg18 : memref<!tpu.dma_semaphore, #tpu.memory_space<semaphore_mem>>)
        %dma_start3A_136 = arith.constant 1 : i32
        %dma_start3A_137 = tpu.memref_slice %arg2[%dma_start3A_136, %add3A_130] : memref<2x3200000xi32, #tpu.memory_space<hbm>> -> memref<1x2000xi32, #tpu.memory_space<hbm>>
        %dma_start3A_138 = tpu.memref_squeeze %dma_start3A_137 : memref<1x2000xi32, #tpu.memory_space<hbm>> -> memref<2000xi32, #tpu.memory_space<hbm>>
        %dma_start3A_139 = tpu.memref_slice %arg2[%dma_start3A_136, %add3A_130] : memref<2x3200000xi32, #tpu.memory_space<hbm>> -> memref<1x2000xi32, #tpu.memory_space<hbm>>
        %dma_start3A_140 = tpu.memref_squeeze %dma_start3A_139 : memref<1x2000xi32, #tpu.memory_space<hbm>> -> memref<2000xi32, #tpu.memory_space<hbm>>
        tpu.enqueue_dma source(%dma_start3A_140 : memref<2000xi32, #tpu.memory_space<hbm>>) target(%arg11 : memref<2000xi32, #tpu.memory_space<vmem>>) target_semaphore(%arg18 : memref<!tpu.dma_semaphore, #tpu.memory_space<semaphore_mem>>)
        %dma_start3A_141 = tpu.memref_slice %arg3[%add3A_130] : memref<3200000xf32, #tpu.memory_space<hbm>> -> memref<2000xf32, #tpu.memory_space<hbm>>
        %dma_start3A_142 = tpu.memref_slice %arg3[%add3A_130] : memref<3200000xf32, #tpu.memory_space<hbm>> -> memref<2000xf32, #tpu.memory_space<hbm>>
        tpu.enqueue_dma source(%dma_start3A_142 : memref<2000xf32, #tpu.memory_space<hbm>>) target(%arg13 : memref<2000xf32, #tpu.memory_space<vmem>>) target_semaphore(%arg18 : memref<!tpu.dma_semaphore, #tpu.memory_space<semaphore_mem>>)
      } else {
      }
      %dma_wait3A_56 = arith.constant 0 : i32
      %dma_wait3A_57 = arith.constant 0 : i32
      %dma_wait3A_58 = tpu.memref_slice %arg2[%dma_wait3A_56, %dma_wait3A_57] : memref<2x3200000xi32, #tpu.memory_space<hbm>> -> memref<1x2000xi32, #tpu.memory_space<hbm>>
      %dma_wait3A_59 = tpu.memref_squeeze %dma_wait3A_58 : memref<1x2000xi32, #tpu.memory_space<hbm>> -> memref<2000xi32, #tpu.memory_space<hbm>>
      %dma_wait3A_60 = arith.constant 0 : i32
      %dma_wait3A_61 = tpu.memref_slice %arg2[%dma_wait3A_56, %dma_wait3A_60] : memref<2x3200000xi32, #tpu.memory_space<hbm>> -> memref<1x2000xi32, #tpu.memory_space<hbm>>
      %dma_wait3A_62 = tpu.memref_squeeze %dma_wait3A_61 : memref<1x2000xi32, #tpu.memory_space<hbm>> -> memref<2000xi32, #tpu.memory_space<hbm>>
      tpu.wait_dma2 semaphore(%arg18 : memref<!tpu.dma_semaphore, #tpu.memory_space<semaphore_mem>>) src(%dma_wait3A_62 : memref<2000xi32, #tpu.memory_space<hbm>>) dst(%arg8 : memref<2000xi32, #tpu.memory_space<vmem>>)
      %dma_wait3A_63 = arith.constant 1 : i32
      %dma_wait3A_64 = arith.constant 0 : i32
      %dma_wait3A_65 = tpu.memref_slice %arg2[%dma_wait3A_63, %dma_wait3A_64] : memref<2x3200000xi32, #tpu.memory_space<hbm>> -> memref<1x2000xi32, #tpu.memory_space<hbm>>
      %dma_wait3A_66 = tpu.memref_squeeze %dma_wait3A_65 : memref<1x2000xi32, #tpu.memory_space<hbm>> -> memref<2000xi32, #tpu.memory_space<hbm>>
      %dma_wait3A_67 = arith.constant 0 : i32
      %dma_wait3A_68 = tpu.memref_slice %arg2[%dma_wait3A_63, %dma_wait3A_67] : memref<2x3200000xi32, #tpu.memory_space<hbm>> -> memref<1x2000xi32, #tpu.memory_space<hbm>>
      %dma_wait3A_69 = tpu.memref_squeeze %dma_wait3A_68 : memref<1x2000xi32, #tpu.memory_space<hbm>> -> memref<2000xi32, #tpu.memory_space<hbm>>
      tpu.wait_dma2 semaphore(%arg18 : memref<!tpu.dma_semaphore, #tpu.memory_space<semaphore_mem>>) src(%dma_wait3A_69 : memref<2000xi32, #tpu.memory_space<hbm>>) dst(%arg10 : memref<2000xi32, #tpu.memory_space<vmem>>)
      %dma_wait3A_70 = arith.constant 0 : i32
      %dma_wait3A_71 = tpu.memref_slice %arg3[%dma_wait3A_70] : memref<3200000xf32, #tpu.memory_space<hbm>> -> memref<2000xf32, #tpu.memory_space<hbm>>
      %dma_wait3A_72 = arith.constant 0 : i32
      %dma_wait3A_73 = tpu.memref_slice %arg3[%dma_wait3A_72] : memref<3200000xf32, #tpu.memory_space<hbm>> -> memref<2000xf32, #tpu.memory_space<hbm>>
      tpu.wait_dma2 semaphore(%arg18 : memref<!tpu.dma_semaphore, #tpu.memory_space<semaphore_mem>>) src(%dma_wait3A_73 : memref<2000xf32, #tpu.memory_space<hbm>>) dst(%arg12 : memref<2000xf32, #tpu.memory_space<vmem>>)
      %ge3A = arith.constant 2 : i32
      %ge3A_74 = arith.cmpi sge, %add3A_53, %ge3A : i32
      %convert_element_type3A_75 = arith.extui %ge3A_74 : i1 to i32
      %cond3A_76 = arith.constant 0 : i32
      %cond3A_77 = arith.cmpi ne, %convert_element_type3A_75, %cond3A_76 : i32
      scf.if %cond3A_77 {
        %dma_wait3A_126 = arith.constant 0 : i32
        %dma_wait3A_127 = tpu.memref_slice %arg6[%dma_wait3A_126] : memref<100000xf32, #tpu.memory_space<vmem_shared>> -> memref<100000xf32, #tpu.memory_space<vmem_shared>>
        tpu.wait_indirect_dma semaphore(%arg19 : memref<!tpu.dma_semaphore, #tpu.memory_space<semaphore_mem>>) src(%arg16 : memref<2000xf32, #tpu.memory_space<vmem>>) dst(%dma_wait3A_127 : memref<100000xf32, #tpu.memory_space<vmem_shared>>)
      } else {
      }
      %scan3A_78 = arith.constant 0 : i32
      %scan3A_79 = arith.constant 0 : i32
      %scan3A_80 = arith.constant 125 : i32
      %scan3A_81 = arith.addi %scan3A_79, %scan3A_80 : i32
      %scan3A_82 = arith.constant 1 : i32
      scf.for %scan3A_126 = %scan3A_79 to %scan3A_81 step %scan3A_82  : i32 {
        %mul3A_127 = arith.constant 16 : i32
        %mul3A_128 = arith.muli %scan3A_126, %mul3A_127 : i32
        %get3A = arith.index_cast %mul3A_128 : i32 to index
        %get3A_129 = tpu.vector_load %arg8[%get3A] {strides = array<i32>} : memref<2000xi32, #tpu.memory_space<vmem>>, vector<16xi32>,
        %gather3A = tpu.vector_load_idx %arg7[%get3A_129] : memref<100000xf32, #tpu.memory_space<vmem>>[vector<16xi32>], vector<16xf32>,
        %get3A_130 = arith.index_cast %mul3A_128 : i32 to index
        %get3A_131 = tpu.vector_load %arg12[%get3A_130] {strides = array<i32>} : memref<2000xf32, #tpu.memory_space<vmem>>, vector<16xf32>,
        %mul3A_132 = arith.mulf %gather3A, %get3A_131 : vector<16xf32>
        %swap3A = arith.index_cast %mul3A_128 : i32 to index
        %swap3A_133 = tpu.vector_load %arg16[%swap3A] {strides = array<i32>} : memref<2000xf32, #tpu.memory_space<vmem>>, vector<16xf32>,
        tpu.vector_store %arg16[%swap3A], %mul3A_132 {strides = array<i32>} : memref<2000xf32, #tpu.memory_space<vmem>>, vector<16xf32>,
        %get3A_134 = arith.index_cast %mul3A_128 : i32 to index
        %get3A_135 = tpu.vector_load %arg10[%get3A_134] {strides = array<i32>} : memref<2000xi32, #tpu.memory_space<vmem>>, vector<16xi32>,
        %swap3A_136 = arith.index_cast %mul3A_128 : i32 to index
        %swap3A_137 = tpu.vector_load %arg14[%swap3A_136] {strides = array<i32>} : memref<2000xi32, #tpu.memory_space<vmem>>, vector<16xi32>,
        tpu.vector_store %arg14[%swap3A_136], %get3A_135 {strides = array<i32>} : memref<2000xi32, #tpu.memory_space<vmem>>, vector<16xi32>,
      }
      %scan3A_83 = arith.constant 125 : i32
      %dma_start3A_84 = arith.constant 0 : i32
      %dma_start3A_85 = tpu.memref_slice %arg6[%dma_start3A_84] : memref<100000xf32, #tpu.memory_space<vmem_shared>> -> memref<100000xf32, #tpu.memory_space<vmem_shared>>
      tpu.enqueue_indirect_dma source(%arg16 : memref<2000xf32, #tpu.memory_space<vmem>>) target(%dma_start3A_85 : memref<100000xf32, #tpu.memory_space<vmem_shared>>) offsets(%arg14 : memref<2000xi32, #tpu.memory_space<vmem>>) semaphore(%arg19 : memref<!tpu.dma_semaphore, #tpu.memory_space<semaphore_mem>>) {add = true}
      %mul3A_86 = arith.constant 2 : i32
      %mul3A_87 = arith.muli %scan3A_49, %mul3A_86 : i32
      %add3A_88 = arith.constant 1 : i32
      %add3A_89 = arith.addi %mul3A_87, %add3A_88 : i32
      %lt3A_90 = arith.constant 49 : i32
      %lt3A_91 = arith.cmpi slt, %add3A_89, %lt3A_90 : i32
      %convert_element_type3A_92 = arith.extui %lt3A_91 : i1 to i32
      %cond3A_93 = arith.constant 0 : i32
      %cond3A_94 = arith.cmpi ne, %convert_element_type3A_92, %cond3A_93 : i32
      scf.if %cond3A_94 {
        %add3A_126 = arith.constant 1 : i32
        %add3A_127 = arith.addi %add3A_89, %add3A_126 : i32
        %mul3A_128 = arith.constant 2000 : i32
        %mul3A_129 = arith.muli %add3A_127, %mul3A_128 : i32
        %add3A_130 = arith.addi %mul3A_5, %mul3A_129 : i32
        %dma_start3A_131 = arith.constant 0 : i32
        %dma_start3A_132 = tpu.memref_slice %arg2[%dma_start3A_131, %add3A_130] : memref<2x3200000xi32, #tpu.memory_space<hbm>> -> memref<1x2000xi32, #tpu.memory_space<hbm>>
        %dma_start3A_133 = tpu.memref_squeeze %dma_start3A_132 : memref<1x2000xi32, #tpu.memory_space<hbm>> -> memref<2000xi32, #tpu.memory_space<hbm>>
        %dma_start3A_134 = tpu.memref_slice %arg2[%dma_start3A_131, %add3A_130] : memref<2x3200000xi32, #tpu.memory_space<hbm>> -> memref<1x2000xi32, #tpu.memory_space<hbm>>
        %dma_start3A_135 = tpu.memref_squeeze %dma_start3A_134 : memref<1x2000xi32, #tpu.memory_space<hbm>> -> memref<2000xi32, #tpu.memory_space<hbm>>
        tpu.enqueue_dma source(%dma_start3A_135 : memref<2000xi32, #tpu.memory_space<hbm>>) target(%arg8 : memref<2000xi32, #tpu.memory_space<vmem>>) target_semaphore(%arg18 : memref<!tpu.dma_semaphore, #tpu.memory_space<semaphore_mem>>)
        %dma_start3A_136 = arith.constant 1 : i32
        %dma_start3A_137 = tpu.memref_slice %arg2[%dma_start3A_136, %add3A_130] : memref<2x3200000xi32, #tpu.memory_space<hbm>> -> memref<1x2000xi32, #tpu.memory_space<hbm>>
        %dma_start3A_138 = tpu.memref_squeeze %dma_start3A_137 : memref<1x2000xi32, #tpu.memory_space<hbm>> -> memref<2000xi32, #tpu.memory_space<hbm>>
        %dma_start3A_139 = tpu.memref_slice %arg2[%dma_start3A_136, %add3A_130] : memref<2x3200000xi32, #tpu.memory_space<hbm>> -> memref<1x2000xi32, #tpu.memory_space<hbm>>
        %dma_start3A_140 = tpu.memref_squeeze %dma_start3A_139 : memref<1x2000xi32, #tpu.memory_space<hbm>> -> memref<2000xi32, #tpu.memory_space<hbm>>
        tpu.enqueue_dma source(%dma_start3A_140 : memref<2000xi32, #tpu.memory_space<hbm>>) target(%arg10 : memref<2000xi32, #tpu.memory_space<vmem>>) target_semaphore(%arg18 : memref<!tpu.dma_semaphore, #tpu.memory_space<semaphore_mem>>)
        %dma_start3A_141 = tpu.memref_slice %arg3[%add3A_130] : memref<3200000xf32, #tpu.memory_space<hbm>> -> memref<2000xf32, #tpu.memory_space<hbm>>
        %dma_start3A_142 = tpu.memref_slice %arg3[%add3A_130] : memref<3200000xf32, #tpu.memory_space<hbm>> -> memref<2000xf32, #tpu.memory_space<hbm>>
        tpu.enqueue_dma source(%dma_start3A_142 : memref<2000xf32, #tpu.memory_space<hbm>>) target(%arg12 : memref<2000xf32, #tpu.memory_space<vmem>>) target_semaphore(%arg18 : memref<!tpu.dma_semaphore, #tpu.memory_space<semaphore_mem>>)
      } else {
      }
      %dma_wait3A_95 = arith.constant 0 : i32
      %dma_wait3A_96 = arith.constant 0 : i32
      %dma_wait3A_97 = tpu.memref_slice %arg2[%dma_wait3A_95, %dma_wait3A_96] : memref<2x3200000xi32, #tpu.memory_space<hbm>> -> memref<1x2000xi32, #tpu.memory_space<hbm>>
      %dma_wait3A_98 = tpu.memref_squeeze %dma_wait3A_97 : memref<1x2000xi32, #tpu.memory_space<hbm>> -> memref<2000xi32, #tpu.memory_space<hbm>>
      %dma_wait3A_99 = arith.constant 0 : i32
      %dma_wait3A_100 = tpu.memref_slice %arg2[%dma_wait3A_95, %dma_wait3A_99] : memref<2x3200000xi32, #tpu.memory_space<hbm>> -> memref<1x2000xi32, #tpu.memory_space<hbm>>
      %dma_wait3A_101 = tpu.memref_squeeze %dma_wait3A_100 : memref<1x2000xi32, #tpu.memory_space<hbm>> -> memref<2000xi32, #tpu.memory_space<hbm>>
      tpu.wait_dma2 semaphore(%arg18 : memref<!tpu.dma_semaphore, #tpu.memory_space<semaphore_mem>>) src(%dma_wait3A_101 : memref<2000xi32, #tpu.memory_space<hbm>>) dst(%arg9 : memref<2000xi32, #tpu.memory_space<vmem>>)
      %dma_wait3A_102 = arith.constant 1 : i32
      %dma_wait3A_103 = arith.constant 0 : i32
      %dma_wait3A_104 = tpu.memref_slice %arg2[%dma_wait3A_102, %dma_wait3A_103] : memref<2x3200000xi32, #tpu.memory_space<hbm>> -> memref<1x2000xi32, #tpu.memory_space<hbm>>
      %dma_wait3A_105 = tpu.memref_squeeze %dma_wait3A_104 : memref<1x2000xi32, #tpu.memory_space<hbm>> -> memref<2000xi32, #tpu.memory_space<hbm>>
      %dma_wait3A_106 = arith.constant 0 : i32
      %dma_wait3A_107 = tpu.memref_slice %arg2[%dma_wait3A_102, %dma_wait3A_106] : memref<2x3200000xi32, #tpu.memory_space<hbm>> -> memref<1x2000xi32, #tpu.memory_space<hbm>>
      %dma_wait3A_108 = tpu.memref_squeeze %dma_wait3A_107 : memref<1x2000xi32, #tpu.memory_space<hbm>> -> memref<2000xi32, #tpu.memory_space<hbm>>
      tpu.wait_dma2 semaphore(%arg18 : memref<!tpu.dma_semaphore, #tpu.memory_space<semaphore_mem>>) src(%dma_wait3A_108 : memref<2000xi32, #tpu.memory_space<hbm>>) dst(%arg11 : memref<2000xi32, #tpu.memory_space<vmem>>)
      %dma_wait3A_109 = arith.constant 0 : i32
      %dma_wait3A_110 = tpu.memref_slice %arg3[%dma_wait3A_109] : memref<3200000xf32, #tpu.memory_space<hbm>> -> memref<2000xf32, #tpu.memory_space<hbm>>
      %dma_wait3A_111 = arith.constant 0 : i32
      %dma_wait3A_112 = tpu.memref_slice %arg3[%dma_wait3A_111] : memref<3200000xf32, #tpu.memory_space<hbm>> -> memref<2000xf32, #tpu.memory_space<hbm>>
      tpu.wait_dma2 semaphore(%arg18 : memref<!tpu.dma_semaphore, #tpu.memory_space<semaphore_mem>>) src(%dma_wait3A_112 : memref<2000xf32, #tpu.memory_space<hbm>>) dst(%arg13 : memref<2000xf32, #tpu.memory_space<vmem>>)
      %ge3A_113 = arith.constant 2 : i32
      %ge3A_114 = arith.cmpi sge, %add3A_89, %ge3A_113 : i32
      %convert_element_type3A_115 = arith.extui %ge3A_114 : i1 to i32
      %cond3A_116 = arith.constant 0 : i32
      %cond3A_117 = arith.cmpi ne, %convert_element_type3A_115, %cond3A_116 : i32
      scf.if %cond3A_117 {
        %dma_wait3A_126 = arith.constant 0 : i32
        %dma_wait3A_127 = tpu.memref_slice %arg6[%dma_wait3A_126] : memref<100000xf32, #tpu.memory_space<vmem_shared>> -> memref<100000xf32, #tpu.memory_space<vmem_shared>>
        tpu.wait_indirect_dma semaphore(%arg19 : memref<!tpu.dma_semaphore, #tpu.memory_space<semaphore_mem>>) src(%arg17 : memref<2000xf32, #tpu.memory_space<vmem>>) dst(%dma_wait3A_127 : memref<100000xf32, #tpu.memory_space<vmem_shared>>)
      } else {
      }
      %scan3A_118 = arith.constant 0 : i32
      %scan3A_119 = arith.constant 0 : i32
      %scan3A_120 = arith.constant 125 : i32
      %scan3A_121 = arith.addi %scan3A_119, %scan3A_120 : i32
      %scan3A_122 = arith.constant 1 : i32
      scf.for %scan3A_126 = %scan3A_119 to %scan3A_121 step %scan3A_122  : i32 {
        %mul3A_127 = arith.constant 16 : i32
        %mul3A_128 = arith.muli %scan3A_126, %mul3A_127 : i32
        %get3A = arith.index_cast %mul3A_128 : i32 to index
        %get3A_129 = tpu.vector_load %arg9[%get3A] {strides = array<i32>} : memref<2000xi32, #tpu.memory_space<vmem>>, vector<16xi32>,
        %gather3A = tpu.vector_load_idx %arg7[%get3A_129] : memref<100000xf32, #tpu.memory_space<vmem>>[vector<16xi32>], vector<16xf32>,
        %get3A_130 = arith.index_cast %mul3A_128 : i32 to index
        %get3A_131 = tpu.vector_load %arg13[%get3A_130] {strides = array<i32>} : memref<2000xf32, #tpu.memory_space<vmem>>, vector<16xf32>,
        %mul3A_132 = arith.mulf %gather3A, %get3A_131 : vector<16xf32>
        %swap3A = arith.index_cast %mul3A_128 : i32 to index
        %swap3A_133 = tpu.vector_load %arg17[%swap3A] {strides = array<i32>} : memref<2000xf32, #tpu.memory_space<vmem>>, vector<16xf32>,
        tpu.vector_store %arg17[%swap3A], %mul3A_132 {strides = array<i32>} : memref<2000xf32, #tpu.memory_space<vmem>>, vector<16xf32>,
        %get3A_134 = arith.index_cast %mul3A_128 : i32 to index
        %get3A_135 = tpu.vector_load %arg11[%get3A_134] {strides = array<i32>} : memref<2000xi32, #tpu.memory_space<vmem>>, vector<16xi32>,
        %swap3A_136 = arith.index_cast %mul3A_128 : i32 to index
        %swap3A_137 = tpu.vector_load %arg15[%swap3A_136] {strides = array<i32>} : memref<2000xi32, #tpu.memory_space<vmem>>, vector<16xi32>,
        tpu.vector_store %arg15[%swap3A_136], %get3A_135 {strides = array<i32>} : memref<2000xi32, #tpu.memory_space<vmem>>, vector<16xi32>,
      }
      %scan3A_123 = arith.constant 125 : i32
      %dma_start3A_124 = arith.constant 0 : i32
      %dma_start3A_125 = tpu.memref_slice %arg6[%dma_start3A_124] : memref<100000xf32, #tpu.memory_space<vmem_shared>> -> memref<100000xf32, #tpu.memory_space<vmem_shared>>
      tpu.enqueue_indirect_dma source(%arg17 : memref<2000xf32, #tpu.memory_space<vmem>>) target(%dma_start3A_125 : memref<100000xf32, #tpu.memory_space<vmem_shared>>) offsets(%arg15 : memref<2000xi32, #tpu.memory_space<vmem>>) semaphore(%arg19 : memref<!tpu.dma_semaphore, #tpu.memory_space<semaphore_mem>>) {add = true}
    }
    %scan3A_43 = arith.constant 25 : i32
    %dma_wait3A_44 = arith.constant 0 : i32
    %dma_wait3A_45 = tpu.memref_slice %arg6[%dma_wait3A_44] : memref<100000xf32, #tpu.memory_space<vmem_shared>> -> memref<100000xf32, #tpu.memory_space<vmem_shared>>
    tpu.wait_indirect_dma semaphore(%arg19 : memref<!tpu.dma_semaphore, #tpu.memory_space<semaphore_mem>>) src(%arg16 : memref<2000xf32, #tpu.memory_space<vmem>>) dst(%dma_wait3A_45 : memref<100000xf32, #tpu.memory_space<vmem_shared>>)
    %dma_wait3A_46 = arith.constant 0 : i32
    %dma_wait3A_47 = tpu.memref_slice %arg6[%dma_wait3A_46] : memref<100000xf32, #tpu.memory_space<vmem_shared>> -> memref<100000xf32, #tpu.memory_space<vmem_shared>>
    tpu.wait_indirect_dma semaphore(%arg19 : memref<!tpu.dma_semaphore, #tpu.memory_space<semaphore_mem>>) src(%arg17 : memref<2000xf32, #tpu.memory_space<vmem>>) dst(%dma_wait3A_47 : memref<100000xf32, #tpu.memory_space<vmem_shared>>)
    %barrier3A_48 = arith.constant 0 : index
    tpu.barrier barrier_id(%barrier3A_48)
    "tpu.region"() ({
      %run_scoped3A = tpu.sem_alloc : memref<!tpu.dma_semaphore, #tpu.memory_space<semaphore_mem>>
      %dma_start3A_49 = tpu.memref_slice %arg5[%arg0, %min3A_3] : memref<2x100000xf32, #tpu.memory_space<hbm>> -> memref<1x6256xf32, #tpu.memory_space<hbm>>
      %dma_start3A_50 = tpu.memref_squeeze %dma_start3A_49 : memref<1x6256xf32, #tpu.memory_space<hbm>> -> memref<6256xf32, #tpu.memory_space<hbm>>
      %dma_start3A_51 = tpu.memref_slice %arg6[%min3A_3] : memref<100000xf32, #tpu.memory_space<vmem_shared>> -> memref<6256xf32, #tpu.memory_space<vmem_shared>>
      tpu.enqueue_dma source(%dma_start3A_51 : memref<6256xf32, #tpu.memory_space<vmem_shared>>) target(%dma_start3A_50 : memref<6256xf32, #tpu.memory_space<hbm>>) target_semaphore(%run_scoped3A : memref<!tpu.dma_semaphore, #tpu.memory_space<semaphore_mem>>)
      %dma_wait3A_52 = tpu.memref_slice %arg5[%arg0, %min3A_3] : memref<2x100000xf32, #tpu.memory_space<hbm>> -> memref<1x6256xf32, #tpu.memory_space<hbm>>
      %dma_wait3A_53 = tpu.memref_squeeze %dma_wait3A_52 : memref<1x6256xf32, #tpu.memory_space<hbm>> -> memref<6256xf32, #tpu.memory_space<hbm>>
      %dma_wait3A_54 = tpu.memref_slice %arg6[%min3A_3] : memref<100000xf32, #tpu.memory_space<vmem_shared>> -> memref<6256xf32, #tpu.memory_space<vmem_shared>>
      tpu.wait_dma2 semaphore(%run_scoped3A : memref<!tpu.dma_semaphore, #tpu.memory_space<semaphore_mem>>) src(%dma_wait3A_54 : memref<6256xf32, #tpu.memory_space<vmem_shared>>) dst(%dma_wait3A_53 : memref<6256xf32, #tpu.memory_space<hbm>>)
      tpu.yield
    }) : () -> ()
    return
  }
}

#map = affine_map<(d0, d1) -> (0, 0)>
#map1 = affine_map<(d0, d1) -> (0)>
module attributes {stable_mosaic.version = 14 : i64} {
  func.func @_agg4(%arg0: i32, %arg1: i32, %arg2: memref<2x3200000xi32, #tpu.memory_space<hbm>>, %arg3: memref<3200000xf32, #tpu.memory_space<hbm>>, %arg4: memref<100000xf32, #tpu.memory_space<hbm>>, %arg5: memref<100000xf32, #tpu.memory_space<hbm>>, %arg6: memref<100000xf32, #tpu.memory_space<hbm>>, %arg7: memref<100000xf32, #tpu.memory_space<hbm>>, %arg8: memref<8x100000xf32, #tpu.memory_space<hbm>>, %arg9: memref<100000xf32, #tpu.memory_space<vmem_shared>>, %arg10: memref<100000xf32, #tpu.memory_space<vmem>>, %arg11: memref<2000xi32, #tpu.memory_space<vmem>>, %arg12: memref<2000xi32, #tpu.memory_space<vmem>>, %arg13: memref<2000xi32, #tpu.memory_space<vmem>>, %arg14: memref<2000xi32, #tpu.memory_space<vmem>>, %arg15: memref<2000xf32, #tpu.memory_space<vmem>>, %arg16: memref<2000xf32, #tpu.memory_space<vmem>>, %arg17: memref<2000xi32, #tpu.memory_space<vmem>>, %arg18: memref<2000xi32, #tpu.memory_space<vmem>>, %arg19: memref<2000xf32, #tpu.memory_space<vmem>>, %arg20: memref<2000xf32, #tpu.memory_space<vmem>>, %arg21: memref<!tpu.dma_semaphore, #tpu.memory_space<semaphore_mem>>, %arg22: memref<!tpu.dma_semaphore, #tpu.memory_space<semaphore_mem>>) attributes {dimension_semantics = [#tpu.dimension_semantics<core_parallel>, #tpu.dimension_semantics<subcore_parallel>], iteration_bounds = array<i64: 2, 16>, scalar_prefetch = 0 : i64, scratch_operands = 14 : i64, tpu.core_type = #tpu.core_type<sc_vector_subcore>, window_params = [{transform_indices = #map}, {transform_indices = #map1}, {transform_indices = #map1}, {transform_indices = #map1}, {transform_indices = #map1}, {transform_indices = #map1}, {transform_indices = #map}]} {
    %mul3A = arith.constant 16 : i32
    %mul3A_0 = arith.muli %arg0, %mul3A : i32
    %add3A = arith.addi %mul3A_0, %arg1 : i32
    %mul3A_1 = arith.constant 6256 : i32
    %mul3A_2 = arith.muli %arg1, %mul3A_1 : i32
    %min3A = arith.constant 93744 : i32
    %min3A_3 = arith.minsi %mul3A_2, %min3A : i32
    %mul3A_4 = arith.constant 100000 : i32
    %mul3A_5 = arith.muli %add3A, %mul3A_4 : i32
    tpu.enqueue_dma source(%arg4 : memref<100000xf32, #tpu.memory_space<hbm>>) target(%arg10 : memref<100000xf32, #tpu.memory_space<vmem>>) target_semaphore(%arg21 : memref<!tpu.dma_semaphore, #tpu.memory_space<semaphore_mem>>)
    %broadcast_in_dim3A = arith.constant 0.000000e+00 : f32
    %broadcast_in_dim3A_6 = vector.broadcast %broadcast_in_dim3A : f32 to vector<16xf32>
    %scan3A = arith.constant 0 : i32
    %scan3A_7 = arith.constant 0 : i32
    %scan3A_8 = arith.constant 125 : i32
    %scan3A_9 = arith.addi %scan3A_7, %scan3A_8 : i32
    %scan3A_10 = arith.constant 1 : i32
    scf.for %scan3A_181 = %scan3A_7 to %scan3A_9 step %scan3A_10  : i32 {
      %mul3A_182 = arith.constant 16 : i32
      %mul3A_183 = arith.muli %scan3A_181, %mul3A_182 : i32
      %swap3A = arith.index_cast %mul3A_183 : i32 to index
      %swap3A_184 = tpu.vector_load %arg19[%swap3A] {strides = array<i32>} : memref<2000xf32, #tpu.memory_space<vmem>>, vector<16xf32>,
      tpu.vector_store %arg19[%swap3A], %broadcast_in_dim3A_6 {strides = array<i32>} : memref<2000xf32, #tpu.memory_space<vmem>>, vector<16xf32>,
    }
    %scan3A_11 = arith.constant 125 : i32
    %scan3A_12 = arith.constant 0 : i32
    %scan3A_13 = arith.constant 0 : i32
    %scan3A_14 = arith.constant 4 : i32
    %scan3A_15 = arith.addi %scan3A_13, %scan3A_14 : i32
    %scan3A_16 = arith.constant 1 : i32
    scf.for %scan3A_181 = %scan3A_13 to %scan3A_15 step %scan3A_16  : i32 {
      %mul3A_182 = arith.constant 2000 : i32
      %mul3A_183 = arith.muli %scan3A_181, %mul3A_182 : i32
      %add3A_184 = arith.addi %min3A_3, %mul3A_183 : i32
      %add3A_185 = arith.constant 6256 : i32
      %add3A_186 = arith.addi %min3A_3, %add3A_185 : i32
      %sub3A = arith.constant 2000 : i32
      %sub3A_187 = arith.subi %add3A_186, %sub3A : i32
      %min3A_188 = arith.minsi %add3A_184, %sub3A_187 : i32
      "tpu.region"() ({
        %run_scoped3A = tpu.sem_alloc : memref<!tpu.dma_semaphore, #tpu.memory_space<semaphore_mem>>
        %dma_start3A_189 = tpu.memref_slice %arg9[%min3A_188] : memref<100000xf32, #tpu.memory_space<vmem_shared>> -> memref<2000xf32, #tpu.memory_space<vmem_shared>>
        %dma_start3A_190 = tpu.memref_slice %arg9[%min3A_188] : memref<100000xf32, #tpu.memory_space<vmem_shared>> -> memref<2000xf32, #tpu.memory_space<vmem_shared>>
        tpu.enqueue_dma source(%arg19 : memref<2000xf32, #tpu.memory_space<vmem>>) target(%dma_start3A_190 : memref<2000xf32, #tpu.memory_space<vmem_shared>>) target_semaphore(%run_scoped3A : memref<!tpu.dma_semaphore, #tpu.memory_space<semaphore_mem>>)
        %dma_wait3A_191 = tpu.memref_slice %arg9[%min3A_188] : memref<100000xf32, #tpu.memory_space<vmem_shared>> -> memref<2000xf32, #tpu.memory_space<vmem_shared>>
        %dma_wait3A_192 = tpu.memref_slice %arg9[%min3A_188] : memref<100000xf32, #tpu.memory_space<vmem_shared>> -> memref<2000xf32, #tpu.memory_space<vmem_shared>>
        tpu.wait_dma2 semaphore(%run_scoped3A : memref<!tpu.dma_semaphore, #tpu.memory_space<semaphore_mem>>) src(%arg19 : memref<2000xf32, #tpu.memory_space<vmem>>) dst(%dma_wait3A_192 : memref<2000xf32, #tpu.memory_space<vmem_shared>>)
        tpu.yield
      }) : () -> ()
    }
    %scan3A_17 = arith.constant 4 : i32
    tpu.wait_dma2 semaphore(%arg21 : memref<!tpu.dma_semaphore, #tpu.memory_space<semaphore_mem>>) src(%arg4 : memref<100000xf32, #tpu.memory_space<hbm>>) dst(%arg10 : memref<100000xf32, #tpu.memory_space<vmem>>)
    %barrier3A = arith.constant 0 : index
    tpu.barrier barrier_id(%barrier3A)
    %add3A_18 = arith.constant 0 : i32
    %add3A_19 = arith.addi %mul3A_5, %add3A_18 : i32
    %dma_start3A = arith.constant 0 : i32
    %dma_start3A_20 = tpu.memref_slice %arg2[%dma_start3A, %add3A_19] : memref<2x3200000xi32, #tpu.memory_space<hbm>> -> memref<1x2000xi32, #tpu.memory_space<hbm>>
    %dma_start3A_21 = tpu.memref_squeeze %dma_start3A_20 : memref<1x2000xi32, #tpu.memory_space<hbm>> -> memref<2000xi32, #tpu.memory_space<hbm>>
    %dma_start3A_22 = tpu.memref_slice %arg2[%dma_start3A, %add3A_19] : memref<2x3200000xi32, #tpu.memory_space<hbm>> -> memref<1x2000xi32, #tpu.memory_space<hbm>>
    %dma_start3A_23 = tpu.memref_squeeze %dma_start3A_22 : memref<1x2000xi32, #tpu.memory_space<hbm>> -> memref<2000xi32, #tpu.memory_space<hbm>>
    tpu.enqueue_dma source(%dma_start3A_23 : memref<2000xi32, #tpu.memory_space<hbm>>) target(%arg11 : memref<2000xi32, #tpu.memory_space<vmem>>) target_semaphore(%arg21 : memref<!tpu.dma_semaphore, #tpu.memory_space<semaphore_mem>>)
    %dma_start3A_24 = arith.constant 1 : i32
    %dma_start3A_25 = tpu.memref_slice %arg2[%dma_start3A_24, %add3A_19] : memref<2x3200000xi32, #tpu.memory_space<hbm>> -> memref<1x2000xi32, #tpu.memory_space<hbm>>
    %dma_start3A_26 = tpu.memref_squeeze %dma_start3A_25 : memref<1x2000xi32, #tpu.memory_space<hbm>> -> memref<2000xi32, #tpu.memory_space<hbm>>
    %dma_start3A_27 = tpu.memref_slice %arg2[%dma_start3A_24, %add3A_19] : memref<2x3200000xi32, #tpu.memory_space<hbm>> -> memref<1x2000xi32, #tpu.memory_space<hbm>>
    %dma_start3A_28 = tpu.memref_squeeze %dma_start3A_27 : memref<1x2000xi32, #tpu.memory_space<hbm>> -> memref<2000xi32, #tpu.memory_space<hbm>>
    tpu.enqueue_dma source(%dma_start3A_28 : memref<2000xi32, #tpu.memory_space<hbm>>) target(%arg13 : memref<2000xi32, #tpu.memory_space<vmem>>) target_semaphore(%arg21 : memref<!tpu.dma_semaphore, #tpu.memory_space<semaphore_mem>>)
    %dma_start3A_29 = tpu.memref_slice %arg3[%add3A_19] : memref<3200000xf32, #tpu.memory_space<hbm>> -> memref<2000xf32, #tpu.memory_space<hbm>>
    %dma_start3A_30 = tpu.memref_slice %arg3[%add3A_19] : memref<3200000xf32, #tpu.memory_space<hbm>> -> memref<2000xf32, #tpu.memory_space<hbm>>
    tpu.enqueue_dma source(%dma_start3A_30 : memref<2000xf32, #tpu.memory_space<hbm>>) target(%arg15 : memref<2000xf32, #tpu.memory_space<vmem>>) target_semaphore(%arg21 : memref<!tpu.dma_semaphore, #tpu.memory_space<semaphore_mem>>)
    %scan3A_31 = arith.constant 0 : i32
    %scan3A_32 = arith.constant 0 : i32
    %scan3A_33 = arith.constant 25 : i32
    %scan3A_34 = arith.addi %scan3A_32, %scan3A_33 : i32
    %scan3A_35 = arith.constant 1 : i32
    scf.for %scan3A_181 = %scan3A_32 to %scan3A_34 step %scan3A_35  : i32 {
      %mul3A_182 = arith.constant 2 : i32
      %mul3A_183 = arith.muli %scan3A_181, %mul3A_182 : i32
      %add3A_184 = arith.constant 0 : i32
      %add3A_185 = arith.addi %mul3A_183, %add3A_184 : i32
      %lt3A = arith.constant 49 : i32
      %lt3A_186 = arith.cmpi slt, %add3A_185, %lt3A : i32
      %convert_element_type3A = arith.extui %lt3A_186 : i1 to i32
      %cond3A = arith.constant 0 : i32
      %cond3A_187 = arith.cmpi ne, %convert_element_type3A, %cond3A : i32
      scf.if %cond3A_187 {
        %add3A_258 = arith.constant 1 : i32
        %add3A_259 = arith.addi %add3A_185, %add3A_258 : i32
        %mul3A_260 = arith.constant 2000 : i32
        %mul3A_261 = arith.muli %add3A_259, %mul3A_260 : i32
        %add3A_262 = arith.addi %mul3A_5, %mul3A_261 : i32
        %dma_start3A_263 = arith.constant 0 : i32
        %dma_start3A_264 = tpu.memref_slice %arg2[%dma_start3A_263, %add3A_262] : memref<2x3200000xi32, #tpu.memory_space<hbm>> -> memref<1x2000xi32, #tpu.memory_space<hbm>>
        %dma_start3A_265 = tpu.memref_squeeze %dma_start3A_264 : memref<1x2000xi32, #tpu.memory_space<hbm>> -> memref<2000xi32, #tpu.memory_space<hbm>>
        %dma_start3A_266 = tpu.memref_slice %arg2[%dma_start3A_263, %add3A_262] : memref<2x3200000xi32, #tpu.memory_space<hbm>> -> memref<1x2000xi32, #tpu.memory_space<hbm>>
        %dma_start3A_267 = tpu.memref_squeeze %dma_start3A_266 : memref<1x2000xi32, #tpu.memory_space<hbm>> -> memref<2000xi32, #tpu.memory_space<hbm>>
        tpu.enqueue_dma source(%dma_start3A_267 : memref<2000xi32, #tpu.memory_space<hbm>>) target(%arg12 : memref<2000xi32, #tpu.memory_space<vmem>>) target_semaphore(%arg21 : memref<!tpu.dma_semaphore, #tpu.memory_space<semaphore_mem>>)
        %dma_start3A_268 = arith.constant 1 : i32
        %dma_start3A_269 = tpu.memref_slice %arg2[%dma_start3A_268, %add3A_262] : memref<2x3200000xi32, #tpu.memory_space<hbm>> -> memref<1x2000xi32, #tpu.memory_space<hbm>>
        %dma_start3A_270 = tpu.memref_squeeze %dma_start3A_269 : memref<1x2000xi32, #tpu.memory_space<hbm>> -> memref<2000xi32, #tpu.memory_space<hbm>>
        %dma_start3A_271 = tpu.memref_slice %arg2[%dma_start3A_268, %add3A_262] : memref<2x3200000xi32, #tpu.memory_space<hbm>> -> memref<1x2000xi32, #tpu.memory_space<hbm>>
        %dma_start3A_272 = tpu.memref_squeeze %dma_start3A_271 : memref<1x2000xi32, #tpu.memory_space<hbm>> -> memref<2000xi32, #tpu.memory_space<hbm>>
        tpu.enqueue_dma source(%dma_start3A_272 : memref<2000xi32, #tpu.memory_space<hbm>>) target(%arg14 : memref<2000xi32, #tpu.memory_space<vmem>>) target_semaphore(%arg21 : memref<!tpu.dma_semaphore, #tpu.memory_space<semaphore_mem>>)
        %dma_start3A_273 = tpu.memref_slice %arg3[%add3A_262] : memref<3200000xf32, #tpu.memory_space<hbm>> -> memref<2000xf32, #tpu.memory_space<hbm>>
        %dma_start3A_274 = tpu.memref_slice %arg3[%add3A_262] : memref<3200000xf32, #tpu.memory_space<hbm>> -> memref<2000xf32, #tpu.memory_space<hbm>>
        tpu.enqueue_dma source(%dma_start3A_274 : memref<2000xf32, #tpu.memory_space<hbm>>) target(%arg16 : memref<2000xf32, #tpu.memory_space<vmem>>) target_semaphore(%arg21 : memref<!tpu.dma_semaphore, #tpu.memory_space<semaphore_mem>>)
      } else {
      }
      %dma_wait3A_188 = arith.constant 0 : i32
      %dma_wait3A_189 = arith.constant 0 : i32
      %dma_wait3A_190 = tpu.memref_slice %arg2[%dma_wait3A_188, %dma_wait3A_189] : memref<2x3200000xi32, #tpu.memory_space<hbm>> -> memref<1x2000xi32, #tpu.memory_space<hbm>>
      %dma_wait3A_191 = tpu.memref_squeeze %dma_wait3A_190 : memref<1x2000xi32, #tpu.memory_space<hbm>> -> memref<2000xi32, #tpu.memory_space<hbm>>
      %dma_wait3A_192 = arith.constant 0 : i32
      %dma_wait3A_193 = tpu.memref_slice %arg2[%dma_wait3A_188, %dma_wait3A_192] : memref<2x3200000xi32, #tpu.memory_space<hbm>> -> memref<1x2000xi32, #tpu.memory_space<hbm>>
      %dma_wait3A_194 = tpu.memref_squeeze %dma_wait3A_193 : memref<1x2000xi32, #tpu.memory_space<hbm>> -> memref<2000xi32, #tpu.memory_space<hbm>>
      tpu.wait_dma2 semaphore(%arg21 : memref<!tpu.dma_semaphore, #tpu.memory_space<semaphore_mem>>) src(%dma_wait3A_194 : memref<2000xi32, #tpu.memory_space<hbm>>) dst(%arg11 : memref<2000xi32, #tpu.memory_space<vmem>>)
      %dma_wait3A_195 = arith.constant 1 : i32
      %dma_wait3A_196 = arith.constant 0 : i32
      %dma_wait3A_197 = tpu.memref_slice %arg2[%dma_wait3A_195, %dma_wait3A_196] : memref<2x3200000xi32, #tpu.memory_space<hbm>> -> memref<1x2000xi32, #tpu.memory_space<hbm>>
      %dma_wait3A_198 = tpu.memref_squeeze %dma_wait3A_197 : memref<1x2000xi32, #tpu.memory_space<hbm>> -> memref<2000xi32, #tpu.memory_space<hbm>>
      %dma_wait3A_199 = arith.constant 0 : i32
      %dma_wait3A_200 = tpu.memref_slice %arg2[%dma_wait3A_195, %dma_wait3A_199] : memref<2x3200000xi32, #tpu.memory_space<hbm>> -> memref<1x2000xi32, #tpu.memory_space<hbm>>
      %dma_wait3A_201 = tpu.memref_squeeze %dma_wait3A_200 : memref<1x2000xi32, #tpu.memory_space<hbm>> -> memref<2000xi32, #tpu.memory_space<hbm>>
      tpu.wait_dma2 semaphore(%arg21 : memref<!tpu.dma_semaphore, #tpu.memory_space<semaphore_mem>>) src(%dma_wait3A_201 : memref<2000xi32, #tpu.memory_space<hbm>>) dst(%arg13 : memref<2000xi32, #tpu.memory_space<vmem>>)
      %dma_wait3A_202 = arith.constant 0 : i32
      %dma_wait3A_203 = tpu.memref_slice %arg3[%dma_wait3A_202] : memref<3200000xf32, #tpu.memory_space<hbm>> -> memref<2000xf32, #tpu.memory_space<hbm>>
      %dma_wait3A_204 = arith.constant 0 : i32
      %dma_wait3A_205 = tpu.memref_slice %arg3[%dma_wait3A_204] : memref<3200000xf32, #tpu.memory_space<hbm>> -> memref<2000xf32, #tpu.memory_space<hbm>>
      tpu.wait_dma2 semaphore(%arg21 : memref<!tpu.dma_semaphore, #tpu.memory_space<semaphore_mem>>) src(%dma_wait3A_205 : memref<2000xf32, #tpu.memory_space<hbm>>) dst(%arg15 : memref<2000xf32, #tpu.memory_space<vmem>>)
      %ge3A = arith.constant 2 : i32
      %ge3A_206 = arith.cmpi sge, %add3A_185, %ge3A : i32
      %convert_element_type3A_207 = arith.extui %ge3A_206 : i1 to i32
      %cond3A_208 = arith.constant 0 : i32
      %cond3A_209 = arith.cmpi ne, %convert_element_type3A_207, %cond3A_208 : i32
      scf.if %cond3A_209 {
        %dma_wait3A_258 = arith.constant 0 : i32
        %dma_wait3A_259 = tpu.memref_slice %arg9[%dma_wait3A_258] : memref<100000xf32, #tpu.memory_space<vmem_shared>> -> memref<100000xf32, #tpu.memory_space<vmem_shared>>
        tpu.wait_indirect_dma semaphore(%arg22 : memref<!tpu.dma_semaphore, #tpu.memory_space<semaphore_mem>>) src(%arg19 : memref<2000xf32, #tpu.memory_space<vmem>>) dst(%dma_wait3A_259 : memref<100000xf32, #tpu.memory_space<vmem_shared>>)
      } else {
      }
      %scan3A_210 = arith.constant 0 : i32
      %scan3A_211 = arith.constant 0 : i32
      %scan3A_212 = arith.constant 125 : i32
      %scan3A_213 = arith.addi %scan3A_211, %scan3A_212 : i32
      %scan3A_214 = arith.constant 1 : i32
      scf.for %scan3A_258 = %scan3A_211 to %scan3A_213 step %scan3A_214  : i32 {
        %mul3A_259 = arith.constant 16 : i32
        %mul3A_260 = arith.muli %scan3A_258, %mul3A_259 : i32
        %get3A = arith.index_cast %mul3A_260 : i32 to index
        %get3A_261 = tpu.vector_load %arg11[%get3A] {strides = array<i32>} : memref<2000xi32, #tpu.memory_space<vmem>>, vector<16xi32>,
        %gather3A = tpu.vector_load_idx %arg10[%get3A_261] : memref<100000xf32, #tpu.memory_space<vmem>>[vector<16xi32>], vector<16xf32>,
        %get3A_262 = arith.index_cast %mul3A_260 : i32 to index
        %get3A_263 = tpu.vector_load %arg15[%get3A_262] {strides = array<i32>} : memref<2000xf32, #tpu.memory_space<vmem>>, vector<16xf32>,
        %mul3A_264 = arith.mulf %gather3A, %get3A_263 : vector<16xf32>
        %swap3A = arith.index_cast %mul3A_260 : i32 to index
        %swap3A_265 = tpu.vector_load %arg19[%swap3A] {strides = array<i32>} : memref<2000xf32, #tpu.memory_space<vmem>>, vector<16xf32>,
        tpu.vector_store %arg19[%swap3A], %mul3A_264 {strides = array<i32>} : memref<2000xf32, #tpu.memory_space<vmem>>, vector<16xf32>,
        %get3A_266 = arith.index_cast %mul3A_260 : i32 to index
        %get3A_267 = tpu.vector_load %arg13[%get3A_266] {strides = array<i32>} : memref<2000xi32, #tpu.memory_space<vmem>>, vector<16xi32>,
        %swap3A_268 = arith.index_cast %mul3A_260 : i32 to index
        %swap3A_269 = tpu.vector_load %arg17[%swap3A_268] {strides = array<i32>} : memref<2000xi32, #tpu.memory_space<vmem>>, vector<16xi32>,
        tpu.vector_store %arg17[%swap3A_268], %get3A_267 {strides = array<i32>} : memref<2000xi32, #tpu.memory_space<vmem>>, vector<16xi32>,
      }
      %scan3A_215 = arith.constant 125 : i32
      %dma_start3A_216 = arith.constant 0 : i32
      %dma_start3A_217 = tpu.memref_slice %arg9[%dma_start3A_216] : memref<100000xf32, #tpu.memory_space<vmem_shared>> -> memref<100000xf32, #tpu.memory_space<vmem_shared>>
      tpu.enqueue_indirect_dma source(%arg19 : memref<2000xf32, #tpu.memory_space<vmem>>) target(%dma_start3A_217 : memref<100000xf32, #tpu.memory_space<vmem_shared>>) offsets(%arg17 : memref<2000xi32, #tpu.memory_space<vmem>>) semaphore(%arg22 : memref<!tpu.dma_semaphore, #tpu.memory_space<semaphore_mem>>) {add = true}
      %mul3A_218 = arith.constant 2 : i32
      %mul3A_219 = arith.muli %scan3A_181, %mul3A_218 : i32
      %add3A_220 = arith.constant 1 : i32
      %add3A_221 = arith.addi %mul3A_219, %add3A_220 : i32
      %lt3A_222 = arith.constant 49 : i32
      %lt3A_223 = arith.cmpi slt, %add3A_221, %lt3A_222 : i32
      %convert_element_type3A_224 = arith.extui %lt3A_223 : i1 to i32
      %cond3A_225 = arith.constant 0 : i32
      %cond3A_226 = arith.cmpi ne, %convert_element_type3A_224, %cond3A_225 : i32
      scf.if %cond3A_226 {
        %add3A_258 = arith.constant 1 : i32
        %add3A_259 = arith.addi %add3A_221, %add3A_258 : i32
        %mul3A_260 = arith.constant 2000 : i32
        %mul3A_261 = arith.muli %add3A_259, %mul3A_260 : i32
        %add3A_262 = arith.addi %mul3A_5, %mul3A_261 : i32
        %dma_start3A_263 = arith.constant 0 : i32
        %dma_start3A_264 = tpu.memref_slice %arg2[%dma_start3A_263, %add3A_262] : memref<2x3200000xi32, #tpu.memory_space<hbm>> -> memref<1x2000xi32, #tpu.memory_space<hbm>>
        %dma_start3A_265 = tpu.memref_squeeze %dma_start3A_264 : memref<1x2000xi32, #tpu.memory_space<hbm>> -> memref<2000xi32, #tpu.memory_space<hbm>>
        %dma_start3A_266 = tpu.memref_slice %arg2[%dma_start3A_263, %add3A_262] : memref<2x3200000xi32, #tpu.memory_space<hbm>> -> memref<1x2000xi32, #tpu.memory_space<hbm>>
        %dma_start3A_267 = tpu.memref_squeeze %dma_start3A_266 : memref<1x2000xi32, #tpu.memory_space<hbm>> -> memref<2000xi32, #tpu.memory_space<hbm>>
        tpu.enqueue_dma source(%dma_start3A_267 : memref<2000xi32, #tpu.memory_space<hbm>>) target(%arg11 : memref<2000xi32, #tpu.memory_space<vmem>>) target_semaphore(%arg21 : memref<!tpu.dma_semaphore, #tpu.memory_space<semaphore_mem>>)
        %dma_start3A_268 = arith.constant 1 : i32
        %dma_start3A_269 = tpu.memref_slice %arg2[%dma_start3A_268, %add3A_262] : memref<2x3200000xi32, #tpu.memory_space<hbm>> -> memref<1x2000xi32, #tpu.memory_space<hbm>>
        %dma_start3A_270 = tpu.memref_squeeze %dma_start3A_269 : memref<1x2000xi32, #tpu.memory_space<hbm>> -> memref<2000xi32, #tpu.memory_space<hbm>>
        %dma_start3A_271 = tpu.memref_slice %arg2[%dma_start3A_268, %add3A_262] : memref<2x3200000xi32, #tpu.memory_space<hbm>> -> memref<1x2000xi32, #tpu.memory_space<hbm>>
        %dma_start3A_272 = tpu.memref_squeeze %dma_start3A_271 : memref<1x2000xi32, #tpu.memory_space<hbm>> -> memref<2000xi32, #tpu.memory_space<hbm>>
        tpu.enqueue_dma source(%dma_start3A_272 : memref<2000xi32, #tpu.memory_space<hbm>>) target(%arg13 : memref<2000xi32, #tpu.memory_space<vmem>>) target_semaphore(%arg21 : memref<!tpu.dma_semaphore, #tpu.memory_space<semaphore_mem>>)
        %dma_start3A_273 = tpu.memref_slice %arg3[%add3A_262] : memref<3200000xf32, #tpu.memory_space<hbm>> -> memref<2000xf32, #tpu.memory_space<hbm>>
        %dma_start3A_274 = tpu.memref_slice %arg3[%add3A_262] : memref<3200000xf32, #tpu.memory_space<hbm>> -> memref<2000xf32, #tpu.memory_space<hbm>>
        tpu.enqueue_dma source(%dma_start3A_274 : memref<2000xf32, #tpu.memory_space<hbm>>) target(%arg15 : memref<2000xf32, #tpu.memory_space<vmem>>) target_semaphore(%arg21 : memref<!tpu.dma_semaphore, #tpu.memory_space<semaphore_mem>>)
      } else {
      }
      %dma_wait3A_227 = arith.constant 0 : i32
      %dma_wait3A_228 = arith.constant 0 : i32
      %dma_wait3A_229 = tpu.memref_slice %arg2[%dma_wait3A_227, %dma_wait3A_228] : memref<2x3200000xi32, #tpu.memory_space<hbm>> -> memref<1x2000xi32, #tpu.memory_space<hbm>>
      %dma_wait3A_230 = tpu.memref_squeeze %dma_wait3A_229 : memref<1x2000xi32, #tpu.memory_space<hbm>> -> memref<2000xi32, #tpu.memory_space<hbm>>
      %dma_wait3A_231 = arith.constant 0 : i32
      %dma_wait3A_232 = tpu.memref_slice %arg2[%dma_wait3A_227, %dma_wait3A_231] : memref<2x3200000xi32, #tpu.memory_space<hbm>> -> memref<1x2000xi32, #tpu.memory_space<hbm>>
      %dma_wait3A_233 = tpu.memref_squeeze %dma_wait3A_232 : memref<1x2000xi32, #tpu.memory_space<hbm>> -> memref<2000xi32, #tpu.memory_space<hbm>>
      tpu.wait_dma2 semaphore(%arg21 : memref<!tpu.dma_semaphore, #tpu.memory_space<semaphore_mem>>) src(%dma_wait3A_233 : memref<2000xi32, #tpu.memory_space<hbm>>) dst(%arg12 : memref<2000xi32, #tpu.memory_space<vmem>>)
      %dma_wait3A_234 = arith.constant 1 : i32
      %dma_wait3A_235 = arith.constant 0 : i32
      %dma_wait3A_236 = tpu.memref_slice %arg2[%dma_wait3A_234, %dma_wait3A_235] : memref<2x3200000xi32, #tpu.memory_space<hbm>> -> memref<1x2000xi32, #tpu.memory_space<hbm>>
      %dma_wait3A_237 = tpu.memref_squeeze %dma_wait3A_236 : memref<1x2000xi32, #tpu.memory_space<hbm>> -> memref<2000xi32, #tpu.memory_space<hbm>>
      %dma_wait3A_238 = arith.constant 0 : i32
      %dma_wait3A_239 = tpu.memref_slice %arg2[%dma_wait3A_234, %dma_wait3A_238] : memref<2x3200000xi32, #tpu.memory_space<hbm>> -> memref<1x2000xi32, #tpu.memory_space<hbm>>
      %dma_wait3A_240 = tpu.memref_squeeze %dma_wait3A_239 : memref<1x2000xi32, #tpu.memory_space<hbm>> -> memref<2000xi32, #tpu.memory_space<hbm>>
      tpu.wait_dma2 semaphore(%arg21 : memref<!tpu.dma_semaphore, #tpu.memory_space<semaphore_mem>>) src(%dma_wait3A_240 : memref<2000xi32, #tpu.memory_space<hbm>>) dst(%arg14 : memref<2000xi32, #tpu.memory_space<vmem>>)
      %dma_wait3A_241 = arith.constant 0 : i32
      %dma_wait3A_242 = tpu.memref_slice %arg3[%dma_wait3A_241] : memref<3200000xf32, #tpu.memory_space<hbm>> -> memref<2000xf32, #tpu.memory_space<hbm>>
      %dma_wait3A_243 = arith.constant 0 : i32
      %dma_wait3A_244 = tpu.memref_slice %arg3[%dma_wait3A_243] : memref<3200000xf32, #tpu.memory_space<hbm>> -> memref<2000xf32, #tpu.memory_space<hbm>>
      tpu.wait_dma2 semaphore(%arg21 : memref<!tpu.dma_semaphore, #tpu.memory_space<semaphore_mem>>) src(%dma_wait3A_244 : memref<2000xf32, #tpu.memory_space<hbm>>) dst(%arg16 : memref<2000xf32, #tpu.memory_space<vmem>>)
      %ge3A_245 = arith.constant 2 : i32
      %ge3A_246 = arith.cmpi sge, %add3A_221, %ge3A_245 : i32
      %convert_element_type3A_247 = arith.extui %ge3A_246 : i1 to i32
      %cond3A_248 = arith.constant 0 : i32
      %cond3A_249 = arith.cmpi ne, %convert_element_type3A_247, %cond3A_248 : i32
      scf.if %cond3A_249 {
        %dma_wait3A_258 = arith.constant 0 : i32
        %dma_wait3A_259 = tpu.memref_slice %arg9[%dma_wait3A_258] : memref<100000xf32, #tpu.memory_space<vmem_shared>> -> memref<100000xf32, #tpu.memory_space<vmem_shared>>
        tpu.wait_indirect_dma semaphore(%arg22 : memref<!tpu.dma_semaphore, #tpu.memory_space<semaphore_mem>>) src(%arg20 : memref<2000xf32, #tpu.memory_space<vmem>>) dst(%dma_wait3A_259 : memref<100000xf32, #tpu.memory_space<vmem_shared>>)
      } else {
      }
      %scan3A_250 = arith.constant 0 : i32
      %scan3A_251 = arith.constant 0 : i32
      %scan3A_252 = arith.constant 125 : i32
      %scan3A_253 = arith.addi %scan3A_251, %scan3A_252 : i32
      %scan3A_254 = arith.constant 1 : i32
      scf.for %scan3A_258 = %scan3A_251 to %scan3A_253 step %scan3A_254  : i32 {
        %mul3A_259 = arith.constant 16 : i32
        %mul3A_260 = arith.muli %scan3A_258, %mul3A_259 : i32
        %get3A = arith.index_cast %mul3A_260 : i32 to index
        %get3A_261 = tpu.vector_load %arg12[%get3A] {strides = array<i32>} : memref<2000xi32, #tpu.memory_space<vmem>>, vector<16xi32>,
        %gather3A = tpu.vector_load_idx %arg10[%get3A_261] : memref<100000xf32, #tpu.memory_space<vmem>>[vector<16xi32>], vector<16xf32>,
        %get3A_262 = arith.index_cast %mul3A_260 : i32 to index
        %get3A_263 = tpu.vector_load %arg16[%get3A_262] {strides = array<i32>} : memref<2000xf32, #tpu.memory_space<vmem>>, vector<16xf32>,
        %mul3A_264 = arith.mulf %gather3A, %get3A_263 : vector<16xf32>
        %swap3A = arith.index_cast %mul3A_260 : i32 to index
        %swap3A_265 = tpu.vector_load %arg20[%swap3A] {strides = array<i32>} : memref<2000xf32, #tpu.memory_space<vmem>>, vector<16xf32>,
        tpu.vector_store %arg20[%swap3A], %mul3A_264 {strides = array<i32>} : memref<2000xf32, #tpu.memory_space<vmem>>, vector<16xf32>,
        %get3A_266 = arith.index_cast %mul3A_260 : i32 to index
        %get3A_267 = tpu.vector_load %arg14[%get3A_266] {strides = array<i32>} : memref<2000xi32, #tpu.memory_space<vmem>>, vector<16xi32>,
        %swap3A_268 = arith.index_cast %mul3A_260 : i32 to index
        %swap3A_269 = tpu.vector_load %arg18[%swap3A_268] {strides = array<i32>} : memref<2000xi32, #tpu.memory_space<vmem>>, vector<16xi32>,
        tpu.vector_store %arg18[%swap3A_268], %get3A_267 {strides = array<i32>} : memref<2000xi32, #tpu.memory_space<vmem>>, vector<16xi32>,
      }
      %scan3A_255 = arith.constant 125 : i32
      %dma_start3A_256 = arith.constant 0 : i32
      %dma_start3A_257 = tpu.memref_slice %arg9[%dma_start3A_256] : memref<100000xf32, #tpu.memory_space<vmem_shared>> -> memref<100000xf32, #tpu.memory_space<vmem_shared>>
      tpu.enqueue_indirect_dma source(%arg20 : memref<2000xf32, #tpu.memory_space<vmem>>) target(%dma_start3A_257 : memref<100000xf32, #tpu.memory_space<vmem_shared>>) offsets(%arg18 : memref<2000xi32, #tpu.memory_space<vmem>>) semaphore(%arg22 : memref<!tpu.dma_semaphore, #tpu.memory_space<semaphore_mem>>) {add = true}
    }
    %scan3A_36 = arith.constant 25 : i32
    %dma_wait3A = arith.constant 0 : i32
    %dma_wait3A_37 = tpu.memref_slice %arg9[%dma_wait3A] : memref<100000xf32, #tpu.memory_space<vmem_shared>> -> memref<100000xf32, #tpu.memory_space<vmem_shared>>
    tpu.wait_indirect_dma semaphore(%arg22 : memref<!tpu.dma_semaphore, #tpu.memory_space<semaphore_mem>>) src(%arg19 : memref<2000xf32, #tpu.memory_space<vmem>>) dst(%dma_wait3A_37 : memref<100000xf32, #tpu.memory_space<vmem_shared>>)
    %dma_wait3A_38 = arith.constant 0 : i32
    %dma_wait3A_39 = tpu.memref_slice %arg9[%dma_wait3A_38] : memref<100000xf32, #tpu.memory_space<vmem_shared>> -> memref<100000xf32, #tpu.memory_space<vmem_shared>>
    tpu.wait_indirect_dma semaphore(%arg22 : memref<!tpu.dma_semaphore, #tpu.memory_space<semaphore_mem>>) src(%arg20 : memref<2000xf32, #tpu.memory_space<vmem>>) dst(%dma_wait3A_39 : memref<100000xf32, #tpu.memory_space<vmem_shared>>)
    %barrier3A_40 = arith.constant 0 : index
    tpu.barrier barrier_id(%barrier3A_40)
    %mul3A_41 = arith.constant 4 : i32
    %mul3A_42 = arith.muli %arg0, %mul3A_41 : i32
    %add3A_43 = arith.constant 0 : i32
    %add3A_44 = arith.addi %mul3A_42, %add3A_43 : i32
    "tpu.region"() ({
      %run_scoped3A = tpu.sem_alloc : memref<!tpu.dma_semaphore, #tpu.memory_space<semaphore_mem>>
      %dma_start3A_181 = tpu.memref_slice %arg8[%add3A_44, %min3A_3] : memref<8x100000xf32, #tpu.memory_space<hbm>> -> memref<1x6256xf32, #tpu.memory_space<hbm>>
      %dma_start3A_182 = tpu.memref_squeeze %dma_start3A_181 : memref<1x6256xf32, #tpu.memory_space<hbm>> -> memref<6256xf32, #tpu.memory_space<hbm>>
      %dma_start3A_183 = tpu.memref_slice %arg9[%min3A_3] : memref<100000xf32, #tpu.memory_space<vmem_shared>> -> memref<6256xf32, #tpu.memory_space<vmem_shared>>
      tpu.enqueue_dma source(%dma_start3A_183 : memref<6256xf32, #tpu.memory_space<vmem_shared>>) target(%dma_start3A_182 : memref<6256xf32, #tpu.memory_space<hbm>>) target_semaphore(%run_scoped3A : memref<!tpu.dma_semaphore, #tpu.memory_space<semaphore_mem>>)
      %dma_wait3A_184 = tpu.memref_slice %arg8[%add3A_44, %min3A_3] : memref<8x100000xf32, #tpu.memory_space<hbm>> -> memref<1x6256xf32, #tpu.memory_space<hbm>>
      %dma_wait3A_185 = tpu.memref_squeeze %dma_wait3A_184 : memref<1x6256xf32, #tpu.memory_space<hbm>> -> memref<6256xf32, #tpu.memory_space<hbm>>
      %dma_wait3A_186 = tpu.memref_slice %arg9[%min3A_3] : memref<100000xf32, #tpu.memory_space<vmem_shared>> -> memref<6256xf32, #tpu.memory_space<vmem_shared>>
      tpu.wait_dma2 semaphore(%run_scoped3A : memref<!tpu.dma_semaphore, #tpu.memory_space<semaphore_mem>>) src(%dma_wait3A_186 : memref<6256xf32, #tpu.memory_space<vmem_shared>>) dst(%dma_wait3A_185 : memref<6256xf32, #tpu.memory_space<hbm>>)
      tpu.yield
    }) : () -> ()
    %barrier3A_45 = arith.constant 0 : index
    tpu.barrier barrier_id(%barrier3A_45)
    tpu.enqueue_dma source(%arg5 : memref<100000xf32, #tpu.memory_space<hbm>>) target(%arg10 : memref<100000xf32, #tpu.memory_space<vmem>>) target_semaphore(%arg21 : memref<!tpu.dma_semaphore, #tpu.memory_space<semaphore_mem>>)
    %broadcast_in_dim3A_46 = arith.constant 0.000000e+00 : f32
    %broadcast_in_dim3A_47 = vector.broadcast %broadcast_in_dim3A_46 : f32 to vector<16xf32>
    %scan3A_48 = arith.constant 0 : i32
    %scan3A_49 = arith.constant 0 : i32
    %scan3A_50 = arith.constant 125 : i32
    %scan3A_51 = arith.addi %scan3A_49, %scan3A_50 : i32
    %scan3A_52 = arith.constant 1 : i32
    scf.for %scan3A_181 = %scan3A_49 to %scan3A_51 step %scan3A_52  : i32 {
      %mul3A_182 = arith.constant 16 : i32
      %mul3A_183 = arith.muli %scan3A_181, %mul3A_182 : i32
      %swap3A = arith.index_cast %mul3A_183 : i32 to index
      %swap3A_184 = tpu.vector_load %arg19[%swap3A] {strides = array<i32>} : memref<2000xf32, #tpu.memory_space<vmem>>, vector<16xf32>,
      tpu.vector_store %arg19[%swap3A], %broadcast_in_dim3A_47 {strides = array<i32>} : memref<2000xf32, #tpu.memory_space<vmem>>, vector<16xf32>,
    }
    %scan3A_53 = arith.constant 125 : i32
    %scan3A_54 = arith.constant 0 : i32
    %scan3A_55 = arith.constant 0 : i32
    %scan3A_56 = arith.constant 4 : i32
    %scan3A_57 = arith.addi %scan3A_55, %scan3A_56 : i32
    %scan3A_58 = arith.constant 1 : i32
    scf.for %scan3A_181 = %scan3A_55 to %scan3A_57 step %scan3A_58  : i32 {
      %mul3A_182 = arith.constant 2000 : i32
      %mul3A_183 = arith.muli %scan3A_181, %mul3A_182 : i32
      %add3A_184 = arith.addi %min3A_3, %mul3A_183 : i32
      %add3A_185 = arith.constant 6256 : i32
      %add3A_186 = arith.addi %min3A_3, %add3A_185 : i32
      %sub3A = arith.constant 2000 : i32
      %sub3A_187 = arith.subi %add3A_186, %sub3A : i32
      %min3A_188 = arith.minsi %add3A_184, %sub3A_187 : i32
      "tpu.region"() ({
        %run_scoped3A = tpu.sem_alloc : memref<!tpu.dma_semaphore, #tpu.memory_space<semaphore_mem>>
        %dma_start3A_189 = tpu.memref_slice %arg9[%min3A_188] : memref<100000xf32, #tpu.memory_space<vmem_shared>> -> memref<2000xf32, #tpu.memory_space<vmem_shared>>
        %dma_start3A_190 = tpu.memref_slice %arg9[%min3A_188] : memref<100000xf32, #tpu.memory_space<vmem_shared>> -> memref<2000xf32, #tpu.memory_space<vmem_shared>>
        tpu.enqueue_dma source(%arg19 : memref<2000xf32, #tpu.memory_space<vmem>>) target(%dma_start3A_190 : memref<2000xf32, #tpu.memory_space<vmem_shared>>) target_semaphore(%run_scoped3A : memref<!tpu.dma_semaphore, #tpu.memory_space<semaphore_mem>>)
        %dma_wait3A_191 = tpu.memref_slice %arg9[%min3A_188] : memref<100000xf32, #tpu.memory_space<vmem_shared>> -> memref<2000xf32, #tpu.memory_space<vmem_shared>>
        %dma_wait3A_192 = tpu.memref_slice %arg9[%min3A_188] : memref<100000xf32, #tpu.memory_space<vmem_shared>> -> memref<2000xf32, #tpu.memory_space<vmem_shared>>
        tpu.wait_dma2 semaphore(%run_scoped3A : memref<!tpu.dma_semaphore, #tpu.memory_space<semaphore_mem>>) src(%arg19 : memref<2000xf32, #tpu.memory_space<vmem>>) dst(%dma_wait3A_192 : memref<2000xf32, #tpu.memory_space<vmem_shared>>)
        tpu.yield
      }) : () -> ()
    }
    %scan3A_59 = arith.constant 4 : i32
    tpu.wait_dma2 semaphore(%arg21 : memref<!tpu.dma_semaphore, #tpu.memory_space<semaphore_mem>>) src(%arg5 : memref<100000xf32, #tpu.memory_space<hbm>>) dst(%arg10 : memref<100000xf32, #tpu.memory_space<vmem>>)
    %barrier3A_60 = arith.constant 0 : index
    tpu.barrier barrier_id(%barrier3A_60)
    %add3A_61 = arith.constant 0 : i32
    %add3A_62 = arith.addi %mul3A_5, %add3A_61 : i32
    %dma_start3A_63 = arith.constant 0 : i32
    %dma_start3A_64 = tpu.memref_slice %arg2[%dma_start3A_63, %add3A_62] : memref<2x3200000xi32, #tpu.memory_space<hbm>> -> memref<1x2000xi32, #tpu.memory_space<hbm>>
    %dma_start3A_65 = tpu.memref_squeeze %dma_start3A_64 : memref<1x2000xi32, #tpu.memory_space<hbm>> -> memref<2000xi32, #tpu.memory_space<hbm>>
    %dma_start3A_66 = tpu.memref_slice %arg2[%dma_start3A_63, %add3A_62] : memref<2x3200000xi32, #tpu.memory_space<hbm>> -> memref<1x2000xi32, #tpu.memory_space<hbm>>
    %dma_start3A_67 = tpu.memref_squeeze %dma_start3A_66 : memref<1x2000xi32, #tpu.memory_space<hbm>> -> memref<2000xi32, #tpu.memory_space<hbm>>
    tpu.enqueue_dma source(%dma_start3A_67 : memref<2000xi32, #tpu.memory_space<hbm>>) target(%arg11 : memref<2000xi32, #tpu.memory_space<vmem>>) target_semaphore(%arg21 : memref<!tpu.dma_semaphore, #tpu.memory_space<semaphore_mem>>)
    %dma_start3A_68 = arith.constant 1 : i32
    %dma_start3A_69 = tpu.memref_slice %arg2[%dma_start3A_68, %add3A_62] : memref<2x3200000xi32, #tpu.memory_space<hbm>> -> memref<1x2000xi32, #tpu.memory_space<hbm>>
    %dma_start3A_70 = tpu.memref_squeeze %dma_start3A_69 : memref<1x2000xi32, #tpu.memory_space<hbm>> -> memref<2000xi32, #tpu.memory_space<hbm>>
    %dma_start3A_71 = tpu.memref_slice %arg2[%dma_start3A_68, %add3A_62] : memref<2x3200000xi32, #tpu.memory_space<hbm>> -> memref<1x2000xi32, #tpu.memory_space<hbm>>
    %dma_start3A_72 = tpu.memref_squeeze %dma_start3A_71 : memref<1x2000xi32, #tpu.memory_space<hbm>> -> memref<2000xi32, #tpu.memory_space<hbm>>
    tpu.enqueue_dma source(%dma_start3A_72 : memref<2000xi32, #tpu.memory_space<hbm>>) target(%arg13 : memref<2000xi32, #tpu.memory_space<vmem>>) target_semaphore(%arg21 : memref<!tpu.dma_semaphore, #tpu.memory_space<semaphore_mem>>)
    %dma_start3A_73 = tpu.memref_slice %arg3[%add3A_62] : memref<3200000xf32, #tpu.memory_space<hbm>> -> memref<2000xf32, #tpu.memory_space<hbm>>
    %dma_start3A_74 = tpu.memref_slice %arg3[%add3A_62] : memref<3200000xf32, #tpu.memory_space<hbm>> -> memref<2000xf32, #tpu.memory_space<hbm>>
    tpu.enqueue_dma source(%dma_start3A_74 : memref<2000xf32, #tpu.memory_space<hbm>>) target(%arg15 : memref<2000xf32, #tpu.memory_space<vmem>>) target_semaphore(%arg21 : memref<!tpu.dma_semaphore, #tpu.memory_space<semaphore_mem>>)
    %scan3A_75 = arith.constant 0 : i32
    %scan3A_76 = arith.constant 0 : i32
    %scan3A_77 = arith.constant 25 : i32
    %scan3A_78 = arith.addi %scan3A_76, %scan3A_77 : i32
    %scan3A_79 = arith.constant 1 : i32
    scf.for %scan3A_181 = %scan3A_76 to %scan3A_78 step %scan3A_79  : i32 {
      %mul3A_182 = arith.constant 2 : i32
      %mul3A_183 = arith.muli %scan3A_181, %mul3A_182 : i32
      %add3A_184 = arith.constant 0 : i32
      %add3A_185 = arith.addi %mul3A_183, %add3A_184 : i32
      %lt3A = arith.constant 49 : i32
      %lt3A_186 = arith.cmpi slt, %add3A_185, %lt3A : i32
      %convert_element_type3A = arith.extui %lt3A_186 : i1 to i32
      %cond3A = arith.constant 0 : i32
      %cond3A_187 = arith.cmpi ne, %convert_element_type3A, %cond3A : i32
      scf.if %cond3A_187 {
        %add3A_258 = arith.constant 1 : i32
        %add3A_259 = arith.addi %add3A_185, %add3A_258 : i32
        %mul3A_260 = arith.constant 2000 : i32
        %mul3A_261 = arith.muli %add3A_259, %mul3A_260 : i32
        %add3A_262 = arith.addi %mul3A_5, %mul3A_261 : i32
        %dma_start3A_263 = arith.constant 0 : i32
        %dma_start3A_264 = tpu.memref_slice %arg2[%dma_start3A_263, %add3A_262] : memref<2x3200000xi32, #tpu.memory_space<hbm>> -> memref<1x2000xi32, #tpu.memory_space<hbm>>
        %dma_start3A_265 = tpu.memref_squeeze %dma_start3A_264 : memref<1x2000xi32, #tpu.memory_space<hbm>> -> memref<2000xi32, #tpu.memory_space<hbm>>
        %dma_start3A_266 = tpu.memref_slice %arg2[%dma_start3A_263, %add3A_262] : memref<2x3200000xi32, #tpu.memory_space<hbm>> -> memref<1x2000xi32, #tpu.memory_space<hbm>>
        %dma_start3A_267 = tpu.memref_squeeze %dma_start3A_266 : memref<1x2000xi32, #tpu.memory_space<hbm>> -> memref<2000xi32, #tpu.memory_space<hbm>>
        tpu.enqueue_dma source(%dma_start3A_267 : memref<2000xi32, #tpu.memory_space<hbm>>) target(%arg12 : memref<2000xi32, #tpu.memory_space<vmem>>) target_semaphore(%arg21 : memref<!tpu.dma_semaphore, #tpu.memory_space<semaphore_mem>>)
        %dma_start3A_268 = arith.constant 1 : i32
        %dma_start3A_269 = tpu.memref_slice %arg2[%dma_start3A_268, %add3A_262] : memref<2x3200000xi32, #tpu.memory_space<hbm>> -> memref<1x2000xi32, #tpu.memory_space<hbm>>
        %dma_start3A_270 = tpu.memref_squeeze %dma_start3A_269 : memref<1x2000xi32, #tpu.memory_space<hbm>> -> memref<2000xi32, #tpu.memory_space<hbm>>
        %dma_start3A_271 = tpu.memref_slice %arg2[%dma_start3A_268, %add3A_262] : memref<2x3200000xi32, #tpu.memory_space<hbm>> -> memref<1x2000xi32, #tpu.memory_space<hbm>>
        %dma_start3A_272 = tpu.memref_squeeze %dma_start3A_271 : memref<1x2000xi32, #tpu.memory_space<hbm>> -> memref<2000xi32, #tpu.memory_space<hbm>>
        tpu.enqueue_dma source(%dma_start3A_272 : memref<2000xi32, #tpu.memory_space<hbm>>) target(%arg14 : memref<2000xi32, #tpu.memory_space<vmem>>) target_semaphore(%arg21 : memref<!tpu.dma_semaphore, #tpu.memory_space<semaphore_mem>>)
        %dma_start3A_273 = tpu.memref_slice %arg3[%add3A_262] : memref<3200000xf32, #tpu.memory_space<hbm>> -> memref<2000xf32, #tpu.memory_space<hbm>>
        %dma_start3A_274 = tpu.memref_slice %arg3[%add3A_262] : memref<3200000xf32, #tpu.memory_space<hbm>> -> memref<2000xf32, #tpu.memory_space<hbm>>
        tpu.enqueue_dma source(%dma_start3A_274 : memref<2000xf32, #tpu.memory_space<hbm>>) target(%arg16 : memref<2000xf32, #tpu.memory_space<vmem>>) target_semaphore(%arg21 : memref<!tpu.dma_semaphore, #tpu.memory_space<semaphore_mem>>)
      } else {
      }
      %dma_wait3A_188 = arith.constant 0 : i32
      %dma_wait3A_189 = arith.constant 0 : i32
      %dma_wait3A_190 = tpu.memref_slice %arg2[%dma_wait3A_188, %dma_wait3A_189] : memref<2x3200000xi32, #tpu.memory_space<hbm>> -> memref<1x2000xi32, #tpu.memory_space<hbm>>
      %dma_wait3A_191 = tpu.memref_squeeze %dma_wait3A_190 : memref<1x2000xi32, #tpu.memory_space<hbm>> -> memref<2000xi32, #tpu.memory_space<hbm>>
      %dma_wait3A_192 = arith.constant 0 : i32
      %dma_wait3A_193 = tpu.memref_slice %arg2[%dma_wait3A_188, %dma_wait3A_192] : memref<2x3200000xi32, #tpu.memory_space<hbm>> -> memref<1x2000xi32, #tpu.memory_space<hbm>>
      %dma_wait3A_194 = tpu.memref_squeeze %dma_wait3A_193 : memref<1x2000xi32, #tpu.memory_space<hbm>> -> memref<2000xi32, #tpu.memory_space<hbm>>
      tpu.wait_dma2 semaphore(%arg21 : memref<!tpu.dma_semaphore, #tpu.memory_space<semaphore_mem>>) src(%dma_wait3A_194 : memref<2000xi32, #tpu.memory_space<hbm>>) dst(%arg11 : memref<2000xi32, #tpu.memory_space<vmem>>)
      %dma_wait3A_195 = arith.constant 1 : i32
      %dma_wait3A_196 = arith.constant 0 : i32
      %dma_wait3A_197 = tpu.memref_slice %arg2[%dma_wait3A_195, %dma_wait3A_196] : memref<2x3200000xi32, #tpu.memory_space<hbm>> -> memref<1x2000xi32, #tpu.memory_space<hbm>>
      %dma_wait3A_198 = tpu.memref_squeeze %dma_wait3A_197 : memref<1x2000xi32, #tpu.memory_space<hbm>> -> memref<2000xi32, #tpu.memory_space<hbm>>
      %dma_wait3A_199 = arith.constant 0 : i32
      %dma_wait3A_200 = tpu.memref_slice %arg2[%dma_wait3A_195, %dma_wait3A_199] : memref<2x3200000xi32, #tpu.memory_space<hbm>> -> memref<1x2000xi32, #tpu.memory_space<hbm>>
      %dma_wait3A_201 = tpu.memref_squeeze %dma_wait3A_200 : memref<1x2000xi32, #tpu.memory_space<hbm>> -> memref<2000xi32, #tpu.memory_space<hbm>>
      tpu.wait_dma2 semaphore(%arg21 : memref<!tpu.dma_semaphore, #tpu.memory_space<semaphore_mem>>) src(%dma_wait3A_201 : memref<2000xi32, #tpu.memory_space<hbm>>) dst(%arg13 : memref<2000xi32, #tpu.memory_space<vmem>>)
      %dma_wait3A_202 = arith.constant 0 : i32
      %dma_wait3A_203 = tpu.memref_slice %arg3[%dma_wait3A_202] : memref<3200000xf32, #tpu.memory_space<hbm>> -> memref<2000xf32, #tpu.memory_space<hbm>>
      %dma_wait3A_204 = arith.constant 0 : i32
      %dma_wait3A_205 = tpu.memref_slice %arg3[%dma_wait3A_204] : memref<3200000xf32, #tpu.memory_space<hbm>> -> memref<2000xf32, #tpu.memory_space<hbm>>
      tpu.wait_dma2 semaphore(%arg21 : memref<!tpu.dma_semaphore, #tpu.memory_space<semaphore_mem>>) src(%dma_wait3A_205 : memref<2000xf32, #tpu.memory_space<hbm>>) dst(%arg15 : memref<2000xf32, #tpu.memory_space<vmem>>)
      %ge3A = arith.constant 2 : i32
      %ge3A_206 = arith.cmpi sge, %add3A_185, %ge3A : i32
      %convert_element_type3A_207 = arith.extui %ge3A_206 : i1 to i32
      %cond3A_208 = arith.constant 0 : i32
      %cond3A_209 = arith.cmpi ne, %convert_element_type3A_207, %cond3A_208 : i32
      scf.if %cond3A_209 {
        %dma_wait3A_258 = arith.constant 0 : i32
        %dma_wait3A_259 = tpu.memref_slice %arg9[%dma_wait3A_258] : memref<100000xf32, #tpu.memory_space<vmem_shared>> -> memref<100000xf32, #tpu.memory_space<vmem_shared>>
        tpu.wait_indirect_dma semaphore(%arg22 : memref<!tpu.dma_semaphore, #tpu.memory_space<semaphore_mem>>) src(%arg19 : memref<2000xf32, #tpu.memory_space<vmem>>) dst(%dma_wait3A_259 : memref<100000xf32, #tpu.memory_space<vmem_shared>>)
      } else {
      }
      %scan3A_210 = arith.constant 0 : i32
      %scan3A_211 = arith.constant 0 : i32
      %scan3A_212 = arith.constant 125 : i32
      %scan3A_213 = arith.addi %scan3A_211, %scan3A_212 : i32
      %scan3A_214 = arith.constant 1 : i32
      scf.for %scan3A_258 = %scan3A_211 to %scan3A_213 step %scan3A_214  : i32 {
        %mul3A_259 = arith.constant 16 : i32
        %mul3A_260 = arith.muli %scan3A_258, %mul3A_259 : i32
        %get3A = arith.index_cast %mul3A_260 : i32 to index
        %get3A_261 = tpu.vector_load %arg11[%get3A] {strides = array<i32>} : memref<2000xi32, #tpu.memory_space<vmem>>, vector<16xi32>,
        %gather3A = tpu.vector_load_idx %arg10[%get3A_261] : memref<100000xf32, #tpu.memory_space<vmem>>[vector<16xi32>], vector<16xf32>,
        %get3A_262 = arith.index_cast %mul3A_260 : i32 to index
        %get3A_263 = tpu.vector_load %arg15[%get3A_262] {strides = array<i32>} : memref<2000xf32, #tpu.memory_space<vmem>>, vector<16xf32>,
        %mul3A_264 = arith.mulf %gather3A, %get3A_263 : vector<16xf32>
        %swap3A = arith.index_cast %mul3A_260 : i32 to index
        %swap3A_265 = tpu.vector_load %arg19[%swap3A] {strides = array<i32>} : memref<2000xf32, #tpu.memory_space<vmem>>, vector<16xf32>,
        tpu.vector_store %arg19[%swap3A], %mul3A_264 {strides = array<i32>} : memref<2000xf32, #tpu.memory_space<vmem>>, vector<16xf32>,
        %get3A_266 = arith.index_cast %mul3A_260 : i32 to index
        %get3A_267 = tpu.vector_load %arg13[%get3A_266] {strides = array<i32>} : memref<2000xi32, #tpu.memory_space<vmem>>, vector<16xi32>,
        %swap3A_268 = arith.index_cast %mul3A_260 : i32 to index
        %swap3A_269 = tpu.vector_load %arg17[%swap3A_268] {strides = array<i32>} : memref<2000xi32, #tpu.memory_space<vmem>>, vector<16xi32>,
        tpu.vector_store %arg17[%swap3A_268], %get3A_267 {strides = array<i32>} : memref<2000xi32, #tpu.memory_space<vmem>>, vector<16xi32>,
      }
      %scan3A_215 = arith.constant 125 : i32
      %dma_start3A_216 = arith.constant 0 : i32
      %dma_start3A_217 = tpu.memref_slice %arg9[%dma_start3A_216] : memref<100000xf32, #tpu.memory_space<vmem_shared>> -> memref<100000xf32, #tpu.memory_space<vmem_shared>>
      tpu.enqueue_indirect_dma source(%arg19 : memref<2000xf32, #tpu.memory_space<vmem>>) target(%dma_start3A_217 : memref<100000xf32, #tpu.memory_space<vmem_shared>>) offsets(%arg17 : memref<2000xi32, #tpu.memory_space<vmem>>) semaphore(%arg22 : memref<!tpu.dma_semaphore, #tpu.memory_space<semaphore_mem>>) {add = true}
      %mul3A_218 = arith.constant 2 : i32
      %mul3A_219 = arith.muli %scan3A_181, %mul3A_218 : i32
      %add3A_220 = arith.constant 1 : i32
      %add3A_221 = arith.addi %mul3A_219, %add3A_220 : i32
      %lt3A_222 = arith.constant 49 : i32
      %lt3A_223 = arith.cmpi slt, %add3A_221, %lt3A_222 : i32
      %convert_element_type3A_224 = arith.extui %lt3A_223 : i1 to i32
      %cond3A_225 = arith.constant 0 : i32
      %cond3A_226 = arith.cmpi ne, %convert_element_type3A_224, %cond3A_225 : i32
      scf.if %cond3A_226 {
        %add3A_258 = arith.constant 1 : i32
        %add3A_259 = arith.addi %add3A_221, %add3A_258 : i32
        %mul3A_260 = arith.constant 2000 : i32
        %mul3A_261 = arith.muli %add3A_259, %mul3A_260 : i32
        %add3A_262 = arith.addi %mul3A_5, %mul3A_261 : i32
        %dma_start3A_263 = arith.constant 0 : i32
        %dma_start3A_264 = tpu.memref_slice %arg2[%dma_start3A_263, %add3A_262] : memref<2x3200000xi32, #tpu.memory_space<hbm>> -> memref<1x2000xi32, #tpu.memory_space<hbm>>
        %dma_start3A_265 = tpu.memref_squeeze %dma_start3A_264 : memref<1x2000xi32, #tpu.memory_space<hbm>> -> memref<2000xi32, #tpu.memory_space<hbm>>
        %dma_start3A_266 = tpu.memref_slice %arg2[%dma_start3A_263, %add3A_262] : memref<2x3200000xi32, #tpu.memory_space<hbm>> -> memref<1x2000xi32, #tpu.memory_space<hbm>>
        %dma_start3A_267 = tpu.memref_squeeze %dma_start3A_266 : memref<1x2000xi32, #tpu.memory_space<hbm>> -> memref<2000xi32, #tpu.memory_space<hbm>>
        tpu.enqueue_dma source(%dma_start3A_267 : memref<2000xi32, #tpu.memory_space<hbm>>) target(%arg11 : memref<2000xi32, #tpu.memory_space<vmem>>) target_semaphore(%arg21 : memref<!tpu.dma_semaphore, #tpu.memory_space<semaphore_mem>>)
        %dma_start3A_268 = arith.constant 1 : i32
        %dma_start3A_269 = tpu.memref_slice %arg2[%dma_start3A_268, %add3A_262] : memref<2x3200000xi32, #tpu.memory_space<hbm>> -> memref<1x2000xi32, #tpu.memory_space<hbm>>
        %dma_start3A_270 = tpu.memref_squeeze %dma_start3A_269 : memref<1x2000xi32, #tpu.memory_space<hbm>> -> memref<2000xi32, #tpu.memory_space<hbm>>
        %dma_start3A_271 = tpu.memref_slice %arg2[%dma_start3A_268, %add3A_262] : memref<2x3200000xi32, #tpu.memory_space<hbm>> -> memref<1x2000xi32, #tpu.memory_space<hbm>>
        %dma_start3A_272 = tpu.memref_squeeze %dma_start3A_271 : memref<1x2000xi32, #tpu.memory_space<hbm>> -> memref<2000xi32, #tpu.memory_space<hbm>>
        tpu.enqueue_dma source(%dma_start3A_272 : memref<2000xi32, #tpu.memory_space<hbm>>) target(%arg13 : memref<2000xi32, #tpu.memory_space<vmem>>) target_semaphore(%arg21 : memref<!tpu.dma_semaphore, #tpu.memory_space<semaphore_mem>>)
        %dma_start3A_273 = tpu.memref_slice %arg3[%add3A_262] : memref<3200000xf32, #tpu.memory_space<hbm>> -> memref<2000xf32, #tpu.memory_space<hbm>>
        %dma_start3A_274 = tpu.memref_slice %arg3[%add3A_262] : memref<3200000xf32, #tpu.memory_space<hbm>> -> memref<2000xf32, #tpu.memory_space<hbm>>
        tpu.enqueue_dma source(%dma_start3A_274 : memref<2000xf32, #tpu.memory_space<hbm>>) target(%arg15 : memref<2000xf32, #tpu.memory_space<vmem>>) target_semaphore(%arg21 : memref<!tpu.dma_semaphore, #tpu.memory_space<semaphore_mem>>)
      } else {
      }
      %dma_wait3A_227 = arith.constant 0 : i32
      %dma_wait3A_228 = arith.constant 0 : i32
      %dma_wait3A_229 = tpu.memref_slice %arg2[%dma_wait3A_227, %dma_wait3A_228] : memref<2x3200000xi32, #tpu.memory_space<hbm>> -> memref<1x2000xi32, #tpu.memory_space<hbm>>
      %dma_wait3A_230 = tpu.memref_squeeze %dma_wait3A_229 : memref<1x2000xi32, #tpu.memory_space<hbm>> -> memref<2000xi32, #tpu.memory_space<hbm>>
      %dma_wait3A_231 = arith.constant 0 : i32
      %dma_wait3A_232 = tpu.memref_slice %arg2[%dma_wait3A_227, %dma_wait3A_231] : memref<2x3200000xi32, #tpu.memory_space<hbm>> -> memref<1x2000xi32, #tpu.memory_space<hbm>>
      %dma_wait3A_233 = tpu.memref_squeeze %dma_wait3A_232 : memref<1x2000xi32, #tpu.memory_space<hbm>> -> memref<2000xi32, #tpu.memory_space<hbm>>
      tpu.wait_dma2 semaphore(%arg21 : memref<!tpu.dma_semaphore, #tpu.memory_space<semaphore_mem>>) src(%dma_wait3A_233 : memref<2000xi32, #tpu.memory_space<hbm>>) dst(%arg12 : memref<2000xi32, #tpu.memory_space<vmem>>)
      %dma_wait3A_234 = arith.constant 1 : i32
      %dma_wait3A_235 = arith.constant 0 : i32
      %dma_wait3A_236 = tpu.memref_slice %arg2[%dma_wait3A_234, %dma_wait3A_235] : memref<2x3200000xi32, #tpu.memory_space<hbm>> -> memref<1x2000xi32, #tpu.memory_space<hbm>>
      %dma_wait3A_237 = tpu.memref_squeeze %dma_wait3A_236 : memref<1x2000xi32, #tpu.memory_space<hbm>> -> memref<2000xi32, #tpu.memory_space<hbm>>
      %dma_wait3A_238 = arith.constant 0 : i32
      %dma_wait3A_239 = tpu.memref_slice %arg2[%dma_wait3A_234, %dma_wait3A_238] : memref<2x3200000xi32, #tpu.memory_space<hbm>> -> memref<1x2000xi32, #tpu.memory_space<hbm>>
      %dma_wait3A_240 = tpu.memref_squeeze %dma_wait3A_239 : memref<1x2000xi32, #tpu.memory_space<hbm>> -> memref<2000xi32, #tpu.memory_space<hbm>>
      tpu.wait_dma2 semaphore(%arg21 : memref<!tpu.dma_semaphore, #tpu.memory_space<semaphore_mem>>) src(%dma_wait3A_240 : memref<2000xi32, #tpu.memory_space<hbm>>) dst(%arg14 : memref<2000xi32, #tpu.memory_space<vmem>>)
      %dma_wait3A_241 = arith.constant 0 : i32
      %dma_wait3A_242 = tpu.memref_slice %arg3[%dma_wait3A_241] : memref<3200000xf32, #tpu.memory_space<hbm>> -> memref<2000xf32, #tpu.memory_space<hbm>>
      %dma_wait3A_243 = arith.constant 0 : i32
      %dma_wait3A_244 = tpu.memref_slice %arg3[%dma_wait3A_243] : memref<3200000xf32, #tpu.memory_space<hbm>> -> memref<2000xf32, #tpu.memory_space<hbm>>
      tpu.wait_dma2 semaphore(%arg21 : memref<!tpu.dma_semaphore, #tpu.memory_space<semaphore_mem>>) src(%dma_wait3A_244 : memref<2000xf32, #tpu.memory_space<hbm>>) dst(%arg16 : memref<2000xf32, #tpu.memory_space<vmem>>)
      %ge3A_245 = arith.constant 2 : i32
      %ge3A_246 = arith.cmpi sge, %add3A_221, %ge3A_245 : i32
      %convert_element_type3A_247 = arith.extui %ge3A_246 : i1 to i32
      %cond3A_248 = arith.constant 0 : i32
      %cond3A_249 = arith.cmpi ne, %convert_element_type3A_247, %cond3A_248 : i32
      scf.if %cond3A_249 {
        %dma_wait3A_258 = arith.constant 0 : i32
        %dma_wait3A_259 = tpu.memref_slice %arg9[%dma_wait3A_258] : memref<100000xf32, #tpu.memory_space<vmem_shared>> -> memref<100000xf32, #tpu.memory_space<vmem_shared>>
        tpu.wait_indirect_dma semaphore(%arg22 : memref<!tpu.dma_semaphore, #tpu.memory_space<semaphore_mem>>) src(%arg20 : memref<2000xf32, #tpu.memory_space<vmem>>) dst(%dma_wait3A_259 : memref<100000xf32, #tpu.memory_space<vmem_shared>>)
      } else {
      }
      %scan3A_250 = arith.constant 0 : i32
      %scan3A_251 = arith.constant 0 : i32
      %scan3A_252 = arith.constant 125 : i32
      %scan3A_253 = arith.addi %scan3A_251, %scan3A_252 : i32
      %scan3A_254 = arith.constant 1 : i32
      scf.for %scan3A_258 = %scan3A_251 to %scan3A_253 step %scan3A_254  : i32 {
        %mul3A_259 = arith.constant 16 : i32
        %mul3A_260 = arith.muli %scan3A_258, %mul3A_259 : i32
        %get3A = arith.index_cast %mul3A_260 : i32 to index
        %get3A_261 = tpu.vector_load %arg12[%get3A] {strides = array<i32>} : memref<2000xi32, #tpu.memory_space<vmem>>, vector<16xi32>,
        %gather3A = tpu.vector_load_idx %arg10[%get3A_261] : memref<100000xf32, #tpu.memory_space<vmem>>[vector<16xi32>], vector<16xf32>,
        %get3A_262 = arith.index_cast %mul3A_260 : i32 to index
        %get3A_263 = tpu.vector_load %arg16[%get3A_262] {strides = array<i32>} : memref<2000xf32, #tpu.memory_space<vmem>>, vector<16xf32>,
        %mul3A_264 = arith.mulf %gather3A, %get3A_263 : vector<16xf32>
        %swap3A = arith.index_cast %mul3A_260 : i32 to index
        %swap3A_265 = tpu.vector_load %arg20[%swap3A] {strides = array<i32>} : memref<2000xf32, #tpu.memory_space<vmem>>, vector<16xf32>,
        tpu.vector_store %arg20[%swap3A], %mul3A_264 {strides = array<i32>} : memref<2000xf32, #tpu.memory_space<vmem>>, vector<16xf32>,
        %get3A_266 = arith.index_cast %mul3A_260 : i32 to index
        %get3A_267 = tpu.vector_load %arg14[%get3A_266] {strides = array<i32>} : memref<2000xi32, #tpu.memory_space<vmem>>, vector<16xi32>,
        %swap3A_268 = arith.index_cast %mul3A_260 : i32 to index
        %swap3A_269 = tpu.vector_load %arg18[%swap3A_268] {strides = array<i32>} : memref<2000xi32, #tpu.memory_space<vmem>>, vector<16xi32>,
        tpu.vector_store %arg18[%swap3A_268], %get3A_267 {strides = array<i32>} : memref<2000xi32, #tpu.memory_space<vmem>>, vector<16xi32>,
      }
      %scan3A_255 = arith.constant 125 : i32
      %dma_start3A_256 = arith.constant 0 : i32
      %dma_start3A_257 = tpu.memref_slice %arg9[%dma_start3A_256] : memref<100000xf32, #tpu.memory_space<vmem_shared>> -> memref<100000xf32, #tpu.memory_space<vmem_shared>>
      tpu.enqueue_indirect_dma source(%arg20 : memref<2000xf32, #tpu.memory_space<vmem>>) target(%dma_start3A_257 : memref<100000xf32, #tpu.memory_space<vmem_shared>>) offsets(%arg18 : memref<2000xi32, #tpu.memory_space<vmem>>) semaphore(%arg22 : memref<!tpu.dma_semaphore, #tpu.memory_space<semaphore_mem>>) {add = true}
    }
    %scan3A_80 = arith.constant 25 : i32
    %dma_wait3A_81 = arith.constant 0 : i32
    %dma_wait3A_82 = tpu.memref_slice %arg9[%dma_wait3A_81] : memref<100000xf32, #tpu.memory_space<vmem_shared>> -> memref<100000xf32, #tpu.memory_space<vmem_shared>>
    tpu.wait_indirect_dma semaphore(%arg22 : memref<!tpu.dma_semaphore, #tpu.memory_space<semaphore_mem>>) src(%arg19 : memref<2000xf32, #tpu.memory_space<vmem>>) dst(%dma_wait3A_82 : memref<100000xf32, #tpu.memory_space<vmem_shared>>)
    %dma_wait3A_83 = arith.constant 0 : i32
    %dma_wait3A_84 = tpu.memref_slice %arg9[%dma_wait3A_83] : memref<100000xf32, #tpu.memory_space<vmem_shared>> -> memref<100000xf32, #tpu.memory_space<vmem_shared>>
    tpu.wait_indirect_dma semaphore(%arg22 : memref<!tpu.dma_semaphore, #tpu.memory_space<semaphore_mem>>) src(%arg20 : memref<2000xf32, #tpu.memory_space<vmem>>) dst(%dma_wait3A_84 : memref<100000xf32, #tpu.memory_space<vmem_shared>>)
    %barrier3A_85 = arith.constant 0 : index
    tpu.barrier barrier_id(%barrier3A_85)
    %mul3A_86 = arith.constant 4 : i32
    %mul3A_87 = arith.muli %arg0, %mul3A_86 : i32
    %add3A_88 = arith.constant 1 : i32
    %add3A_89 = arith.addi %mul3A_87, %add3A_88 : i32
    "tpu.region"() ({
      %run_scoped3A = tpu.sem_alloc : memref<!tpu.dma_semaphore, #tpu.memory_space<semaphore_mem>>
      %dma_start3A_181 = tpu.memref_slice %arg8[%add3A_89, %min3A_3] : memref<8x100000xf32, #tpu.memory_space<hbm>> -> memref<1x6256xf32, #tpu.memory_space<hbm>>
      %dma_start3A_182 = tpu.memref_squeeze %dma_start3A_181 : memref<1x6256xf32, #tpu.memory_space<hbm>> -> memref<6256xf32, #tpu.memory_space<hbm>>
      %dma_start3A_183 = tpu.memref_slice %arg9[%min3A_3] : memref<100000xf32, #tpu.memory_space<vmem_shared>> -> memref<6256xf32, #tpu.memory_space<vmem_shared>>
      tpu.enqueue_dma source(%dma_start3A_183 : memref<6256xf32, #tpu.memory_space<vmem_shared>>) target(%dma_start3A_182 : memref<6256xf32, #tpu.memory_space<hbm>>) target_semaphore(%run_scoped3A : memref<!tpu.dma_semaphore, #tpu.memory_space<semaphore_mem>>)
      %dma_wait3A_184 = tpu.memref_slice %arg8[%add3A_89, %min3A_3] : memref<8x100000xf32, #tpu.memory_space<hbm>> -> memref<1x6256xf32, #tpu.memory_space<hbm>>
      %dma_wait3A_185 = tpu.memref_squeeze %dma_wait3A_184 : memref<1x6256xf32, #tpu.memory_space<hbm>> -> memref<6256xf32, #tpu.memory_space<hbm>>
      %dma_wait3A_186 = tpu.memref_slice %arg9[%min3A_3] : memref<100000xf32, #tpu.memory_space<vmem_shared>> -> memref<6256xf32, #tpu.memory_space<vmem_shared>>
      tpu.wait_dma2 semaphore(%run_scoped3A : memref<!tpu.dma_semaphore, #tpu.memory_space<semaphore_mem>>) src(%dma_wait3A_186 : memref<6256xf32, #tpu.memory_space<vmem_shared>>) dst(%dma_wait3A_185 : memref<6256xf32, #tpu.memory_space<hbm>>)
      tpu.yield
    }) : () -> ()
    %barrier3A_90 = arith.constant 0 : index
    tpu.barrier barrier_id(%barrier3A_90)
    tpu.enqueue_dma source(%arg6 : memref<100000xf32, #tpu.memory_space<hbm>>) target(%arg10 : memref<100000xf32, #tpu.memory_space<vmem>>) target_semaphore(%arg21 : memref<!tpu.dma_semaphore, #tpu.memory_space<semaphore_mem>>)
    %broadcast_in_dim3A_91 = arith.constant 0.000000e+00 : f32
    %broadcast_in_dim3A_92 = vector.broadcast %broadcast_in_dim3A_91 : f32 to vector<16xf32>
    %scan3A_93 = arith.constant 0 : i32
    %scan3A_94 = arith.constant 0 : i32
    %scan3A_95 = arith.constant 125 : i32
    %scan3A_96 = arith.addi %scan3A_94, %scan3A_95 : i32
    %scan3A_97 = arith.constant 1 : i32
    scf.for %scan3A_181 = %scan3A_94 to %scan3A_96 step %scan3A_97  : i32 {
      %mul3A_182 = arith.constant 16 : i32
      %mul3A_183 = arith.muli %scan3A_181, %mul3A_182 : i32
      %swap3A = arith.index_cast %mul3A_183 : i32 to index
      %swap3A_184 = tpu.vector_load %arg19[%swap3A] {strides = array<i32>} : memref<2000xf32, #tpu.memory_space<vmem>>, vector<16xf32>,
      tpu.vector_store %arg19[%swap3A], %broadcast_in_dim3A_92 {strides = array<i32>} : memref<2000xf32, #tpu.memory_space<vmem>>, vector<16xf32>,
    }
    %scan3A_98 = arith.constant 125 : i32
    %scan3A_99 = arith.constant 0 : i32
    %scan3A_100 = arith.constant 0 : i32
    %scan3A_101 = arith.constant 4 : i32
    %scan3A_102 = arith.addi %scan3A_100, %scan3A_101 : i32
    %scan3A_103 = arith.constant 1 : i32
    scf.for %scan3A_181 = %scan3A_100 to %scan3A_102 step %scan3A_103  : i32 {
      %mul3A_182 = arith.constant 2000 : i32
      %mul3A_183 = arith.muli %scan3A_181, %mul3A_182 : i32
      %add3A_184 = arith.addi %min3A_3, %mul3A_183 : i32
      %add3A_185 = arith.constant 6256 : i32
      %add3A_186 = arith.addi %min3A_3, %add3A_185 : i32
      %sub3A = arith.constant 2000 : i32
      %sub3A_187 = arith.subi %add3A_186, %sub3A : i32
      %min3A_188 = arith.minsi %add3A_184, %sub3A_187 : i32
      "tpu.region"() ({
        %run_scoped3A = tpu.sem_alloc : memref<!tpu.dma_semaphore, #tpu.memory_space<semaphore_mem>>
        %dma_start3A_189 = tpu.memref_slice %arg9[%min3A_188] : memref<100000xf32, #tpu.memory_space<vmem_shared>> -> memref<2000xf32, #tpu.memory_space<vmem_shared>>
        %dma_start3A_190 = tpu.memref_slice %arg9[%min3A_188] : memref<100000xf32, #tpu.memory_space<vmem_shared>> -> memref<2000xf32, #tpu.memory_space<vmem_shared>>
        tpu.enqueue_dma source(%arg19 : memref<2000xf32, #tpu.memory_space<vmem>>) target(%dma_start3A_190 : memref<2000xf32, #tpu.memory_space<vmem_shared>>) target_semaphore(%run_scoped3A : memref<!tpu.dma_semaphore, #tpu.memory_space<semaphore_mem>>)
        %dma_wait3A_191 = tpu.memref_slice %arg9[%min3A_188] : memref<100000xf32, #tpu.memory_space<vmem_shared>> -> memref<2000xf32, #tpu.memory_space<vmem_shared>>
        %dma_wait3A_192 = tpu.memref_slice %arg9[%min3A_188] : memref<100000xf32, #tpu.memory_space<vmem_shared>> -> memref<2000xf32, #tpu.memory_space<vmem_shared>>
        tpu.wait_dma2 semaphore(%run_scoped3A : memref<!tpu.dma_semaphore, #tpu.memory_space<semaphore_mem>>) src(%arg19 : memref<2000xf32, #tpu.memory_space<vmem>>) dst(%dma_wait3A_192 : memref<2000xf32, #tpu.memory_space<vmem_shared>>)
        tpu.yield
      }) : () -> ()
    }
    %scan3A_104 = arith.constant 4 : i32
    tpu.wait_dma2 semaphore(%arg21 : memref<!tpu.dma_semaphore, #tpu.memory_space<semaphore_mem>>) src(%arg6 : memref<100000xf32, #tpu.memory_space<hbm>>) dst(%arg10 : memref<100000xf32, #tpu.memory_space<vmem>>)
    %barrier3A_105 = arith.constant 0 : index
    tpu.barrier barrier_id(%barrier3A_105)
    %add3A_106 = arith.constant 0 : i32
    %add3A_107 = arith.addi %mul3A_5, %add3A_106 : i32
    %dma_start3A_108 = arith.constant 0 : i32
    %dma_start3A_109 = tpu.memref_slice %arg2[%dma_start3A_108, %add3A_107] : memref<2x3200000xi32, #tpu.memory_space<hbm>> -> memref<1x2000xi32, #tpu.memory_space<hbm>>
    %dma_start3A_110 = tpu.memref_squeeze %dma_start3A_109 : memref<1x2000xi32, #tpu.memory_space<hbm>> -> memref<2000xi32, #tpu.memory_space<hbm>>
    %dma_start3A_111 = tpu.memref_slice %arg2[%dma_start3A_108, %add3A_107] : memref<2x3200000xi32, #tpu.memory_space<hbm>> -> memref<1x2000xi32, #tpu.memory_space<hbm>>
    %dma_start3A_112 = tpu.memref_squeeze %dma_start3A_111 : memref<1x2000xi32, #tpu.memory_space<hbm>> -> memref<2000xi32, #tpu.memory_space<hbm>>
    tpu.enqueue_dma source(%dma_start3A_112 : memref<2000xi32, #tpu.memory_space<hbm>>) target(%arg11 : memref<2000xi32, #tpu.memory_space<vmem>>) target_semaphore(%arg21 : memref<!tpu.dma_semaphore, #tpu.memory_space<semaphore_mem>>)
    %dma_start3A_113 = arith.constant 1 : i32
    %dma_start3A_114 = tpu.memref_slice %arg2[%dma_start3A_113, %add3A_107] : memref<2x3200000xi32, #tpu.memory_space<hbm>> -> memref<1x2000xi32, #tpu.memory_space<hbm>>
    %dma_start3A_115 = tpu.memref_squeeze %dma_start3A_114 : memref<1x2000xi32, #tpu.memory_space<hbm>> -> memref<2000xi32, #tpu.memory_space<hbm>>
    %dma_start3A_116 = tpu.memref_slice %arg2[%dma_start3A_113, %add3A_107] : memref<2x3200000xi32, #tpu.memory_space<hbm>> -> memref<1x2000xi32, #tpu.memory_space<hbm>>
    %dma_start3A_117 = tpu.memref_squeeze %dma_start3A_116 : memref<1x2000xi32, #tpu.memory_space<hbm>> -> memref<2000xi32, #tpu.memory_space<hbm>>
    tpu.enqueue_dma source(%dma_start3A_117 : memref<2000xi32, #tpu.memory_space<hbm>>) target(%arg13 : memref<2000xi32, #tpu.memory_space<vmem>>) target_semaphore(%arg21 : memref<!tpu.dma_semaphore, #tpu.memory_space<semaphore_mem>>)
    %dma_start3A_118 = tpu.memref_slice %arg3[%add3A_107] : memref<3200000xf32, #tpu.memory_space<hbm>> -> memref<2000xf32, #tpu.memory_space<hbm>>
    %dma_start3A_119 = tpu.memref_slice %arg3[%add3A_107] : memref<3200000xf32, #tpu.memory_space<hbm>> -> memref<2000xf32, #tpu.memory_space<hbm>>
    tpu.enqueue_dma source(%dma_start3A_119 : memref<2000xf32, #tpu.memory_space<hbm>>) target(%arg15 : memref<2000xf32, #tpu.memory_space<vmem>>) target_semaphore(%arg21 : memref<!tpu.dma_semaphore, #tpu.memory_space<semaphore_mem>>)
    %scan3A_120 = arith.constant 0 : i32
    %scan3A_121 = arith.constant 0 : i32
    %scan3A_122 = arith.constant 25 : i32
    %scan3A_123 = arith.addi %scan3A_121, %scan3A_122 : i32
    %scan3A_124 = arith.constant 1 : i32
    scf.for %scan3A_181 = %scan3A_121 to %scan3A_123 step %scan3A_124  : i32 {
      %mul3A_182 = arith.constant 2 : i32
      %mul3A_183 = arith.muli %scan3A_181, %mul3A_182 : i32
      %add3A_184 = arith.constant 0 : i32
      %add3A_185 = arith.addi %mul3A_183, %add3A_184 : i32
      %lt3A = arith.constant 49 : i32
      %lt3A_186 = arith.cmpi slt, %add3A_185, %lt3A : i32
      %convert_element_type3A = arith.extui %lt3A_186 : i1 to i32
      %cond3A = arith.constant 0 : i32
      %cond3A_187 = arith.cmpi ne, %convert_element_type3A, %cond3A : i32
      scf.if %cond3A_187 {
        %add3A_258 = arith.constant 1 : i32
        %add3A_259 = arith.addi %add3A_185, %add3A_258 : i32
        %mul3A_260 = arith.constant 2000 : i32
        %mul3A_261 = arith.muli %add3A_259, %mul3A_260 : i32
        %add3A_262 = arith.addi %mul3A_5, %mul3A_261 : i32
        %dma_start3A_263 = arith.constant 0 : i32
        %dma_start3A_264 = tpu.memref_slice %arg2[%dma_start3A_263, %add3A_262] : memref<2x3200000xi32, #tpu.memory_space<hbm>> -> memref<1x2000xi32, #tpu.memory_space<hbm>>
        %dma_start3A_265 = tpu.memref_squeeze %dma_start3A_264 : memref<1x2000xi32, #tpu.memory_space<hbm>> -> memref<2000xi32, #tpu.memory_space<hbm>>
        %dma_start3A_266 = tpu.memref_slice %arg2[%dma_start3A_263, %add3A_262] : memref<2x3200000xi32, #tpu.memory_space<hbm>> -> memref<1x2000xi32, #tpu.memory_space<hbm>>
        %dma_start3A_267 = tpu.memref_squeeze %dma_start3A_266 : memref<1x2000xi32, #tpu.memory_space<hbm>> -> memref<2000xi32, #tpu.memory_space<hbm>>
        tpu.enqueue_dma source(%dma_start3A_267 : memref<2000xi32, #tpu.memory_space<hbm>>) target(%arg12 : memref<2000xi32, #tpu.memory_space<vmem>>) target_semaphore(%arg21 : memref<!tpu.dma_semaphore, #tpu.memory_space<semaphore_mem>>)
        %dma_start3A_268 = arith.constant 1 : i32
        %dma_start3A_269 = tpu.memref_slice %arg2[%dma_start3A_268, %add3A_262] : memref<2x3200000xi32, #tpu.memory_space<hbm>> -> memref<1x2000xi32, #tpu.memory_space<hbm>>
        %dma_start3A_270 = tpu.memref_squeeze %dma_start3A_269 : memref<1x2000xi32, #tpu.memory_space<hbm>> -> memref<2000xi32, #tpu.memory_space<hbm>>
        %dma_start3A_271 = tpu.memref_slice %arg2[%dma_start3A_268, %add3A_262] : memref<2x3200000xi32, #tpu.memory_space<hbm>> -> memref<1x2000xi32, #tpu.memory_space<hbm>>
        %dma_start3A_272 = tpu.memref_squeeze %dma_start3A_271 : memref<1x2000xi32, #tpu.memory_space<hbm>> -> memref<2000xi32, #tpu.memory_space<hbm>>
        tpu.enqueue_dma source(%dma_start3A_272 : memref<2000xi32, #tpu.memory_space<hbm>>) target(%arg14 : memref<2000xi32, #tpu.memory_space<vmem>>) target_semaphore(%arg21 : memref<!tpu.dma_semaphore, #tpu.memory_space<semaphore_mem>>)
        %dma_start3A_273 = tpu.memref_slice %arg3[%add3A_262] : memref<3200000xf32, #tpu.memory_space<hbm>> -> memref<2000xf32, #tpu.memory_space<hbm>>
        %dma_start3A_274 = tpu.memref_slice %arg3[%add3A_262] : memref<3200000xf32, #tpu.memory_space<hbm>> -> memref<2000xf32, #tpu.memory_space<hbm>>
        tpu.enqueue_dma source(%dma_start3A_274 : memref<2000xf32, #tpu.memory_space<hbm>>) target(%arg16 : memref<2000xf32, #tpu.memory_space<vmem>>) target_semaphore(%arg21 : memref<!tpu.dma_semaphore, #tpu.memory_space<semaphore_mem>>)
      } else {
      }
      %dma_wait3A_188 = arith.constant 0 : i32
      %dma_wait3A_189 = arith.constant 0 : i32
      %dma_wait3A_190 = tpu.memref_slice %arg2[%dma_wait3A_188, %dma_wait3A_189] : memref<2x3200000xi32, #tpu.memory_space<hbm>> -> memref<1x2000xi32, #tpu.memory_space<hbm>>
      %dma_wait3A_191 = tpu.memref_squeeze %dma_wait3A_190 : memref<1x2000xi32, #tpu.memory_space<hbm>> -> memref<2000xi32, #tpu.memory_space<hbm>>
      %dma_wait3A_192 = arith.constant 0 : i32
      %dma_wait3A_193 = tpu.memref_slice %arg2[%dma_wait3A_188, %dma_wait3A_192] : memref<2x3200000xi32, #tpu.memory_space<hbm>> -> memref<1x2000xi32, #tpu.memory_space<hbm>>
      %dma_wait3A_194 = tpu.memref_squeeze %dma_wait3A_193 : memref<1x2000xi32, #tpu.memory_space<hbm>> -> memref<2000xi32, #tpu.memory_space<hbm>>
      tpu.wait_dma2 semaphore(%arg21 : memref<!tpu.dma_semaphore, #tpu.memory_space<semaphore_mem>>) src(%dma_wait3A_194 : memref<2000xi32, #tpu.memory_space<hbm>>) dst(%arg11 : memref<2000xi32, #tpu.memory_space<vmem>>)
      %dma_wait3A_195 = arith.constant 1 : i32
      %dma_wait3A_196 = arith.constant 0 : i32
      %dma_wait3A_197 = tpu.memref_slice %arg2[%dma_wait3A_195, %dma_wait3A_196] : memref<2x3200000xi32, #tpu.memory_space<hbm>> -> memref<1x2000xi32, #tpu.memory_space<hbm>>
      %dma_wait3A_198 = tpu.memref_squeeze %dma_wait3A_197 : memref<1x2000xi32, #tpu.memory_space<hbm>> -> memref<2000xi32, #tpu.memory_space<hbm>>
      %dma_wait3A_199 = arith.constant 0 : i32
      %dma_wait3A_200 = tpu.memref_slice %arg2[%dma_wait3A_195, %dma_wait3A_199] : memref<2x3200000xi32, #tpu.memory_space<hbm>> -> memref<1x2000xi32, #tpu.memory_space<hbm>>
      %dma_wait3A_201 = tpu.memref_squeeze %dma_wait3A_200 : memref<1x2000xi32, #tpu.memory_space<hbm>> -> memref<2000xi32, #tpu.memory_space<hbm>>
      tpu.wait_dma2 semaphore(%arg21 : memref<!tpu.dma_semaphore, #tpu.memory_space<semaphore_mem>>) src(%dma_wait3A_201 : memref<2000xi32, #tpu.memory_space<hbm>>) dst(%arg13 : memref<2000xi32, #tpu.memory_space<vmem>>)
      %dma_wait3A_202 = arith.constant 0 : i32
      %dma_wait3A_203 = tpu.memref_slice %arg3[%dma_wait3A_202] : memref<3200000xf32, #tpu.memory_space<hbm>> -> memref<2000xf32, #tpu.memory_space<hbm>>
      %dma_wait3A_204 = arith.constant 0 : i32
      %dma_wait3A_205 = tpu.memref_slice %arg3[%dma_wait3A_204] : memref<3200000xf32, #tpu.memory_space<hbm>> -> memref<2000xf32, #tpu.memory_space<hbm>>
      tpu.wait_dma2 semaphore(%arg21 : memref<!tpu.dma_semaphore, #tpu.memory_space<semaphore_mem>>) src(%dma_wait3A_205 : memref<2000xf32, #tpu.memory_space<hbm>>) dst(%arg15 : memref<2000xf32, #tpu.memory_space<vmem>>)
      %ge3A = arith.constant 2 : i32
      %ge3A_206 = arith.cmpi sge, %add3A_185, %ge3A : i32
      %convert_element_type3A_207 = arith.extui %ge3A_206 : i1 to i32
      %cond3A_208 = arith.constant 0 : i32
      %cond3A_209 = arith.cmpi ne, %convert_element_type3A_207, %cond3A_208 : i32
      scf.if %cond3A_209 {
        %dma_wait3A_258 = arith.constant 0 : i32
        %dma_wait3A_259 = tpu.memref_slice %arg9[%dma_wait3A_258] : memref<100000xf32, #tpu.memory_space<vmem_shared>> -> memref<100000xf32, #tpu.memory_space<vmem_shared>>
        tpu.wait_indirect_dma semaphore(%arg22 : memref<!tpu.dma_semaphore, #tpu.memory_space<semaphore_mem>>) src(%arg19 : memref<2000xf32, #tpu.memory_space<vmem>>) dst(%dma_wait3A_259 : memref<100000xf32, #tpu.memory_space<vmem_shared>>)
      } else {
      }
      %scan3A_210 = arith.constant 0 : i32
      %scan3A_211 = arith.constant 0 : i32
      %scan3A_212 = arith.constant 125 : i32
      %scan3A_213 = arith.addi %scan3A_211, %scan3A_212 : i32
      %scan3A_214 = arith.constant 1 : i32
      scf.for %scan3A_258 = %scan3A_211 to %scan3A_213 step %scan3A_214  : i32 {
        %mul3A_259 = arith.constant 16 : i32
        %mul3A_260 = arith.muli %scan3A_258, %mul3A_259 : i32
        %get3A = arith.index_cast %mul3A_260 : i32 to index
        %get3A_261 = tpu.vector_load %arg11[%get3A] {strides = array<i32>} : memref<2000xi32, #tpu.memory_space<vmem>>, vector<16xi32>,
        %gather3A = tpu.vector_load_idx %arg10[%get3A_261] : memref<100000xf32, #tpu.memory_space<vmem>>[vector<16xi32>], vector<16xf32>,
        %get3A_262 = arith.index_cast %mul3A_260 : i32 to index
        %get3A_263 = tpu.vector_load %arg15[%get3A_262] {strides = array<i32>} : memref<2000xf32, #tpu.memory_space<vmem>>, vector<16xf32>,
        %mul3A_264 = arith.mulf %gather3A, %get3A_263 : vector<16xf32>
        %swap3A = arith.index_cast %mul3A_260 : i32 to index
        %swap3A_265 = tpu.vector_load %arg19[%swap3A] {strides = array<i32>} : memref<2000xf32, #tpu.memory_space<vmem>>, vector<16xf32>,
        tpu.vector_store %arg19[%swap3A], %mul3A_264 {strides = array<i32>} : memref<2000xf32, #tpu.memory_space<vmem>>, vector<16xf32>,
        %get3A_266 = arith.index_cast %mul3A_260 : i32 to index
        %get3A_267 = tpu.vector_load %arg13[%get3A_266] {strides = array<i32>} : memref<2000xi32, #tpu.memory_space<vmem>>, vector<16xi32>,
        %swap3A_268 = arith.index_cast %mul3A_260 : i32 to index
        %swap3A_269 = tpu.vector_load %arg17[%swap3A_268] {strides = array<i32>} : memref<2000xi32, #tpu.memory_space<vmem>>, vector<16xi32>,
        tpu.vector_store %arg17[%swap3A_268], %get3A_267 {strides = array<i32>} : memref<2000xi32, #tpu.memory_space<vmem>>, vector<16xi32>,
      }
      %scan3A_215 = arith.constant 125 : i32
      %dma_start3A_216 = arith.constant 0 : i32
      %dma_start3A_217 = tpu.memref_slice %arg9[%dma_start3A_216] : memref<100000xf32, #tpu.memory_space<vmem_shared>> -> memref<100000xf32, #tpu.memory_space<vmem_shared>>
      tpu.enqueue_indirect_dma source(%arg19 : memref<2000xf32, #tpu.memory_space<vmem>>) target(%dma_start3A_217 : memref<100000xf32, #tpu.memory_space<vmem_shared>>) offsets(%arg17 : memref<2000xi32, #tpu.memory_space<vmem>>) semaphore(%arg22 : memref<!tpu.dma_semaphore, #tpu.memory_space<semaphore_mem>>) {add = true}
      %mul3A_218 = arith.constant 2 : i32
      %mul3A_219 = arith.muli %scan3A_181, %mul3A_218 : i32
      %add3A_220 = arith.constant 1 : i32
      %add3A_221 = arith.addi %mul3A_219, %add3A_220 : i32
      %lt3A_222 = arith.constant 49 : i32
      %lt3A_223 = arith.cmpi slt, %add3A_221, %lt3A_222 : i32
      %convert_element_type3A_224 = arith.extui %lt3A_223 : i1 to i32
      %cond3A_225 = arith.constant 0 : i32
      %cond3A_226 = arith.cmpi ne, %convert_element_type3A_224, %cond3A_225 : i32
      scf.if %cond3A_226 {
        %add3A_258 = arith.constant 1 : i32
        %add3A_259 = arith.addi %add3A_221, %add3A_258 : i32
        %mul3A_260 = arith.constant 2000 : i32
        %mul3A_261 = arith.muli %add3A_259, %mul3A_260 : i32
        %add3A_262 = arith.addi %mul3A_5, %mul3A_261 : i32
        %dma_start3A_263 = arith.constant 0 : i32
        %dma_start3A_264 = tpu.memref_slice %arg2[%dma_start3A_263, %add3A_262] : memref<2x3200000xi32, #tpu.memory_space<hbm>> -> memref<1x2000xi32, #tpu.memory_space<hbm>>
        %dma_start3A_265 = tpu.memref_squeeze %dma_start3A_264 : memref<1x2000xi32, #tpu.memory_space<hbm>> -> memref<2000xi32, #tpu.memory_space<hbm>>
        %dma_start3A_266 = tpu.memref_slice %arg2[%dma_start3A_263, %add3A_262] : memref<2x3200000xi32, #tpu.memory_space<hbm>> -> memref<1x2000xi32, #tpu.memory_space<hbm>>
        %dma_start3A_267 = tpu.memref_squeeze %dma_start3A_266 : memref<1x2000xi32, #tpu.memory_space<hbm>> -> memref<2000xi32, #tpu.memory_space<hbm>>
        tpu.enqueue_dma source(%dma_start3A_267 : memref<2000xi32, #tpu.memory_space<hbm>>) target(%arg11 : memref<2000xi32, #tpu.memory_space<vmem>>) target_semaphore(%arg21 : memref<!tpu.dma_semaphore, #tpu.memory_space<semaphore_mem>>)
        %dma_start3A_268 = arith.constant 1 : i32
        %dma_start3A_269 = tpu.memref_slice %arg2[%dma_start3A_268, %add3A_262] : memref<2x3200000xi32, #tpu.memory_space<hbm>> -> memref<1x2000xi32, #tpu.memory_space<hbm>>
        %dma_start3A_270 = tpu.memref_squeeze %dma_start3A_269 : memref<1x2000xi32, #tpu.memory_space<hbm>> -> memref<2000xi32, #tpu.memory_space<hbm>>
        %dma_start3A_271 = tpu.memref_slice %arg2[%dma_start3A_268, %add3A_262] : memref<2x3200000xi32, #tpu.memory_space<hbm>> -> memref<1x2000xi32, #tpu.memory_space<hbm>>
        %dma_start3A_272 = tpu.memref_squeeze %dma_start3A_271 : memref<1x2000xi32, #tpu.memory_space<hbm>> -> memref<2000xi32, #tpu.memory_space<hbm>>
        tpu.enqueue_dma source(%dma_start3A_272 : memref<2000xi32, #tpu.memory_space<hbm>>) target(%arg13 : memref<2000xi32, #tpu.memory_space<vmem>>) target_semaphore(%arg21 : memref<!tpu.dma_semaphore, #tpu.memory_space<semaphore_mem>>)
        %dma_start3A_273 = tpu.memref_slice %arg3[%add3A_262] : memref<3200000xf32, #tpu.memory_space<hbm>> -> memref<2000xf32, #tpu.memory_space<hbm>>
        %dma_start3A_274 = tpu.memref_slice %arg3[%add3A_262] : memref<3200000xf32, #tpu.memory_space<hbm>> -> memref<2000xf32, #tpu.memory_space<hbm>>
        tpu.enqueue_dma source(%dma_start3A_274 : memref<2000xf32, #tpu.memory_space<hbm>>) target(%arg15 : memref<2000xf32, #tpu.memory_space<vmem>>) target_semaphore(%arg21 : memref<!tpu.dma_semaphore, #tpu.memory_space<semaphore_mem>>)
      } else {
      }
      %dma_wait3A_227 = arith.constant 0 : i32
      %dma_wait3A_228 = arith.constant 0 : i32
      %dma_wait3A_229 = tpu.memref_slice %arg2[%dma_wait3A_227, %dma_wait3A_228] : memref<2x3200000xi32, #tpu.memory_space<hbm>> -> memref<1x2000xi32, #tpu.memory_space<hbm>>
      %dma_wait3A_230 = tpu.memref_squeeze %dma_wait3A_229 : memref<1x2000xi32, #tpu.memory_space<hbm>> -> memref<2000xi32, #tpu.memory_space<hbm>>
      %dma_wait3A_231 = arith.constant 0 : i32
      %dma_wait3A_232 = tpu.memref_slice %arg2[%dma_wait3A_227, %dma_wait3A_231] : memref<2x3200000xi32, #tpu.memory_space<hbm>> -> memref<1x2000xi32, #tpu.memory_space<hbm>>
      %dma_wait3A_233 = tpu.memref_squeeze %dma_wait3A_232 : memref<1x2000xi32, #tpu.memory_space<hbm>> -> memref<2000xi32, #tpu.memory_space<hbm>>
      tpu.wait_dma2 semaphore(%arg21 : memref<!tpu.dma_semaphore, #tpu.memory_space<semaphore_mem>>) src(%dma_wait3A_233 : memref<2000xi32, #tpu.memory_space<hbm>>) dst(%arg12 : memref<2000xi32, #tpu.memory_space<vmem>>)
      %dma_wait3A_234 = arith.constant 1 : i32
      %dma_wait3A_235 = arith.constant 0 : i32
      %dma_wait3A_236 = tpu.memref_slice %arg2[%dma_wait3A_234, %dma_wait3A_235] : memref<2x3200000xi32, #tpu.memory_space<hbm>> -> memref<1x2000xi32, #tpu.memory_space<hbm>>
      %dma_wait3A_237 = tpu.memref_squeeze %dma_wait3A_236 : memref<1x2000xi32, #tpu.memory_space<hbm>> -> memref<2000xi32, #tpu.memory_space<hbm>>
      %dma_wait3A_238 = arith.constant 0 : i32
      %dma_wait3A_239 = tpu.memref_slice %arg2[%dma_wait3A_234, %dma_wait3A_238] : memref<2x3200000xi32, #tpu.memory_space<hbm>> -> memref<1x2000xi32, #tpu.memory_space<hbm>>
      %dma_wait3A_240 = tpu.memref_squeeze %dma_wait3A_239 : memref<1x2000xi32, #tpu.memory_space<hbm>> -> memref<2000xi32, #tpu.memory_space<hbm>>
      tpu.wait_dma2 semaphore(%arg21 : memref<!tpu.dma_semaphore, #tpu.memory_space<semaphore_mem>>) src(%dma_wait3A_240 : memref<2000xi32, #tpu.memory_space<hbm>>) dst(%arg14 : memref<2000xi32, #tpu.memory_space<vmem>>)
      %dma_wait3A_241 = arith.constant 0 : i32
      %dma_wait3A_242 = tpu.memref_slice %arg3[%dma_wait3A_241] : memref<3200000xf32, #tpu.memory_space<hbm>> -> memref<2000xf32, #tpu.memory_space<hbm>>
      %dma_wait3A_243 = arith.constant 0 : i32
      %dma_wait3A_244 = tpu.memref_slice %arg3[%dma_wait3A_243] : memref<3200000xf32, #tpu.memory_space<hbm>> -> memref<2000xf32, #tpu.memory_space<hbm>>
      tpu.wait_dma2 semaphore(%arg21 : memref<!tpu.dma_semaphore, #tpu.memory_space<semaphore_mem>>) src(%dma_wait3A_244 : memref<2000xf32, #tpu.memory_space<hbm>>) dst(%arg16 : memref<2000xf32, #tpu.memory_space<vmem>>)
      %ge3A_245 = arith.constant 2 : i32
      %ge3A_246 = arith.cmpi sge, %add3A_221, %ge3A_245 : i32
      %convert_element_type3A_247 = arith.extui %ge3A_246 : i1 to i32
      %cond3A_248 = arith.constant 0 : i32
      %cond3A_249 = arith.cmpi ne, %convert_element_type3A_247, %cond3A_248 : i32
      scf.if %cond3A_249 {
        %dma_wait3A_258 = arith.constant 0 : i32
        %dma_wait3A_259 = tpu.memref_slice %arg9[%dma_wait3A_258] : memref<100000xf32, #tpu.memory_space<vmem_shared>> -> memref<100000xf32, #tpu.memory_space<vmem_shared>>
        tpu.wait_indirect_dma semaphore(%arg22 : memref<!tpu.dma_semaphore, #tpu.memory_space<semaphore_mem>>) src(%arg20 : memref<2000xf32, #tpu.memory_space<vmem>>) dst(%dma_wait3A_259 : memref<100000xf32, #tpu.memory_space<vmem_shared>>)
      } else {
      }
      %scan3A_250 = arith.constant 0 : i32
      %scan3A_251 = arith.constant 0 : i32
      %scan3A_252 = arith.constant 125 : i32
      %scan3A_253 = arith.addi %scan3A_251, %scan3A_252 : i32
      %scan3A_254 = arith.constant 1 : i32
      scf.for %scan3A_258 = %scan3A_251 to %scan3A_253 step %scan3A_254  : i32 {
        %mul3A_259 = arith.constant 16 : i32
        %mul3A_260 = arith.muli %scan3A_258, %mul3A_259 : i32
        %get3A = arith.index_cast %mul3A_260 : i32 to index
        %get3A_261 = tpu.vector_load %arg12[%get3A] {strides = array<i32>} : memref<2000xi32, #tpu.memory_space<vmem>>, vector<16xi32>,
        %gather3A = tpu.vector_load_idx %arg10[%get3A_261] : memref<100000xf32, #tpu.memory_space<vmem>>[vector<16xi32>], vector<16xf32>,
        %get3A_262 = arith.index_cast %mul3A_260 : i32 to index
        %get3A_263 = tpu.vector_load %arg16[%get3A_262] {strides = array<i32>} : memref<2000xf32, #tpu.memory_space<vmem>>, vector<16xf32>,
        %mul3A_264 = arith.mulf %gather3A, %get3A_263 : vector<16xf32>
        %swap3A = arith.index_cast %mul3A_260 : i32 to index
        %swap3A_265 = tpu.vector_load %arg20[%swap3A] {strides = array<i32>} : memref<2000xf32, #tpu.memory_space<vmem>>, vector<16xf32>,
        tpu.vector_store %arg20[%swap3A], %mul3A_264 {strides = array<i32>} : memref<2000xf32, #tpu.memory_space<vmem>>, vector<16xf32>,
        %get3A_266 = arith.index_cast %mul3A_260 : i32 to index
        %get3A_267 = tpu.vector_load %arg14[%get3A_266] {strides = array<i32>} : memref<2000xi32, #tpu.memory_space<vmem>>, vector<16xi32>,
        %swap3A_268 = arith.index_cast %mul3A_260 : i32 to index
        %swap3A_269 = tpu.vector_load %arg18[%swap3A_268] {strides = array<i32>} : memref<2000xi32, #tpu.memory_space<vmem>>, vector<16xi32>,
        tpu.vector_store %arg18[%swap3A_268], %get3A_267 {strides = array<i32>} : memref<2000xi32, #tpu.memory_space<vmem>>, vector<16xi32>,
      }
      %scan3A_255 = arith.constant 125 : i32
      %dma_start3A_256 = arith.constant 0 : i32
      %dma_start3A_257 = tpu.memref_slice %arg9[%dma_start3A_256] : memref<100000xf32, #tpu.memory_space<vmem_shared>> -> memref<100000xf32, #tpu.memory_space<vmem_shared>>
      tpu.enqueue_indirect_dma source(%arg20 : memref<2000xf32, #tpu.memory_space<vmem>>) target(%dma_start3A_257 : memref<100000xf32, #tpu.memory_space<vmem_shared>>) offsets(%arg18 : memref<2000xi32, #tpu.memory_space<vmem>>) semaphore(%arg22 : memref<!tpu.dma_semaphore, #tpu.memory_space<semaphore_mem>>) {add = true}
    }
    %scan3A_125 = arith.constant 25 : i32
    %dma_wait3A_126 = arith.constant 0 : i32
    %dma_wait3A_127 = tpu.memref_slice %arg9[%dma_wait3A_126] : memref<100000xf32, #tpu.memory_space<vmem_shared>> -> memref<100000xf32, #tpu.memory_space<vmem_shared>>
    tpu.wait_indirect_dma semaphore(%arg22 : memref<!tpu.dma_semaphore, #tpu.memory_space<semaphore_mem>>) src(%arg19 : memref<2000xf32, #tpu.memory_space<vmem>>) dst(%dma_wait3A_127 : memref<100000xf32, #tpu.memory_space<vmem_shared>>)
    %dma_wait3A_128 = arith.constant 0 : i32
    %dma_wait3A_129 = tpu.memref_slice %arg9[%dma_wait3A_128] : memref<100000xf32, #tpu.memory_space<vmem_shared>> -> memref<100000xf32, #tpu.memory_space<vmem_shared>>
    tpu.wait_indirect_dma semaphore(%arg22 : memref<!tpu.dma_semaphore, #tpu.memory_space<semaphore_mem>>) src(%arg20 : memref<2000xf32, #tpu.memory_space<vmem>>) dst(%dma_wait3A_129 : memref<100000xf32, #tpu.memory_space<vmem_shared>>)
    %barrier3A_130 = arith.constant 0 : index
    tpu.barrier barrier_id(%barrier3A_130)
    %mul3A_131 = arith.constant 4 : i32
    %mul3A_132 = arith.muli %arg0, %mul3A_131 : i32
    %add3A_133 = arith.constant 2 : i32
    %add3A_134 = arith.addi %mul3A_132, %add3A_133 : i32
    "tpu.region"() ({
      %run_scoped3A = tpu.sem_alloc : memref<!tpu.dma_semaphore, #tpu.memory_space<semaphore_mem>>
      %dma_start3A_181 = tpu.memref_slice %arg8[%add3A_134, %min3A_3] : memref<8x100000xf32, #tpu.memory_space<hbm>> -> memref<1x6256xf32, #tpu.memory_space<hbm>>
      %dma_start3A_182 = tpu.memref_squeeze %dma_start3A_181 : memref<1x6256xf32, #tpu.memory_space<hbm>> -> memref<6256xf32, #tpu.memory_space<hbm>>
      %dma_start3A_183 = tpu.memref_slice %arg9[%min3A_3] : memref<100000xf32, #tpu.memory_space<vmem_shared>> -> memref<6256xf32, #tpu.memory_space<vmem_shared>>
      tpu.enqueue_dma source(%dma_start3A_183 : memref<6256xf32, #tpu.memory_space<vmem_shared>>) target(%dma_start3A_182 : memref<6256xf32, #tpu.memory_space<hbm>>) target_semaphore(%run_scoped3A : memref<!tpu.dma_semaphore, #tpu.memory_space<semaphore_mem>>)
      %dma_wait3A_184 = tpu.memref_slice %arg8[%add3A_134, %min3A_3] : memref<8x100000xf32, #tpu.memory_space<hbm>> -> memref<1x6256xf32, #tpu.memory_space<hbm>>
      %dma_wait3A_185 = tpu.memref_squeeze %dma_wait3A_184 : memref<1x6256xf32, #tpu.memory_space<hbm>> -> memref<6256xf32, #tpu.memory_space<hbm>>
      %dma_wait3A_186 = tpu.memref_slice %arg9[%min3A_3] : memref<100000xf32, #tpu.memory_space<vmem_shared>> -> memref<6256xf32, #tpu.memory_space<vmem_shared>>
      tpu.wait_dma2 semaphore(%run_scoped3A : memref<!tpu.dma_semaphore, #tpu.memory_space<semaphore_mem>>) src(%dma_wait3A_186 : memref<6256xf32, #tpu.memory_space<vmem_shared>>) dst(%dma_wait3A_185 : memref<6256xf32, #tpu.memory_space<hbm>>)
      tpu.yield
    }) : () -> ()
    %barrier3A_135 = arith.constant 0 : index
    tpu.barrier barrier_id(%barrier3A_135)
    tpu.enqueue_dma source(%arg7 : memref<100000xf32, #tpu.memory_space<hbm>>) target(%arg10 : memref<100000xf32, #tpu.memory_space<vmem>>) target_semaphore(%arg21 : memref<!tpu.dma_semaphore, #tpu.memory_space<semaphore_mem>>)
    %broadcast_in_dim3A_136 = arith.constant 0.000000e+00 : f32
    %broadcast_in_dim3A_137 = vector.broadcast %broadcast_in_dim3A_136 : f32 to vector<16xf32>
    %scan3A_138 = arith.constant 0 : i32
    %scan3A_139 = arith.constant 0 : i32
    %scan3A_140 = arith.constant 125 : i32
    %scan3A_141 = arith.addi %scan3A_139, %scan3A_140 : i32
    %scan3A_142 = arith.constant 1 : i32
    scf.for %scan3A_181 = %scan3A_139 to %scan3A_141 step %scan3A_142  : i32 {
      %mul3A_182 = arith.constant 16 : i32
      %mul3A_183 = arith.muli %scan3A_181, %mul3A_182 : i32
      %swap3A = arith.index_cast %mul3A_183 : i32 to index
      %swap3A_184 = tpu.vector_load %arg19[%swap3A] {strides = array<i32>} : memref<2000xf32, #tpu.memory_space<vmem>>, vector<16xf32>,
      tpu.vector_store %arg19[%swap3A], %broadcast_in_dim3A_137 {strides = array<i32>} : memref<2000xf32, #tpu.memory_space<vmem>>, vector<16xf32>,
    }
    %scan3A_143 = arith.constant 125 : i32
    %scan3A_144 = arith.constant 0 : i32
    %scan3A_145 = arith.constant 0 : i32
    %scan3A_146 = arith.constant 4 : i32
    %scan3A_147 = arith.addi %scan3A_145, %scan3A_146 : i32
    %scan3A_148 = arith.constant 1 : i32
    scf.for %scan3A_181 = %scan3A_145 to %scan3A_147 step %scan3A_148  : i32 {
      %mul3A_182 = arith.constant 2000 : i32
      %mul3A_183 = arith.muli %scan3A_181, %mul3A_182 : i32
      %add3A_184 = arith.addi %min3A_3, %mul3A_183 : i32
      %add3A_185 = arith.constant 6256 : i32
      %add3A_186 = arith.addi %min3A_3, %add3A_185 : i32
      %sub3A = arith.constant 2000 : i32
      %sub3A_187 = arith.subi %add3A_186, %sub3A : i32
      %min3A_188 = arith.minsi %add3A_184, %sub3A_187 : i32
      "tpu.region"() ({
        %run_scoped3A = tpu.sem_alloc : memref<!tpu.dma_semaphore, #tpu.memory_space<semaphore_mem>>
        %dma_start3A_189 = tpu.memref_slice %arg9[%min3A_188] : memref<100000xf32, #tpu.memory_space<vmem_shared>> -> memref<2000xf32, #tpu.memory_space<vmem_shared>>
        %dma_start3A_190 = tpu.memref_slice %arg9[%min3A_188] : memref<100000xf32, #tpu.memory_space<vmem_shared>> -> memref<2000xf32, #tpu.memory_space<vmem_shared>>
        tpu.enqueue_dma source(%arg19 : memref<2000xf32, #tpu.memory_space<vmem>>) target(%dma_start3A_190 : memref<2000xf32, #tpu.memory_space<vmem_shared>>) target_semaphore(%run_scoped3A : memref<!tpu.dma_semaphore, #tpu.memory_space<semaphore_mem>>)
        %dma_wait3A_191 = tpu.memref_slice %arg9[%min3A_188] : memref<100000xf32, #tpu.memory_space<vmem_shared>> -> memref<2000xf32, #tpu.memory_space<vmem_shared>>
        %dma_wait3A_192 = tpu.memref_slice %arg9[%min3A_188] : memref<100000xf32, #tpu.memory_space<vmem_shared>> -> memref<2000xf32, #tpu.memory_space<vmem_shared>>
        tpu.wait_dma2 semaphore(%run_scoped3A : memref<!tpu.dma_semaphore, #tpu.memory_space<semaphore_mem>>) src(%arg19 : memref<2000xf32, #tpu.memory_space<vmem>>) dst(%dma_wait3A_192 : memref<2000xf32, #tpu.memory_space<vmem_shared>>)
        tpu.yield
      }) : () -> ()
    }
    %scan3A_149 = arith.constant 4 : i32
    tpu.wait_dma2 semaphore(%arg21 : memref<!tpu.dma_semaphore, #tpu.memory_space<semaphore_mem>>) src(%arg7 : memref<100000xf32, #tpu.memory_space<hbm>>) dst(%arg10 : memref<100000xf32, #tpu.memory_space<vmem>>)
    %barrier3A_150 = arith.constant 0 : index
    tpu.barrier barrier_id(%barrier3A_150)
    %add3A_151 = arith.constant 0 : i32
    %add3A_152 = arith.addi %mul3A_5, %add3A_151 : i32
    %dma_start3A_153 = arith.constant 0 : i32
    %dma_start3A_154 = tpu.memref_slice %arg2[%dma_start3A_153, %add3A_152] : memref<2x3200000xi32, #tpu.memory_space<hbm>> -> memref<1x2000xi32, #tpu.memory_space<hbm>>
    %dma_start3A_155 = tpu.memref_squeeze %dma_start3A_154 : memref<1x2000xi32, #tpu.memory_space<hbm>> -> memref<2000xi32, #tpu.memory_space<hbm>>
    %dma_start3A_156 = tpu.memref_slice %arg2[%dma_start3A_153, %add3A_152] : memref<2x3200000xi32, #tpu.memory_space<hbm>> -> memref<1x2000xi32, #tpu.memory_space<hbm>>
    %dma_start3A_157 = tpu.memref_squeeze %dma_start3A_156 : memref<1x2000xi32, #tpu.memory_space<hbm>> -> memref<2000xi32, #tpu.memory_space<hbm>>
    tpu.enqueue_dma source(%dma_start3A_157 : memref<2000xi32, #tpu.memory_space<hbm>>) target(%arg11 : memref<2000xi32, #tpu.memory_space<vmem>>) target_semaphore(%arg21 : memref<!tpu.dma_semaphore, #tpu.memory_space<semaphore_mem>>)
    %dma_start3A_158 = arith.constant 1 : i32
    %dma_start3A_159 = tpu.memref_slice %arg2[%dma_start3A_158, %add3A_152] : memref<2x3200000xi32, #tpu.memory_space<hbm>> -> memref<1x2000xi32, #tpu.memory_space<hbm>>
    %dma_start3A_160 = tpu.memref_squeeze %dma_start3A_159 : memref<1x2000xi32, #tpu.memory_space<hbm>> -> memref<2000xi32, #tpu.memory_space<hbm>>
    %dma_start3A_161 = tpu.memref_slice %arg2[%dma_start3A_158, %add3A_152] : memref<2x3200000xi32, #tpu.memory_space<hbm>> -> memref<1x2000xi32, #tpu.memory_space<hbm>>
    %dma_start3A_162 = tpu.memref_squeeze %dma_start3A_161 : memref<1x2000xi32, #tpu.memory_space<hbm>> -> memref<2000xi32, #tpu.memory_space<hbm>>
    tpu.enqueue_dma source(%dma_start3A_162 : memref<2000xi32, #tpu.memory_space<hbm>>) target(%arg13 : memref<2000xi32, #tpu.memory_space<vmem>>) target_semaphore(%arg21 : memref<!tpu.dma_semaphore, #tpu.memory_space<semaphore_mem>>)
    %dma_start3A_163 = tpu.memref_slice %arg3[%add3A_152] : memref<3200000xf32, #tpu.memory_space<hbm>> -> memref<2000xf32, #tpu.memory_space<hbm>>
    %dma_start3A_164 = tpu.memref_slice %arg3[%add3A_152] : memref<3200000xf32, #tpu.memory_space<hbm>> -> memref<2000xf32, #tpu.memory_space<hbm>>
    tpu.enqueue_dma source(%dma_start3A_164 : memref<2000xf32, #tpu.memory_space<hbm>>) target(%arg15 : memref<2000xf32, #tpu.memory_space<vmem>>) target_semaphore(%arg21 : memref<!tpu.dma_semaphore, #tpu.memory_space<semaphore_mem>>)
    %scan3A_165 = arith.constant 0 : i32
    %scan3A_166 = arith.constant 0 : i32
    %scan3A_167 = arith.constant 25 : i32
    %scan3A_168 = arith.addi %scan3A_166, %scan3A_167 : i32
    %scan3A_169 = arith.constant 1 : i32
    scf.for %scan3A_181 = %scan3A_166 to %scan3A_168 step %scan3A_169  : i32 {
      %mul3A_182 = arith.constant 2 : i32
      %mul3A_183 = arith.muli %scan3A_181, %mul3A_182 : i32
      %add3A_184 = arith.constant 0 : i32
      %add3A_185 = arith.addi %mul3A_183, %add3A_184 : i32
      %lt3A = arith.constant 49 : i32
      %lt3A_186 = arith.cmpi slt, %add3A_185, %lt3A : i32
      %convert_element_type3A = arith.extui %lt3A_186 : i1 to i32
      %cond3A = arith.constant 0 : i32
      %cond3A_187 = arith.cmpi ne, %convert_element_type3A, %cond3A : i32
      scf.if %cond3A_187 {
        %add3A_258 = arith.constant 1 : i32
        %add3A_259 = arith.addi %add3A_185, %add3A_258 : i32
        %mul3A_260 = arith.constant 2000 : i32
        %mul3A_261 = arith.muli %add3A_259, %mul3A_260 : i32
        %add3A_262 = arith.addi %mul3A_5, %mul3A_261 : i32
        %dma_start3A_263 = arith.constant 0 : i32
        %dma_start3A_264 = tpu.memref_slice %arg2[%dma_start3A_263, %add3A_262] : memref<2x3200000xi32, #tpu.memory_space<hbm>> -> memref<1x2000xi32, #tpu.memory_space<hbm>>
        %dma_start3A_265 = tpu.memref_squeeze %dma_start3A_264 : memref<1x2000xi32, #tpu.memory_space<hbm>> -> memref<2000xi32, #tpu.memory_space<hbm>>
        %dma_start3A_266 = tpu.memref_slice %arg2[%dma_start3A_263, %add3A_262] : memref<2x3200000xi32, #tpu.memory_space<hbm>> -> memref<1x2000xi32, #tpu.memory_space<hbm>>
        %dma_start3A_267 = tpu.memref_squeeze %dma_start3A_266 : memref<1x2000xi32, #tpu.memory_space<hbm>> -> memref<2000xi32, #tpu.memory_space<hbm>>
        tpu.enqueue_dma source(%dma_start3A_267 : memref<2000xi32, #tpu.memory_space<hbm>>) target(%arg12 : memref<2000xi32, #tpu.memory_space<vmem>>) target_semaphore(%arg21 : memref<!tpu.dma_semaphore, #tpu.memory_space<semaphore_mem>>)
        %dma_start3A_268 = arith.constant 1 : i32
        %dma_start3A_269 = tpu.memref_slice %arg2[%dma_start3A_268, %add3A_262] : memref<2x3200000xi32, #tpu.memory_space<hbm>> -> memref<1x2000xi32, #tpu.memory_space<hbm>>
        %dma_start3A_270 = tpu.memref_squeeze %dma_start3A_269 : memref<1x2000xi32, #tpu.memory_space<hbm>> -> memref<2000xi32, #tpu.memory_space<hbm>>
        %dma_start3A_271 = tpu.memref_slice %arg2[%dma_start3A_268, %add3A_262] : memref<2x3200000xi32, #tpu.memory_space<hbm>> -> memref<1x2000xi32, #tpu.memory_space<hbm>>
        %dma_start3A_272 = tpu.memref_squeeze %dma_start3A_271 : memref<1x2000xi32, #tpu.memory_space<hbm>> -> memref<2000xi32, #tpu.memory_space<hbm>>
        tpu.enqueue_dma source(%dma_start3A_272 : memref<2000xi32, #tpu.memory_space<hbm>>) target(%arg14 : memref<2000xi32, #tpu.memory_space<vmem>>) target_semaphore(%arg21 : memref<!tpu.dma_semaphore, #tpu.memory_space<semaphore_mem>>)
        %dma_start3A_273 = tpu.memref_slice %arg3[%add3A_262] : memref<3200000xf32, #tpu.memory_space<hbm>> -> memref<2000xf32, #tpu.memory_space<hbm>>
        %dma_start3A_274 = tpu.memref_slice %arg3[%add3A_262] : memref<3200000xf32, #tpu.memory_space<hbm>> -> memref<2000xf32, #tpu.memory_space<hbm>>
        tpu.enqueue_dma source(%dma_start3A_274 : memref<2000xf32, #tpu.memory_space<hbm>>) target(%arg16 : memref<2000xf32, #tpu.memory_space<vmem>>) target_semaphore(%arg21 : memref<!tpu.dma_semaphore, #tpu.memory_space<semaphore_mem>>)
      } else {
      }
      %dma_wait3A_188 = arith.constant 0 : i32
      %dma_wait3A_189 = arith.constant 0 : i32
      %dma_wait3A_190 = tpu.memref_slice %arg2[%dma_wait3A_188, %dma_wait3A_189] : memref<2x3200000xi32, #tpu.memory_space<hbm>> -> memref<1x2000xi32, #tpu.memory_space<hbm>>
      %dma_wait3A_191 = tpu.memref_squeeze %dma_wait3A_190 : memref<1x2000xi32, #tpu.memory_space<hbm>> -> memref<2000xi32, #tpu.memory_space<hbm>>
      %dma_wait3A_192 = arith.constant 0 : i32
      %dma_wait3A_193 = tpu.memref_slice %arg2[%dma_wait3A_188, %dma_wait3A_192] : memref<2x3200000xi32, #tpu.memory_space<hbm>> -> memref<1x2000xi32, #tpu.memory_space<hbm>>
      %dma_wait3A_194 = tpu.memref_squeeze %dma_wait3A_193 : memref<1x2000xi32, #tpu.memory_space<hbm>> -> memref<2000xi32, #tpu.memory_space<hbm>>
      tpu.wait_dma2 semaphore(%arg21 : memref<!tpu.dma_semaphore, #tpu.memory_space<semaphore_mem>>) src(%dma_wait3A_194 : memref<2000xi32, #tpu.memory_space<hbm>>) dst(%arg11 : memref<2000xi32, #tpu.memory_space<vmem>>)
      %dma_wait3A_195 = arith.constant 1 : i32
      %dma_wait3A_196 = arith.constant 0 : i32
      %dma_wait3A_197 = tpu.memref_slice %arg2[%dma_wait3A_195, %dma_wait3A_196] : memref<2x3200000xi32, #tpu.memory_space<hbm>> -> memref<1x2000xi32, #tpu.memory_space<hbm>>
      %dma_wait3A_198 = tpu.memref_squeeze %dma_wait3A_197 : memref<1x2000xi32, #tpu.memory_space<hbm>> -> memref<2000xi32, #tpu.memory_space<hbm>>
      %dma_wait3A_199 = arith.constant 0 : i32
      %dma_wait3A_200 = tpu.memref_slice %arg2[%dma_wait3A_195, %dma_wait3A_199] : memref<2x3200000xi32, #tpu.memory_space<hbm>> -> memref<1x2000xi32, #tpu.memory_space<hbm>>
      %dma_wait3A_201 = tpu.memref_squeeze %dma_wait3A_200 : memref<1x2000xi32, #tpu.memory_space<hbm>> -> memref<2000xi32, #tpu.memory_space<hbm>>
      tpu.wait_dma2 semaphore(%arg21 : memref<!tpu.dma_semaphore, #tpu.memory_space<semaphore_mem>>) src(%dma_wait3A_201 : memref<2000xi32, #tpu.memory_space<hbm>>) dst(%arg13 : memref<2000xi32, #tpu.memory_space<vmem>>)
      %dma_wait3A_202 = arith.constant 0 : i32
      %dma_wait3A_203 = tpu.memref_slice %arg3[%dma_wait3A_202] : memref<3200000xf32, #tpu.memory_space<hbm>> -> memref<2000xf32, #tpu.memory_space<hbm>>
      %dma_wait3A_204 = arith.constant 0 : i32
      %dma_wait3A_205 = tpu.memref_slice %arg3[%dma_wait3A_204] : memref<3200000xf32, #tpu.memory_space<hbm>> -> memref<2000xf32, #tpu.memory_space<hbm>>
      tpu.wait_dma2 semaphore(%arg21 : memref<!tpu.dma_semaphore, #tpu.memory_space<semaphore_mem>>) src(%dma_wait3A_205 : memref<2000xf32, #tpu.memory_space<hbm>>) dst(%arg15 : memref<2000xf32, #tpu.memory_space<vmem>>)
      %ge3A = arith.constant 2 : i32
      %ge3A_206 = arith.cmpi sge, %add3A_185, %ge3A : i32
      %convert_element_type3A_207 = arith.extui %ge3A_206 : i1 to i32
      %cond3A_208 = arith.constant 0 : i32
      %cond3A_209 = arith.cmpi ne, %convert_element_type3A_207, %cond3A_208 : i32
      scf.if %cond3A_209 {
        %dma_wait3A_258 = arith.constant 0 : i32
        %dma_wait3A_259 = tpu.memref_slice %arg9[%dma_wait3A_258] : memref<100000xf32, #tpu.memory_space<vmem_shared>> -> memref<100000xf32, #tpu.memory_space<vmem_shared>>
        tpu.wait_indirect_dma semaphore(%arg22 : memref<!tpu.dma_semaphore, #tpu.memory_space<semaphore_mem>>) src(%arg19 : memref<2000xf32, #tpu.memory_space<vmem>>) dst(%dma_wait3A_259 : memref<100000xf32, #tpu.memory_space<vmem_shared>>)
      } else {
      }
      %scan3A_210 = arith.constant 0 : i32
      %scan3A_211 = arith.constant 0 : i32
      %scan3A_212 = arith.constant 125 : i32
      %scan3A_213 = arith.addi %scan3A_211, %scan3A_212 : i32
      %scan3A_214 = arith.constant 1 : i32
      scf.for %scan3A_258 = %scan3A_211 to %scan3A_213 step %scan3A_214  : i32 {
        %mul3A_259 = arith.constant 16 : i32
        %mul3A_260 = arith.muli %scan3A_258, %mul3A_259 : i32
        %get3A = arith.index_cast %mul3A_260 : i32 to index
        %get3A_261 = tpu.vector_load %arg11[%get3A] {strides = array<i32>} : memref<2000xi32, #tpu.memory_space<vmem>>, vector<16xi32>,
        %gather3A = tpu.vector_load_idx %arg10[%get3A_261] : memref<100000xf32, #tpu.memory_space<vmem>>[vector<16xi32>], vector<16xf32>,
        %get3A_262 = arith.index_cast %mul3A_260 : i32 to index
        %get3A_263 = tpu.vector_load %arg15[%get3A_262] {strides = array<i32>} : memref<2000xf32, #tpu.memory_space<vmem>>, vector<16xf32>,
        %mul3A_264 = arith.mulf %gather3A, %get3A_263 : vector<16xf32>
        %swap3A = arith.index_cast %mul3A_260 : i32 to index
        %swap3A_265 = tpu.vector_load %arg19[%swap3A] {strides = array<i32>} : memref<2000xf32, #tpu.memory_space<vmem>>, vector<16xf32>,
        tpu.vector_store %arg19[%swap3A], %mul3A_264 {strides = array<i32>} : memref<2000xf32, #tpu.memory_space<vmem>>, vector<16xf32>,
        %get3A_266 = arith.index_cast %mul3A_260 : i32 to index
        %get3A_267 = tpu.vector_load %arg13[%get3A_266] {strides = array<i32>} : memref<2000xi32, #tpu.memory_space<vmem>>, vector<16xi32>,
        %swap3A_268 = arith.index_cast %mul3A_260 : i32 to index
        %swap3A_269 = tpu.vector_load %arg17[%swap3A_268] {strides = array<i32>} : memref<2000xi32, #tpu.memory_space<vmem>>, vector<16xi32>,
        tpu.vector_store %arg17[%swap3A_268], %get3A_267 {strides = array<i32>} : memref<2000xi32, #tpu.memory_space<vmem>>, vector<16xi32>,
      }
      %scan3A_215 = arith.constant 125 : i32
      %dma_start3A_216 = arith.constant 0 : i32
      %dma_start3A_217 = tpu.memref_slice %arg9[%dma_start3A_216] : memref<100000xf32, #tpu.memory_space<vmem_shared>> -> memref<100000xf32, #tpu.memory_space<vmem_shared>>
      tpu.enqueue_indirect_dma source(%arg19 : memref<2000xf32, #tpu.memory_space<vmem>>) target(%dma_start3A_217 : memref<100000xf32, #tpu.memory_space<vmem_shared>>) offsets(%arg17 : memref<2000xi32, #tpu.memory_space<vmem>>) semaphore(%arg22 : memref<!tpu.dma_semaphore, #tpu.memory_space<semaphore_mem>>) {add = true}
      %mul3A_218 = arith.constant 2 : i32
      %mul3A_219 = arith.muli %scan3A_181, %mul3A_218 : i32
      %add3A_220 = arith.constant 1 : i32
      %add3A_221 = arith.addi %mul3A_219, %add3A_220 : i32
      %lt3A_222 = arith.constant 49 : i32
      %lt3A_223 = arith.cmpi slt, %add3A_221, %lt3A_222 : i32
      %convert_element_type3A_224 = arith.extui %lt3A_223 : i1 to i32
      %cond3A_225 = arith.constant 0 : i32
      %cond3A_226 = arith.cmpi ne, %convert_element_type3A_224, %cond3A_225 : i32
      scf.if %cond3A_226 {
        %add3A_258 = arith.constant 1 : i32
        %add3A_259 = arith.addi %add3A_221, %add3A_258 : i32
        %mul3A_260 = arith.constant 2000 : i32
        %mul3A_261 = arith.muli %add3A_259, %mul3A_260 : i32
        %add3A_262 = arith.addi %mul3A_5, %mul3A_261 : i32
        %dma_start3A_263 = arith.constant 0 : i32
        %dma_start3A_264 = tpu.memref_slice %arg2[%dma_start3A_263, %add3A_262] : memref<2x3200000xi32, #tpu.memory_space<hbm>> -> memref<1x2000xi32, #tpu.memory_space<hbm>>
        %dma_start3A_265 = tpu.memref_squeeze %dma_start3A_264 : memref<1x2000xi32, #tpu.memory_space<hbm>> -> memref<2000xi32, #tpu.memory_space<hbm>>
        %dma_start3A_266 = tpu.memref_slice %arg2[%dma_start3A_263, %add3A_262] : memref<2x3200000xi32, #tpu.memory_space<hbm>> -> memref<1x2000xi32, #tpu.memory_space<hbm>>
        %dma_start3A_267 = tpu.memref_squeeze %dma_start3A_266 : memref<1x2000xi32, #tpu.memory_space<hbm>> -> memref<2000xi32, #tpu.memory_space<hbm>>
        tpu.enqueue_dma source(%dma_start3A_267 : memref<2000xi32, #tpu.memory_space<hbm>>) target(%arg11 : memref<2000xi32, #tpu.memory_space<vmem>>) target_semaphore(%arg21 : memref<!tpu.dma_semaphore, #tpu.memory_space<semaphore_mem>>)
        %dma_start3A_268 = arith.constant 1 : i32
        %dma_start3A_269 = tpu.memref_slice %arg2[%dma_start3A_268, %add3A_262] : memref<2x3200000xi32, #tpu.memory_space<hbm>> -> memref<1x2000xi32, #tpu.memory_space<hbm>>
        %dma_start3A_270 = tpu.memref_squeeze %dma_start3A_269 : memref<1x2000xi32, #tpu.memory_space<hbm>> -> memref<2000xi32, #tpu.memory_space<hbm>>
        %dma_start3A_271 = tpu.memref_slice %arg2[%dma_start3A_268, %add3A_262] : memref<2x3200000xi32, #tpu.memory_space<hbm>> -> memref<1x2000xi32, #tpu.memory_space<hbm>>
        %dma_start3A_272 = tpu.memref_squeeze %dma_start3A_271 : memref<1x2000xi32, #tpu.memory_space<hbm>> -> memref<2000xi32, #tpu.memory_space<hbm>>
        tpu.enqueue_dma source(%dma_start3A_272 : memref<2000xi32, #tpu.memory_space<hbm>>) target(%arg13 : memref<2000xi32, #tpu.memory_space<vmem>>) target_semaphore(%arg21 : memref<!tpu.dma_semaphore, #tpu.memory_space<semaphore_mem>>)
        %dma_start3A_273 = tpu.memref_slice %arg3[%add3A_262] : memref<3200000xf32, #tpu.memory_space<hbm>> -> memref<2000xf32, #tpu.memory_space<hbm>>
        %dma_start3A_274 = tpu.memref_slice %arg3[%add3A_262] : memref<3200000xf32, #tpu.memory_space<hbm>> -> memref<2000xf32, #tpu.memory_space<hbm>>
        tpu.enqueue_dma source(%dma_start3A_274 : memref<2000xf32, #tpu.memory_space<hbm>>) target(%arg15 : memref<2000xf32, #tpu.memory_space<vmem>>) target_semaphore(%arg21 : memref<!tpu.dma_semaphore, #tpu.memory_space<semaphore_mem>>)
      } else {
      }
      %dma_wait3A_227 = arith.constant 0 : i32
      %dma_wait3A_228 = arith.constant 0 : i32
      %dma_wait3A_229 = tpu.memref_slice %arg2[%dma_wait3A_227, %dma_wait3A_228] : memref<2x3200000xi32, #tpu.memory_space<hbm>> -> memref<1x2000xi32, #tpu.memory_space<hbm>>
      %dma_wait3A_230 = tpu.memref_squeeze %dma_wait3A_229 : memref<1x2000xi32, #tpu.memory_space<hbm>> -> memref<2000xi32, #tpu.memory_space<hbm>>
      %dma_wait3A_231 = arith.constant 0 : i32
      %dma_wait3A_232 = tpu.memref_slice %arg2[%dma_wait3A_227, %dma_wait3A_231] : memref<2x3200000xi32, #tpu.memory_space<hbm>> -> memref<1x2000xi32, #tpu.memory_space<hbm>>
      %dma_wait3A_233 = tpu.memref_squeeze %dma_wait3A_232 : memref<1x2000xi32, #tpu.memory_space<hbm>> -> memref<2000xi32, #tpu.memory_space<hbm>>
      tpu.wait_dma2 semaphore(%arg21 : memref<!tpu.dma_semaphore, #tpu.memory_space<semaphore_mem>>) src(%dma_wait3A_233 : memref<2000xi32, #tpu.memory_space<hbm>>) dst(%arg12 : memref<2000xi32, #tpu.memory_space<vmem>>)
      %dma_wait3A_234 = arith.constant 1 : i32
      %dma_wait3A_235 = arith.constant 0 : i32
      %dma_wait3A_236 = tpu.memref_slice %arg2[%dma_wait3A_234, %dma_wait3A_235] : memref<2x3200000xi32, #tpu.memory_space<hbm>> -> memref<1x2000xi32, #tpu.memory_space<hbm>>
      %dma_wait3A_237 = tpu.memref_squeeze %dma_wait3A_236 : memref<1x2000xi32, #tpu.memory_space<hbm>> -> memref<2000xi32, #tpu.memory_space<hbm>>
      %dma_wait3A_238 = arith.constant 0 : i32
      %dma_wait3A_239 = tpu.memref_slice %arg2[%dma_wait3A_234, %dma_wait3A_238] : memref<2x3200000xi32, #tpu.memory_space<hbm>> -> memref<1x2000xi32, #tpu.memory_space<hbm>>
      %dma_wait3A_240 = tpu.memref_squeeze %dma_wait3A_239 : memref<1x2000xi32, #tpu.memory_space<hbm>> -> memref<2000xi32, #tpu.memory_space<hbm>>
      tpu.wait_dma2 semaphore(%arg21 : memref<!tpu.dma_semaphore, #tpu.memory_space<semaphore_mem>>) src(%dma_wait3A_240 : memref<2000xi32, #tpu.memory_space<hbm>>) dst(%arg14 : memref<2000xi32, #tpu.memory_space<vmem>>)
      %dma_wait3A_241 = arith.constant 0 : i32
      %dma_wait3A_242 = tpu.memref_slice %arg3[%dma_wait3A_241] : memref<3200000xf32, #tpu.memory_space<hbm>> -> memref<2000xf32, #tpu.memory_space<hbm>>
      %dma_wait3A_243 = arith.constant 0 : i32
      %dma_wait3A_244 = tpu.memref_slice %arg3[%dma_wait3A_243] : memref<3200000xf32, #tpu.memory_space<hbm>> -> memref<2000xf32, #tpu.memory_space<hbm>>
      tpu.wait_dma2 semaphore(%arg21 : memref<!tpu.dma_semaphore, #tpu.memory_space<semaphore_mem>>) src(%dma_wait3A_244 : memref<2000xf32, #tpu.memory_space<hbm>>) dst(%arg16 : memref<2000xf32, #tpu.memory_space<vmem>>)
      %ge3A_245 = arith.constant 2 : i32
      %ge3A_246 = arith.cmpi sge, %add3A_221, %ge3A_245 : i32
      %convert_element_type3A_247 = arith.extui %ge3A_246 : i1 to i32
      %cond3A_248 = arith.constant 0 : i32
      %cond3A_249 = arith.cmpi ne, %convert_element_type3A_247, %cond3A_248 : i32
      scf.if %cond3A_249 {
        %dma_wait3A_258 = arith.constant 0 : i32
        %dma_wait3A_259 = tpu.memref_slice %arg9[%dma_wait3A_258] : memref<100000xf32, #tpu.memory_space<vmem_shared>> -> memref<100000xf32, #tpu.memory_space<vmem_shared>>
        tpu.wait_indirect_dma semaphore(%arg22 : memref<!tpu.dma_semaphore, #tpu.memory_space<semaphore_mem>>) src(%arg20 : memref<2000xf32, #tpu.memory_space<vmem>>) dst(%dma_wait3A_259 : memref<100000xf32, #tpu.memory_space<vmem_shared>>)
      } else {
      }
      %scan3A_250 = arith.constant 0 : i32
      %scan3A_251 = arith.constant 0 : i32
      %scan3A_252 = arith.constant 125 : i32
      %scan3A_253 = arith.addi %scan3A_251, %scan3A_252 : i32
      %scan3A_254 = arith.constant 1 : i32
      scf.for %scan3A_258 = %scan3A_251 to %scan3A_253 step %scan3A_254  : i32 {
        %mul3A_259 = arith.constant 16 : i32
        %mul3A_260 = arith.muli %scan3A_258, %mul3A_259 : i32
        %get3A = arith.index_cast %mul3A_260 : i32 to index
        %get3A_261 = tpu.vector_load %arg12[%get3A] {strides = array<i32>} : memref<2000xi32, #tpu.memory_space<vmem>>, vector<16xi32>,
        %gather3A = tpu.vector_load_idx %arg10[%get3A_261] : memref<100000xf32, #tpu.memory_space<vmem>>[vector<16xi32>], vector<16xf32>,
        %get3A_262 = arith.index_cast %mul3A_260 : i32 to index
        %get3A_263 = tpu.vector_load %arg16[%get3A_262] {strides = array<i32>} : memref<2000xf32, #tpu.memory_space<vmem>>, vector<16xf32>,
        %mul3A_264 = arith.mulf %gather3A, %get3A_263 : vector<16xf32>
        %swap3A = arith.index_cast %mul3A_260 : i32 to index
        %swap3A_265 = tpu.vector_load %arg20[%swap3A] {strides = array<i32>} : memref<2000xf32, #tpu.memory_space<vmem>>, vector<16xf32>,
        tpu.vector_store %arg20[%swap3A], %mul3A_264 {strides = array<i32>} : memref<2000xf32, #tpu.memory_space<vmem>>, vector<16xf32>,
        %get3A_266 = arith.index_cast %mul3A_260 : i32 to index
        %get3A_267 = tpu.vector_load %arg14[%get3A_266] {strides = array<i32>} : memref<2000xi32, #tpu.memory_space<vmem>>, vector<16xi32>,
        %swap3A_268 = arith.index_cast %mul3A_260 : i32 to index
        %swap3A_269 = tpu.vector_load %arg18[%swap3A_268] {strides = array<i32>} : memref<2000xi32, #tpu.memory_space<vmem>>, vector<16xi32>,
        tpu.vector_store %arg18[%swap3A_268], %get3A_267 {strides = array<i32>} : memref<2000xi32, #tpu.memory_space<vmem>>, vector<16xi32>,
      }
      %scan3A_255 = arith.constant 125 : i32
      %dma_start3A_256 = arith.constant 0 : i32
      %dma_start3A_257 = tpu.memref_slice %arg9[%dma_start3A_256] : memref<100000xf32, #tpu.memory_space<vmem_shared>> -> memref<100000xf32, #tpu.memory_space<vmem_shared>>
      tpu.enqueue_indirect_dma source(%arg20 : memref<2000xf32, #tpu.memory_space<vmem>>) target(%dma_start3A_257 : memref<100000xf32, #tpu.memory_space<vmem_shared>>) offsets(%arg18 : memref<2000xi32, #tpu.memory_space<vmem>>) semaphore(%arg22 : memref<!tpu.dma_semaphore, #tpu.memory_space<semaphore_mem>>) {add = true}
    }
    %scan3A_170 = arith.constant 25 : i32
    %dma_wait3A_171 = arith.constant 0 : i32
    %dma_wait3A_172 = tpu.memref_slice %arg9[%dma_wait3A_171] : memref<100000xf32, #tpu.memory_space<vmem_shared>> -> memref<100000xf32, #tpu.memory_space<vmem_shared>>
    tpu.wait_indirect_dma semaphore(%arg22 : memref<!tpu.dma_semaphore, #tpu.memory_space<semaphore_mem>>) src(%arg19 : memref<2000xf32, #tpu.memory_space<vmem>>) dst(%dma_wait3A_172 : memref<100000xf32, #tpu.memory_space<vmem_shared>>)
    %dma_wait3A_173 = arith.constant 0 : i32
    %dma_wait3A_174 = tpu.memref_slice %arg9[%dma_wait3A_173] : memref<100000xf32, #tpu.memory_space<vmem_shared>> -> memref<100000xf32, #tpu.memory_space<vmem_shared>>
    tpu.wait_indirect_dma semaphore(%arg22 : memref<!tpu.dma_semaphore, #tpu.memory_space<semaphore_mem>>) src(%arg20 : memref<2000xf32, #tpu.memory_space<vmem>>) dst(%dma_wait3A_174 : memref<100000xf32, #tpu.memory_space<vmem_shared>>)
    %barrier3A_175 = arith.constant 0 : index
    tpu.barrier barrier_id(%barrier3A_175)
    %mul3A_176 = arith.constant 4 : i32
    %mul3A_177 = arith.muli %arg0, %mul3A_176 : i32
    %add3A_178 = arith.constant 3 : i32
    %add3A_179 = arith.addi %mul3A_177, %add3A_178 : i32
    "tpu.region"() ({
      %run_scoped3A = tpu.sem_alloc : memref<!tpu.dma_semaphore, #tpu.memory_space<semaphore_mem>>
      %dma_start3A_181 = tpu.memref_slice %arg8[%add3A_179, %min3A_3] : memref<8x100000xf32, #tpu.memory_space<hbm>> -> memref<1x6256xf32, #tpu.memory_space<hbm>>
      %dma_start3A_182 = tpu.memref_squeeze %dma_start3A_181 : memref<1x6256xf32, #tpu.memory_space<hbm>> -> memref<6256xf32, #tpu.memory_space<hbm>>
      %dma_start3A_183 = tpu.memref_slice %arg9[%min3A_3] : memref<100000xf32, #tpu.memory_space<vmem_shared>> -> memref<6256xf32, #tpu.memory_space<vmem_shared>>
      tpu.enqueue_dma source(%dma_start3A_183 : memref<6256xf32, #tpu.memory_space<vmem_shared>>) target(%dma_start3A_182 : memref<6256xf32, #tpu.memory_space<hbm>>) target_semaphore(%run_scoped3A : memref<!tpu.dma_semaphore, #tpu.memory_space<semaphore_mem>>)
      %dma_wait3A_184 = tpu.memref_slice %arg8[%add3A_179, %min3A_3] : memref<8x100000xf32, #tpu.memory_space<hbm>> -> memref<1x6256xf32, #tpu.memory_space<hbm>>
      %dma_wait3A_185 = tpu.memref_squeeze %dma_wait3A_184 : memref<1x6256xf32, #tpu.memory_space<hbm>> -> memref<6256xf32, #tpu.memory_space<hbm>>
      %dma_wait3A_186 = tpu.memref_slice %arg9[%min3A_3] : memref<100000xf32, #tpu.memory_space<vmem_shared>> -> memref<6256xf32, #tpu.memory_space<vmem_shared>>
      tpu.wait_dma2 semaphore(%run_scoped3A : memref<!tpu.dma_semaphore, #tpu.memory_space<semaphore_mem>>) src(%dma_wait3A_186 : memref<6256xf32, #tpu.memory_space<vmem_shared>>) dst(%dma_wait3A_185 : memref<6256xf32, #tpu.memory_space<hbm>>)
      tpu.yield
    }) : () -> ()
    %barrier3A_180 = arith.constant 0 : index
    tpu.barrier barrier_id(%barrier3A_180)
    return
  }
}

module attributes {stable_mosaic.version = 14 : i64} {
  func.func @_mid_body(%arg0: i32, %arg1: memref<8x8192xf32, #tpu.memory_space<vmem>>, %arg2: memref<8192xf32, #tpu.memory_space<vmem>>, %arg3: memref<8192xf32, #tpu.memory_space<vmem>>, %arg4: memref<8192xf32, #tpu.memory_space<vmem>>, %arg5: memref<8192xf32, #tpu.memory_space<vmem>>, %arg6: memref<4x64xf32, #tpu.memory_space<vmem>>, %arg7: memref<64xf32, #tpu.memory_space<vmem>>, %arg8: memref<4x64xf32, #tpu.memory_space<vmem>>, %arg9: memref<1x64xf32, #tpu.memory_space<vmem>>, %arg10: memref<1x64xf32, #tpu.memory_space<vmem>>, %arg11: memref<1xf32, #tpu.memory_space<vmem>>, %arg12: memref<8192xf32, #tpu.memory_space<vmem>>, %arg13: memref<8192xf32, #tpu.memory_space<vmem>>) attributes {dimension_semantics = [#tpu.dimension_semantics<arbitrary>], iteration_bounds = array<i64: 13>, scalar_prefetch = 0 : i64, scratch_operands = 0 : i64, tpu.core_type = #tpu.core_type<tc>, window_params = [{transform_indices = @transform_0, window_bounds = array<i64: 8, 8192>}, {transform_indices = @transform_1, window_bounds = array<i64: 8192>}, {transform_indices = @transform_2, window_bounds = array<i64: 8192>}, {transform_indices = @transform_3, window_bounds = array<i64: 8192>}, {transform_indices = @transform_4, window_bounds = array<i64: 8192>}, {pipeline_mode = #tpu.pipeline_mode<synchronous>, transform_indices = @transform_5, window_bounds = array<i64: 4, 64>}, {pipeline_mode = #tpu.pipeline_mode<synchronous>, transform_indices = @transform_6, window_bounds = array<i64: 64>}, {pipeline_mode = #tpu.pipeline_mode<synchronous>, transform_indices = @transform_7, window_bounds = array<i64: 4, 64>}, {pipeline_mode = #tpu.pipeline_mode<synchronous>, transform_indices = @transform_8, window_bounds = array<i64: 1, 64>}, {pipeline_mode = #tpu.pipeline_mode<synchronous>, transform_indices = @transform_9, window_bounds = array<i64: 1, 64>}, {pipeline_mode = #tpu.pipeline_mode<synchronous>, transform_indices = @transform_10, window_bounds = array<i64: 1>}, {transform_indices = @transform_11, window_bounds = array<i64: 8192>}, {transform_indices = @transform_12, window_bounds = array<i64: 8192>}]} {
    %get3A = arith.constant 0 : index
    %get3A_0 = arith.constant 0 : index
    %get3A_1 = vector.load %arg1[%get3A, %get3A_0] : memref<8x8192xf32, #tpu.memory_space<vmem>>, vector<8x8192xf32>
    %slice3A = vector.extract_strided_slice %get3A_1 {offsets = [0, 0], sizes = [4, 8192], strides = [1, 1]} : vector<8x8192xf32> to vector<4x8192xf32>
    %slice3A_2 = vector.extract_strided_slice %get3A_1 {offsets = [4, 0], sizes = [4, 8192], strides = [1, 1]} : vector<8x8192xf32> to vector<4x8192xf32>
    %add3A = arith.addf %slice3A, %slice3A_2 : vector<4x8192xf32>
    %get3A_3 = arith.constant 0 : index
    %get3A_4 = arith.constant 0 : index
    %get3A_5 = vector.load %arg6[%get3A_3, %get3A_4] : memref<4x64xf32, #tpu.memory_space<vmem>>, vector<4x64xf32>
    %get3A_6 = arith.constant 0 : index
    %get3A_7 = arith.constant 0 : index
    %get3A_8 = vector.load %arg8[%get3A_6, %get3A_7] : memref<4x64xf32, #tpu.memory_space<vmem>>, vector<4x64xf32>
    %get3A_9 = arith.constant 0 : index
    %get3A_10 = vector.load %arg7[%get3A_9] : memref<64xf32, #tpu.memory_space<vmem>>, vector<64xf32>
    %broadcast_in_dim3A = vector.shape_cast %get3A_10 : vector<64xf32> to vector<64x1xf32>
    %broadcast_in_dim3A_11 = vector.shape_cast %broadcast_in_dim3A : vector<64x1xf32> to vector<64x1xf32>
    %broadcast_in_dim3A_12 = vector.broadcast %broadcast_in_dim3A_11 : vector<64x1xf32> to vector<64x8192xf32>
    %slice3A_13 = vector.extract_strided_slice %get3A_5 {offsets = [0, 0], sizes = [1, 64], strides = [1, 1]} : vector<4x64xf32> to vector<1x64xf32>
    %squeeze3A = vector.shape_cast %slice3A_13 : vector<1x64xf32> to vector<64xf32>
    %broadcast_in_dim3A_14 = vector.shape_cast %squeeze3A : vector<64xf32> to vector<64x1xf32>
    %slice3A_15 = vector.extract_strided_slice %add3A {offsets = [0, 0], sizes = [1, 8192], strides = [1, 1]} : vector<4x8192xf32> to vector<1x8192xf32>
    %squeeze3A_16 = vector.shape_cast %slice3A_15 : vector<1x8192xf32> to vector<8192xf32>
    %broadcast_in_dim3A_17 = vector.shape_cast %squeeze3A_16 : vector<8192xf32> to vector<1x8192xf32>
    %mul3A = vector.broadcast %broadcast_in_dim3A_14 : vector<64x1xf32> to vector<64x8192xf32>
    %mul3A_18 = vector.broadcast %broadcast_in_dim3A_17 : vector<1x8192xf32> to vector<64x8192xf32>
    %mul3A_19 = arith.mulf %mul3A, %mul3A_18 : vector<64x8192xf32>
    %add3A_20 = arith.addf %broadcast_in_dim3A_12, %mul3A_19 : vector<64x8192xf32>
    %slice3A_21 = vector.extract_strided_slice %get3A_8 {offsets = [0, 0], sizes = [1, 64], strides = [1, 1]} : vector<4x64xf32> to vector<1x64xf32>
    %squeeze3A_22 = vector.shape_cast %slice3A_21 : vector<1x64xf32> to vector<64xf32>
    %broadcast_in_dim3A_23 = vector.shape_cast %squeeze3A_22 : vector<64xf32> to vector<64x1xf32>
    %get3A_24 = arith.constant 0 : index
    %get3A_25 = vector.load %arg2[%get3A_24] : memref<8192xf32, #tpu.memory_space<vmem>>, vector<8192xf32>
    %broadcast_in_dim3A_26 = vector.shape_cast %get3A_25 : vector<8192xf32> to vector<1x8192xf32>
    %mul3A_27 = vector.broadcast %broadcast_in_dim3A_23 : vector<64x1xf32> to vector<64x8192xf32>
    %mul3A_28 = vector.broadcast %broadcast_in_dim3A_26 : vector<1x8192xf32> to vector<64x8192xf32>
    %mul3A_29 = arith.mulf %mul3A_27, %mul3A_28 : vector<64x8192xf32>
    %add3A_30 = arith.addf %add3A_20, %mul3A_29 : vector<64x8192xf32>
    %slice3A_31 = vector.extract_strided_slice %get3A_5 {offsets = [1, 0], sizes = [1, 64], strides = [1, 1]} : vector<4x64xf32> to vector<1x64xf32>
    %squeeze3A_32 = vector.shape_cast %slice3A_31 : vector<1x64xf32> to vector<64xf32>
    %broadcast_in_dim3A_33 = vector.shape_cast %squeeze3A_32 : vector<64xf32> to vector<64x1xf32>
    %slice3A_34 = vector.extract_strided_slice %add3A {offsets = [1, 0], sizes = [1, 8192], strides = [1, 1]} : vector<4x8192xf32> to vector<1x8192xf32>
    %squeeze3A_35 = vector.shape_cast %slice3A_34 : vector<1x8192xf32> to vector<8192xf32>
    %broadcast_in_dim3A_36 = vector.shape_cast %squeeze3A_35 : vector<8192xf32> to vector<1x8192xf32>
    %mul3A_37 = vector.broadcast %broadcast_in_dim3A_33 : vector<64x1xf32> to vector<64x8192xf32>
    %mul3A_38 = vector.broadcast %broadcast_in_dim3A_36 : vector<1x8192xf32> to vector<64x8192xf32>
    %mul3A_39 = arith.mulf %mul3A_37, %mul3A_38 : vector<64x8192xf32>
    %add3A_40 = arith.addf %add3A_30, %mul3A_39 : vector<64x8192xf32>
    %slice3A_41 = vector.extract_strided_slice %get3A_8 {offsets = [1, 0], sizes = [1, 64], strides = [1, 1]} : vector<4x64xf32> to vector<1x64xf32>
    %squeeze3A_42 = vector.shape_cast %slice3A_41 : vector<1x64xf32> to vector<64xf32>
    %broadcast_in_dim3A_43 = vector.shape_cast %squeeze3A_42 : vector<64xf32> to vector<64x1xf32>
    %get3A_44 = arith.constant 0 : index
    %get3A_45 = vector.load %arg3[%get3A_44] : memref<8192xf32, #tpu.memory_space<vmem>>, vector<8192xf32>
    %broadcast_in_dim3A_46 = vector.shape_cast %get3A_45 : vector<8192xf32> to vector<1x8192xf32>
    %mul3A_47 = vector.broadcast %broadcast_in_dim3A_43 : vector<64x1xf32> to vector<64x8192xf32>
    %mul3A_48 = vector.broadcast %broadcast_in_dim3A_46 : vector<1x8192xf32> to vector<64x8192xf32>
    %mul3A_49 = arith.mulf %mul3A_47, %mul3A_48 : vector<64x8192xf32>
    %add3A_50 = arith.addf %add3A_40, %mul3A_49 : vector<64x8192xf32>
    %slice3A_51 = vector.extract_strided_slice %get3A_5 {offsets = [2, 0], sizes = [1, 64], strides = [1, 1]} : vector<4x64xf32> to vector<1x64xf32>
    %squeeze3A_52 = vector.shape_cast %slice3A_51 : vector<1x64xf32> to vector<64xf32>
    %broadcast_in_dim3A_53 = vector.shape_cast %squeeze3A_52 : vector<64xf32> to vector<64x1xf32>
    %slice3A_54 = vector.extract_strided_slice %add3A {offsets = [2, 0], sizes = [1, 8192], strides = [1, 1]} : vector<4x8192xf32> to vector<1x8192xf32>
    %squeeze3A_55 = vector.shape_cast %slice3A_54 : vector<1x8192xf32> to vector<8192xf32>
    %broadcast_in_dim3A_56 = vector.shape_cast %squeeze3A_55 : vector<8192xf32> to vector<1x8192xf32>
    %mul3A_57 = vector.broadcast %broadcast_in_dim3A_53 : vector<64x1xf32> to vector<64x8192xf32>
    %mul3A_58 = vector.broadcast %broadcast_in_dim3A_56 : vector<1x8192xf32> to vector<64x8192xf32>
    %mul3A_59 = arith.mulf %mul3A_57, %mul3A_58 : vector<64x8192xf32>
    %add3A_60 = arith.addf %add3A_50, %mul3A_59 : vector<64x8192xf32>
    %slice3A_61 = vector.extract_strided_slice %get3A_8 {offsets = [2, 0], sizes = [1, 64], strides = [1, 1]} : vector<4x64xf32> to vector<1x64xf32>
    %squeeze3A_62 = vector.shape_cast %slice3A_61 : vector<1x64xf32> to vector<64xf32>
    %broadcast_in_dim3A_63 = vector.shape_cast %squeeze3A_62 : vector<64xf32> to vector<64x1xf32>
    %get3A_64 = arith.constant 0 : index
    %get3A_65 = vector.load %arg4[%get3A_64] : memref<8192xf32, #tpu.memory_space<vmem>>, vector<8192xf32>
    %broadcast_in_dim3A_66 = vector.shape_cast %get3A_65 : vector<8192xf32> to vector<1x8192xf32>
    %mul3A_67 = vector.broadcast %broadcast_in_dim3A_63 : vector<64x1xf32> to vector<64x8192xf32>
    %mul3A_68 = vector.broadcast %broadcast_in_dim3A_66 : vector<1x8192xf32> to vector<64x8192xf32>
    %mul3A_69 = arith.mulf %mul3A_67, %mul3A_68 : vector<64x8192xf32>
    %add3A_70 = arith.addf %add3A_60, %mul3A_69 : vector<64x8192xf32>
    %slice3A_71 = vector.extract_strided_slice %get3A_5 {offsets = [3, 0], sizes = [1, 64], strides = [1, 1]} : vector<4x64xf32> to vector<1x64xf32>
    %squeeze3A_72 = vector.shape_cast %slice3A_71 : vector<1x64xf32> to vector<64xf32>
    %broadcast_in_dim3A_73 = vector.shape_cast %squeeze3A_72 : vector<64xf32> to vector<64x1xf32>
    %slice3A_74 = vector.extract_strided_slice %add3A {offsets = [3, 0], sizes = [1, 8192], strides = [1, 1]} : vector<4x8192xf32> to vector<1x8192xf32>
    %squeeze3A_75 = vector.shape_cast %slice3A_74 : vector<1x8192xf32> to vector<8192xf32>
    %broadcast_in_dim3A_76 = vector.shape_cast %squeeze3A_75 : vector<8192xf32> to vector<1x8192xf32>
    %mul3A_77 = vector.broadcast %broadcast_in_dim3A_73 : vector<64x1xf32> to vector<64x8192xf32>
    %mul3A_78 = vector.broadcast %broadcast_in_dim3A_76 : vector<1x8192xf32> to vector<64x8192xf32>
    %mul3A_79 = arith.mulf %mul3A_77, %mul3A_78 : vector<64x8192xf32>
    %add3A_80 = arith.addf %add3A_70, %mul3A_79 : vector<64x8192xf32>
    %slice3A_81 = vector.extract_strided_slice %get3A_8 {offsets = [3, 0], sizes = [1, 64], strides = [1, 1]} : vector<4x64xf32> to vector<1x64xf32>
    %squeeze3A_82 = vector.shape_cast %slice3A_81 : vector<1x64xf32> to vector<64xf32>
    %broadcast_in_dim3A_83 = vector.shape_cast %squeeze3A_82 : vector<64xf32> to vector<64x1xf32>
    %get3A_84 = arith.constant 0 : index
    %get3A_85 = vector.load %arg5[%get3A_84] : memref<8192xf32, #tpu.memory_space<vmem>>, vector<8192xf32>
    %broadcast_in_dim3A_86 = vector.shape_cast %get3A_85 : vector<8192xf32> to vector<1x8192xf32>
    %mul3A_87 = vector.broadcast %broadcast_in_dim3A_83 : vector<64x1xf32> to vector<64x8192xf32>
    %mul3A_88 = vector.broadcast %broadcast_in_dim3A_86 : vector<1x8192xf32> to vector<64x8192xf32>
    %mul3A_89 = arith.mulf %mul3A_87, %mul3A_88 : vector<64x8192xf32>
    %add3A_90 = arith.addf %add3A_80, %mul3A_89 : vector<64x8192xf32>
    %max3A = arith.constant 0.000000e+00 : f32
    %max3A_91 = vector.broadcast %max3A : f32 to vector<64x8192xf32>
    %max3A_92 = arith.maximumf %add3A_90, %max3A_91 : vector<64x8192xf32>
    %get3A_93 = arith.constant 0 : index
    %get3A_94 = arith.constant 0 : index
    %get3A_95 = vector.load %arg9[%get3A_93, %get3A_94] : memref<1x64xf32, #tpu.memory_space<vmem>>, vector<1x64xf32>
    %reshape3A = vector.shape_cast %get3A_95 : vector<1x64xf32> to vector<64x1xf32>
    %mul3A_96 = vector.broadcast %reshape3A : vector<64x1xf32> to vector<64x8192xf32>
    %mul3A_97 = arith.mulf %max3A_92, %mul3A_96 : vector<64x8192xf32>
    %reduce_sum3A = arith.constant dense<0.000000e+00> : vector<8192xf32>
    %reduce_sum3A_98 = vector.multi_reduction <add>, %mul3A_97, %reduce_sum3A [0] : vector<64x8192xf32> to vector<8192xf32>
    %swap3A = arith.constant 0 : index
    %swap3A_99 = vector.load %arg12[%swap3A] : memref<8192xf32, #tpu.memory_space<vmem>>, vector<8192xf32>
    tpu.vector_store %arg12[%swap3A], %reduce_sum3A_98 {strides = array<i32>} : memref<8192xf32, #tpu.memory_space<vmem>>, vector<8192xf32>,
    %get3A_100 = arith.constant 0 : index
    %get3A_101 = arith.constant 0 : index
    %get3A_102 = vector.load %arg10[%get3A_100, %get3A_101] : memref<1x64xf32, #tpu.memory_space<vmem>>, vector<1x64xf32>
    %reshape3A_103 = vector.shape_cast %get3A_102 : vector<1x64xf32> to vector<64x1xf32>
    %mul3A_104 = vector.broadcast %reshape3A_103 : vector<64x1xf32> to vector<64x8192xf32>
    %mul3A_105 = arith.mulf %max3A_92, %mul3A_104 : vector<64x8192xf32>
    %reduce_sum3A_106 = arith.constant dense<0.000000e+00> : vector<8192xf32>
    %reduce_sum3A_107 = vector.multi_reduction <add>, %mul3A_105, %reduce_sum3A_106 [0] : vector<64x8192xf32> to vector<8192xf32>
    %get3A_108 = arith.constant 0 : index
    %get3A_109 = vector.load %arg11[%get3A_108] : memref<1xf32, #tpu.memory_space<vmem>>, vector<1xf32>
    %squeeze3A_110 = vector.extract %get3A_109[0] : f32 from vector<1xf32>
    %add3A_111 = vector.broadcast %squeeze3A_110 : f32 to vector<8192xf32>
    %add3A_112 = arith.addf %reduce_sum3A_107, %add3A_111 : vector<8192xf32>
    %swap3A_113 = arith.constant 0 : index
    %swap3A_114 = vector.load %arg13[%swap3A_113] : memref<8192xf32, #tpu.memory_space<vmem>>, vector<8192xf32>
    tpu.vector_store %arg13[%swap3A_113], %add3A_112 {strides = array<i32>} : memref<8192xf32, #tpu.memory_space<vmem>>, vector<8192xf32>,
    return
  }
  func.func @transform_0(%arg0: i32) -> (i32, i32) {
    %c0_i32 = arith.constant 0 : i32
    %c0_i32_0 = arith.constant 0 : i32
    return %c0_i32, %arg0 : i32, i32
  }
  func.func @transform_1(%arg0: i32) -> i32 {
    %c0_i32 = arith.constant 0 : i32
    return %arg0 : i32
  }
  func.func @transform_2(%arg0: i32) -> i32 {
    %c0_i32 = arith.constant 0 : i32
    return %arg0 : i32
  }
  func.func @transform_3(%arg0: i32) -> i32 {
    %c0_i32 = arith.constant 0 : i32
    return %arg0 : i32
  }
  func.func @transform_4(%arg0: i32) -> i32 {
    %c0_i32 = arith.constant 0 : i32
    return %arg0 : i32
  }
  func.func @transform_5(%arg0: i32) -> (i32, i32) {
    %c0_i32 = arith.constant 0 : i32
    %c0_i32_0 = arith.constant 0 : i32
    %c0_i32_1 = arith.constant 0 : i32
    return %c0_i32, %c0_i32_0 : i32, i32
  }
  func.func @transform_6(%arg0: i32) -> i32 {
    %c0_i32 = arith.constant 0 : i32
    %c0_i32_0 = arith.constant 0 : i32
    return %c0_i32 : i32
  }
  func.func @transform_7(%arg0: i32) -> (i32, i32) {
    %c0_i32 = arith.constant 0 : i32
    %c0_i32_0 = arith.constant 0 : i32
    %c0_i32_1 = arith.constant 0 : i32
    return %c0_i32, %c0_i32_0 : i32, i32
  }
  func.func @transform_8(%arg0: i32) -> (i32, i32) {
    %c0_i32 = arith.constant 0 : i32
    %c0_i32_0 = arith.constant 0 : i32
    %c0_i32_1 = arith.constant 0 : i32
    return %c0_i32, %c0_i32_0 : i32, i32
  }
  func.func @transform_9(%arg0: i32) -> (i32, i32) {
    %c0_i32 = arith.constant 0 : i32
    %c0_i32_0 = arith.constant 0 : i32
    %c0_i32_1 = arith.constant 0 : i32
    return %c0_i32, %c0_i32_0 : i32, i32
  }
  func.func @transform_10(%arg0: i32) -> i32 {
    %c0_i32 = arith.constant 0 : i32
    %c0_i32_0 = arith.constant 0 : i32
    return %c0_i32 : i32
  }
  func.func @transform_11(%arg0: i32) -> i32 {
    %c0_i32 = arith.constant 0 : i32
    return %arg0 : i32
  }
  func.func @transform_12(%arg0: i32) -> i32 {
    %c0_i32 = arith.constant 0 : i32
    return %arg0 : i32
  }
}

module attributes {stable_mosaic.version = 14 : i64} {
  func.func @_fin_body(%arg0: i32, %arg1: memref<2x8192xf32, #tpu.memory_space<vmem>>, %arg2: memref<8192xf32, #tpu.memory_space<vmem>>, %arg3: memref<8192xf32, #tpu.memory_space<vmem>>) attributes {dimension_semantics = [#tpu.dimension_semantics<arbitrary>], iteration_bounds = array<i64: 13>, scalar_prefetch = 0 : i64, scratch_operands = 0 : i64, tpu.core_type = #tpu.core_type<tc>, window_params = [{transform_indices = @transform_0, window_bounds = array<i64: 2, 8192>}, {transform_indices = @transform_1, window_bounds = array<i64: 8192>}, {transform_indices = @transform_2, window_bounds = array<i64: 8192>}]} {
    %get3A = arith.constant 0 : index
    %get3A_0 = arith.constant 0 : index
    %get3A_1 = vector.load %arg1[%get3A, %get3A_0] : memref<2x8192xf32, #tpu.memory_space<vmem>>, vector<2x8192xf32>
    %slice3A = vector.extract_strided_slice %get3A_1 {offsets = [0, 0], sizes = [1, 8192], strides = [1, 1]} : vector<2x8192xf32> to vector<1x8192xf32>
    %squeeze3A = vector.shape_cast %slice3A : vector<1x8192xf32> to vector<8192xf32>
    %slice3A_2 = vector.extract_strided_slice %get3A_1 {offsets = [1, 0], sizes = [1, 8192], strides = [1, 1]} : vector<2x8192xf32> to vector<1x8192xf32>
    %squeeze3A_3 = vector.shape_cast %slice3A_2 : vector<1x8192xf32> to vector<8192xf32>
    %add3A = arith.addf %squeeze3A, %squeeze3A_3 : vector<8192xf32>
    %get3A_4 = arith.constant 0 : index
    %get3A_5 = vector.load %arg2[%get3A_4] : memref<8192xf32, #tpu.memory_space<vmem>>, vector<8192xf32>
    %add3A_6 = arith.addf %add3A, %get3A_5 : vector<8192xf32>
    %swap3A = arith.constant 0 : index
    %swap3A_7 = vector.load %arg3[%swap3A] : memref<8192xf32, #tpu.memory_space<vmem>>, vector<8192xf32>
    tpu.vector_store %arg3[%swap3A], %add3A_6 {strides = array<i32>} : memref<8192xf32, #tpu.memory_space<vmem>>, vector<8192xf32>,
    return
  }
  func.func @transform_0(%arg0: i32) -> (i32, i32) {
    %c0_i32 = arith.constant 0 : i32
    %c0_i32_0 = arith.constant 0 : i32
    return %c0_i32, %arg0 : i32, i32
  }
  func.func @transform_1(%arg0: i32) -> i32 {
    %c0_i32 = arith.constant 0 : i32
    return %arg0 : i32
  }
  func.func @transform_2(%arg0: i32) -> i32 {
    %c0_i32 = arith.constant 0 : i32
    return %arg0 : i32
  }
}

</mosaic_0001>

<sc_bundles>
// kernel: kernel.6.cloned.1.call-start
scs
__scs_entry_jumppad:
0x0: {  	(pc) =	sbr.rel $0x88, $3  }
0x1: {  	(tag) =	ssettag $0x0;
	lr =	simm.s32 $0x1  }
0x2: {  	[smem:$0x3F98] =	sst lr;
	_ =	strace $0xD0000000  }
0x3: {  	_ = 	snop  }
0x4: {  	_ = 	snop  }
0x5: {  	_ = 	snop  }
0x6: {  	_ = 	snop  }
0x7: {  	_ = 	snop  }
__scs_overlays_trampoline_lowered:
0x8: {  	[smem:$0x3FA7] =	sst s0  }
0x9: {  	[smem:$0x3FA8] =	sst s1  }
0xa: {  	[smem:$0x3FA9] =	sst s2  }
0xb: {  	[smem:$0x3FAA] =	sst s3  }
0xc: {  	[smem:$0x3FAB] =	sst s4  }
0xd: {  	[smem:$0x3FAC] =	sst s5  }
0xe: {  	[smem:$0x3FAD] =	sst s6  }
0xf: {  	[smem:$0x3FAE] =	sst s7  }
0x10: {  	[smem:$0x3FAF] =	sst s8  }
0x11: {  	[smem:$0x3FB0] =	sst s9;
	s0 =	simm.s32 @!p0 $0x0  }
0x12: {  	s1 =	sld [smem:$0x3F96];
	s0 =	simm.s32 @p0 $0x1  }
0x13: {  	[smem:$0x3FB1] =	sst s0;
	s0 =	simm.s32 @!p1 $0x0  }
0x14: {  	s2 =	sld [smem:$0x3F95];
	s0 =	simm.s32 @p1 $0x1  }
0x15: {  	[smem:$0x3FB2] =	sst s0;
	s0 =	simm.s32 @!p2 $0x0  }
0x16: {  	s3 =	sld [smem:$0x3FDB];
	s0 =	simm.s32 @p2 $0x1  }
0x17: {  	s4 =	simm.s32 $0x1BF5;
	[smem:$0x3FB4] =	sst s0  }
0x18: {  	s0 =	sld [smem:$0x3F97];
	_ =	swait.ge [sflag:s4], $0x0  }
0x19: {  	s7 =	sld [smem:$0x3F98]  }
0x1a: {  	s8 =	sadd.s32 $0xFFFFE003, lr  }
0x1b: {  	s9 =	sadd.s32 $0xFFFFFEF7, lr;
	s5 =	simm.s32 $0xFFFFFFFF;
	p2 =	slt.u32 s8, $0xFFFFF086  }
0x1c: {  	p1 =	slt.u32 s9, $0xF7A;
	s5 =	simm.s32 @!p2 $0x0  }
0x1d: {  	s5 =	simm.s32 @p1 $0x1;
	p0 =	seq.s32 s7, s2  }
0x1e: {  	s7 =	smul.u32 @!p0 $0xF7A, s2;
	p2 =	seq.s32 @!p0 s5, $0x0  }
0x1f: {  	s9 =	smul.u32 $0xF7A, s1;
	s8 =	simm.s32 @!p0 $0x1BF5;
	p2 =	por !p2, p0  }
0x20: {  	[sflag:s8] =	ssyncset.s32 @!p0 $0xFFFFF086;
	s6 =	sadd.s32 @!p0 s3, s7;
	s7 =	simm.s32 @!p0 $0x108  }
0x21: {  	s3 =	sadd.s32 s3, s9;
	s6 =	sadd.s32 @!p0 $0x88, s6;
	s7 =	simm.s32 @p2 $0x1082  }
0x22: {  	[simem:s7], [sflag:s8] =	dma.local @!p0 [hbm:s6], $0xF7A  }
0x23: {  	s9 =	sor.u32 $0xD0000000, s2;
	s6 =	simm.s32 $0x108;
	_ =	swait.ge @!p0 [sflag:s8], $0x0  }
0x24: {  	s3 =	sadd.s32 $0x88, s3;
	s6 =	simm.s32 @!p1 $0x1082;
	[sflag:s4] =	ssyncset.s32 $0xFFFFF086  }
0x25: {  	[simem:s6], [sflag:s4] =	dma.local [hbm:s3], $0xF7A  }
0x26: {  	[smem:$0x3F98] =	sst s1;
	(tag) =	ssettag s2;
	_ =	strace s9  }
0x27: {  	s1 =	sld [smem:$0x3FA8]  }
0x28: {  	s2 =	sld [smem:$0x3FA9]  }
0x29: {  	s4 =	sld [smem:$0x3FAB]  }
0x2a: {  	p0 =	seq.s32 s5, $0x0;
	s5 =	sld [smem:$0x3FAC]  }
0x2b: {  	s6 =	sld [smem:$0x3FAD]  }
0x2c: {  	s7 =	sld [smem:$0x3FAE]  }
0x2d: {  	s3 =	simm.s32 $0x108;
	s8 =	sld [smem:$0x3FAF]  }
0x2e: {  	s3 =	simm.s32 @!p0 $0x1082;
	s9 =	sld [smem:$0x3FB0]  }
0x2f: {  	lr =	sadd.s32 s0, s3;
	s0 =	sld [smem:$0x3FA7]  }
0x30: {  	s3 =	sld [smem:$0x3FAA]  }
0x31: {  	[smem:$0x3FB3] =	sst s10  }
0x32: {  	s10 =	sld [smem:$0x3FB1];
	_ =	sdelay $0x3  }
0x33: {  	p0 =	seq.s32 s10, $0x1;
	s10 =	sld [smem:$0x3FB3];
	_ =	sdelay $0x3  }
0x34: {  	[smem:$0x3FB3] =	sst s10  }
0x35: {  	s10 =	sld [smem:$0x3FB2];
	_ =	sdelay $0x3  }
0x36: {  	p1 =	seq.s32 s10, $0x1;
	s10 =	sld [smem:$0x3FB3];
	_ =	sdelay $0x3  }
0x37: {  	[smem:$0x3FB3] =	sst s10  }
0x38: {  	s10 =	sld [smem:$0x3FB4]  }
0x39: {  	_ = 	snop;
	(pc) =	sbr.ind lr, $3  }
0x3a: {  	_ = 	snop  }
0x3b: {  	_ = 	snop  }
0x3c: {  	p2 =	seq.s32 s10, $0x1;
	s10 =	sld [smem:$0x3FB3]  }
0x3d: {  	_ =	shalt  }
0x3e: {  	_ =	shalt  }
0x3f: {  	_ =	shalt  }
0x40: {  	_ =	shalt  }
0x41: {  	_ =	shalt  }
0x42: {  	_ =	shalt  }
0x43: {  	_ =	shalt  }
0x44: {  	_ =	shalt  }
0x45: {  	_ =	shalt  }
0x46: {  	_ =	shalt  }
0x47: {  	_ =	shalt  }
0x48: {  	_ =	shalt  }
0x49: {  	_ =	shalt  }
0x4a: {  	_ =	shalt  }
0x4b: {  	_ =	shalt  }
0x4c: {  	_ =	shalt  }
0x4d: {  	_ =	shalt  }
0x4e: {  	_ =	shalt  }
0x4f: {  	_ =	shalt  }
0x50: {  	_ =	shalt  }
0x51: {  	_ =	shalt  }
0x52: {  	_ =	shalt  }
0x53: {  	_ =	shalt  }
0x54: {  	_ =	shalt  }
0x55: {  	_ =	shalt  }
0x56: {  	_ =	shalt  }
0x57: {  	_ =	shalt  }
0x58: {  	_ =	shalt  }
0x59: {  	_ =	shalt  }
0x5a: {  	_ =	shalt  }
0x5b: {  	_ =	shalt  }
0x5c: {  	_ =	shalt  }
0x5d: {  	_ =	shalt  }
0x5e: {  	_ =	shalt  }
0x5f: {  	_ =	shalt  }
0x60: {  	_ =	shalt  }
0x61: {  	_ =	shalt  }
0x62: {  	_ =	shalt  }
0x63: {  	_ =	shalt  }
0x64: {  	_ =	shalt  }
0x65: {  	_ =	shalt  }
0x66: {  	_ =	shalt  }
0x67: {  	_ =	shalt  }
0x68: {  	_ =	shalt  }
0x69: {  	_ =	shalt  }
0x6a: {  	_ =	shalt  }
0x6b: {  	_ =	shalt  }
0x6c: {  	_ =	shalt  }
0x6d: {  	_ =	shalt  }
0x6e: {  	_ =	shalt  }
0x6f: {  	_ =	shalt  }
0x70: {  	_ =	shalt  }
0x71: {  	_ =	shalt  }
0x72: {  	_ =	shalt  }
0x73: {  	_ =	shalt  }
0x74: {  	_ =	shalt  }
0x75: {  	_ =	shalt  }
0x76: {  	_ =	shalt  }
0x77: {  	_ =	shalt  }
0x78: {  	_ =	shalt  }
0x79: {  	_ =	shalt  }
0x7a: {  	_ =	shalt  }
0x7b: {  	_ =	shalt  }
0x7c: {  	_ =	shalt  }
0x7d: {  	_ =	shalt  }
0x7e: {  	_ =	shalt  }
0x7f: {  	_ =	shalt  }
0x80: {  	_ =	shalt  }
0x81: {  	_ =	shalt  }
0x82: {  	_ =	shalt  }
0x83: {  	_ =	shalt  }
0x84: {  	_ =	shalt  }
0x85: {  	_ =	shalt  }
0x86: {  	_ =	shalt  }
0x87: {  	_ =	shalt  }
.Lfunc_end0:
.L_simem_size_0:
called_computation_lowered:
.L_overlay_start_0:
0x88: {  	s2 =	sld [smem:$0x3FD9]  }
0x89: {  	s3 =	sld [smem:$0x3FFE];
	_ =	sdelay $0x1  }
0x8a: {  	s1 =	srdreg.scid  }
0x8b: {  	s0 =	sand.u32 $0x1, s1  }
0x8c: {  	s17 =	sshll.u32 s0, $0xA;
	s2 =	sadd.s32 s3, s2  }
0x8d: {  	s2 =	sadd.s32 s2, s17  }
0x8e: {  	[smem:$0x3FBF] =	sst s2  }
0x8f: {  	_ = 	snop  }
0x90: {  	s2 =	sld [smem:$0x3FC7];
	(tm) =	ssettm $0x1  }
0x91: {  	s18 =	sld [smem:$0x3FFB];
	_ =	sdelay $0x3  }
0x92: {  	_ =	strace s18  }
0x93: {  	s3 =	sld [smem:$0x3FFC];
	_ =	sdelay $0x3  }
0x94: {  	_ =	strace s3  }
0x95: {  	s3 =	sld [smem:$0x3FFD];
	_ =	sdelay $0x3  }
0x96: {  	_ =	strace s3  }
0x97: {  	_ =	strace $0x8FFFFFFF  }
0x98: {  	s19 =	sld [smem:$0x3FDB];
	_ =	sdelay $0x1  }
0x99: {  	s4 =	simm.s32 $_scs_section_size  }
0x9a: {  	s5 =	simm.s32 $_size__tile_overlayer_lowered;
	s6 =	simm.s32 $_tile_overlayer_lowered  }
0x9b: {  	s22 =	simm.s32 $0x1BFF;
	s21 =	sshll.u32 s6, $0x1;
	s3 =	sadd.s32 s4, s19  }
0x9c: {  	s7 =	simm.s32 $0x0;
	s20 =	sshll.u32 s5, $0x1;
	s5 =	sadd.s32 s21, s3  }
0x9d: {  	[timem:s7], [sflag:s22] =	dma.local [hbm:s5], s20  }
0x9e: {  	_ =	swait.ge [sflag:s22], s20  }
0x9f: {  	s4 =	ssub.s32 $0x0, s20;
	[sflag:s22] =	ssyncset.done $0x0  }
0xa0: {  	[sflag:s22] =	ssyncadd.s32 s4;
	_ =	sdelay $0x1  }
0xa1: {  	s23 =	simm.s32 $0x1B8B  }
0xa2: {  	_ =	swait.ge [sflag:s23], $0x1  }
0xa3: {  	[sflag:s23] =	ssyncset.done $0x0  }
0xa4: {  	s25 =	simm.s32 $0x1B8E;
	s24 =	sld [smem:$0x3FFE];
	[sflag:s23] =	ssyncadd.s32 $0xFFFFFFFF  }
0xa5: {  	s26 =	simm.s32 $execute0_lowered;
	[smem:$0x3FD2] =	sst s25  }
0xa6: {  	s5 =	sshll.u32 s26, $0x1;
	_ =	strace $0x80000046;
	[dreg:$0x1] =	wrdreg $0xFFFFFFFF  }
0xa7: {  	s28 =	simm.s32 $_size_execute0_lowered;
	s3 =	sadd.s32 s3, s5;
	[dreg:$0x0] =	wrdreg $0x0  }
0xa8: {  	s5 =	sshll.u32 s28, $0x1;
	[dreg:$0x2] =	wrdreg s3  }
0xa9: {  	[dreg:$0x3] =	wrdreg s5  }
0xaa: {  	[dreg:$0x4] =	wrdreg $0xC0  }
0xab: {  	_ =	task [dreg:s7], $0x5FFFF  }
0xac: {  	[dreg:$0x1] =	wrdreg $0xFFFFFFFF  }
0xad: {  	[dreg:$0x0] =	wrdreg $0x60  }
0xae: {  	[dreg:$0x2] =	wrdreg s24  }
0xaf: {  	[dreg:$0x3] =	wrdreg s2  }
0xb0: {  	[dreg:$0x4] =	wrdreg $0x0  }
0xb1: {  	[dreg:$0x5] =	wrdreg $0x9  }
0xb2: {  	_ =	task.clear_ibuf [dreg:s7], $0x6FFFF;
	_ =	strace $0x90000046  }
0xb3: {  	s29 =	simm.s32 $0x9;
	_ =	strace $0x80000048  }
0xb4: {  	_ =	swait.ge [sflag:s29], $0x1  }
0xb5: {  	[sflag:s29] =	ssyncadd.s32 $0xFFFFFFFF  }
0xb6: {  	_ =	strace $0x90000048  }
0xb7: {  	_ =	sfence  }
0xb8: {  	s30 =	sld [smem:$0x0];
	_ =	sdelay $0x2  }
0xb9: {  	s31 =	sshll.u32 s1, $0xD;
	s1 =	sshrl.u32 s1, $0x2  }
0xba: {  	s3 =	sand.u32 $0x4000, s31;
	s1 =	sadd.s32 s1, s30  }
0xbb: {  	s0 =	sor.u32 s3, s0;
	s1 =	sshll.u32 s1, $0x11  }
0xbc: {  	s0 =	sor.u32 s1, s0  }
0xbd: {  	s0 =	sadd.s32 $0x8F2B, s0  }
0xbe: {  	[sflag:s0] =	ssyncadd.remote.s32 $0x1  }
0xbf: {  	_ =	sfence.sel $0xFFFF  }
0xc0: {  	[dreg:$0x0] =	wrdreg $0xFFFFFFFF;
	(pc) =	sbr.abs _section_cstart, $3  }
0xc1: {  	[dreg:$0x1] =	wrdreg $0xFFFFFFFF  }
0xc2: {  	_ =	task.clear_ibuf [dreg:s7], $0x2FFFF;
	_ =	strace $0x9FFFFFFF  }
0xc3: {  	(tm) =	ssettm $0x7FFFFFFF  }
tec
execute0_lowered:
.L_overlay_start_1:
0x0: {  	(tag) =	ssettag $0x1  }
0x1: {  	s0 =	rddreg [dreg:$0x0]  }
0x2: {  	s1 =	rddreg [dreg:$0x1]  }
0x3: {  	s2 =	rddreg [dreg:$0x2];
	s4 =	simm.s32 $0x0;
	s3 =	srdreg.scid  }
0x4: {  	s9 =	stileid.u32;
	s28 =	simm.s32 $0x1;
	s16 =	simm.s32 $0x1E560  }
0x5: {  	s17 =	simm.s32 $0x2;
	[smem:$0x7FF] =	sst s4;
	s3 =	sand.u32 $0x1, s3  }
0x6: {  	s5 =	sadd.s32 $0xD200, s0;
	s6 =	smul.u32 $0x1870, s9;
	s8 =	sadd.s32 $0xA000, s0  }
0x7: {  	s19 =	sadd.s32 $0x6E00, s0;
	_ =	strace $0x80000047;
	[dreg:$0x4] =	wrdreg s8  }
0x8: {  	s20 =	sadd.s32 $0x3C00, s0;
	s21 =	sadd.s32 $0xA00, s0;
	[dreg:$0x5] =	wrdreg s19  }
0x9: {  	s7 =	sshll.u32 s3, $0x4;
	s18 =	smul.u32 $0x61A80, s3;
	[dreg:$0x6] =	wrdreg s20  }
0xa: {  	[dreg:$0x7] =	wrdreg s21;
	s3 =	ssub.s32 $0x2, s3;
	s7 =	sor.u32 s9, s7  }
0xb: {  	s6 =	smin.u32 s6, $0x16E30;
	s23 =	sshrl.u32 s3, $0x1;
	s9 =	simm.s32 $0x1D5C0  }
0xc: {  	s7 =	smul.u32 $0x186A0, s7;
	s8 =	sadd.s32 s18, s6;
	s3 =	ssub.s32 s3, s23  }
0xd: {  	s11 =	sadd.s32 s6, s2;
	s6 =	simm.s32 $0x1C620;
	s18 =	simm.s32 $0x0  }
0xe: {  	s8 =	sshrl.u32 s8, $0x3;
	s31 =	smax.u32 s3, $0x1;
	s21 =	sadd.s32 $0x7D0, s11  }
0xf: {  	s23 =	sadd.s32 $0x10A0, s11;
	s3 =	simm.s32 $0x1B680;
	s22 =	sshrl.u32 s7, $0x3  }
0x10: {  	s0 =	sadd.s32 s8, s0;
	s14 =	sadd.s32 $0x7D0, s7;
	s15 =	sadd.s32 $0xFA0, s7  }
0x11: {  	[dreg:$0xe] =	wrdreg s31;
	s7 =	simm.s32 $0x7D0;
	s25 =	sadd.s32 s1, s22  }
0x12: {  	s8 =	simm.s32 $0x1CDF0;
	s26 =	sadd.s32 $0xD0800, s0;
	[dreg:$0x9] =	wrdreg s25  }
0x13: {  	s10 =	sadd.s32 s5, s22;
	s29 =	sadd.s32 $0xD38D4, s0;
	[dreg:$0xa] =	wrdreg s26  }
0x14: {  	s30 =	sadd.s32 $0xD69A8, s0;
	s0 =	sadd.s32 $0xD9A7C, s0;
	[dreg:$0xb] =	wrdreg s29  }
0x15: {  	s22 =	sadd.s32 $0xFA0, s11;
	s24 =	sadd.s32 $0x61A80, s10;
	[dreg:$0xc] =	wrdreg s30  }
0x16: {  	[dreg:$0xd] =	wrdreg s0;
	s25 =	simm.s32 $0x1DD90;
	s26 =	simm.s32 $0x3  }
0x17: {  	v0 =	vimm.f32 $0.0e+00;
	s0 =	simm.s32 $0x1A6E0;
	[dreg:$0x8] =	wrdreg s24;
	s24 =	simm.s32 $0x1870  }
.LBB2_1:
0x18: {  	s12 =	rddreg [dreg:$0x4]  }
0x19: {  	[tilespmem:s24], [sflag:$0x1] =	stream.linear.gather [hbm4b:s12+s4], $0x186A0, $0x38;
	[tilespmem:$0x1ED30] =	vst v63  }
0x1a: {  	s13 =	simm.s32 $0x0;
	s12 =	simm.s32 $0x40  }
.LBB2_2:
0x1b: {  	p0 =	sne.s32 s12, $0x1F00;
	[tilespmem:s13+$0x1DD90] =	vst v0;
	s13 =	smov.u32 s12;
	s12 =	sadd.s32 $0x40, s12  }
.Ltmp0:
0x1c: {  	(pc) =	sbr.rel @p0 .LBB2_2-.Ltmp0, $2  }
0x1d: {  	_ =	sdelay $0x2  }
0x1e: {  	s13 =	sshra.s32 s13, $0x2  }
0x1f: {  	[tilespmem:s13+$0x1DD90] =	vst v0  }
0x20: {  	[spmem:s11] =	stream.linear.scatter [tilespmem:s25], [sflag:$0x3], $0x7D0, $0x38;
	[tilespmem:$0x1ED30] =	vst v63  }
0x21: {  	_ =	swait.ge [sflag:s26], $0x7D0  }
0x22: {  	[sflag:s26] =	ssyncset.done $0x0  }
0x23: {  	[sflag:s26] =	ssyncadd.s32 $0xFFFFF830  }
0x24: {  	[spmem:s21] =	stream.linear.scatter [tilespmem:s25], [sflag:$0x3], $0x7D0, $0x38;
	[tilespmem:$0x1ED30] =	vst v63  }
0x25: {  	_ =	swait.ge [sflag:s26], $0x7D0  }
0x26: {  	[sflag:s26] =	ssyncset.done $0x0  }
0x27: {  	[sflag:s26] =	ssyncadd.s32 $0xFFFFF830  }
0x28: {  	[spmem:s22] =	stream.linear.scatter [tilespmem:s25], [sflag:$0x3], $0x7D0, $0x38;
	[tilespmem:$0x1ED30] =	vst v63  }
0x29: {  	_ =	swait.ge [sflag:s26], $0x7D0  }
0x2a: {  	[sflag:s26] =	ssyncset.done $0x0  }
0x2b: {  	[sflag:s26] =	ssyncadd.s32 $0xFFFFF830  }
0x2c: {  	[spmem:s23] =	stream.linear.scatter [tilespmem:s25], [sflag:$0x3], $0x7D0, $0x38;
	[tilespmem:$0x1ED30] =	vst v63  }
0x2d: {  	_ =	swait.ge [sflag:s26], $0x7D0  }
0x2e: {  	[sflag:s26] =	ssyncset.done $0x0  }
0x2f: {  	[sflag:s26] =	ssyncadd.s32 $0xFFFFF830  }
0x30: {  	_ =	swait.ge [sflag:s28], $0x186A0  }
0x31: {  	[sflag:s28] =	ssyncset.done $0x0  }
0x32: {  	[sflag:s28] =	ssyncadd.s32 $0xFFFE7960  }
0x33: {  	s19 =	simm.s32 $0x0;
	s12 =	simm.s32 $0x19F10;
	[bflag:$0x0] =	sbarrier.arrive $0xFFFF  }
0x34: {  	[tilespmem:s12], [sflag:$0x1] =	stream.linear.gather [hbm4b:s10+s19], $0x7D0, $0x38;
	[tilespmem:$0x1ED30] =	vst v63  }
0x35: {  	s29 =	simm.s32 $0x1AEB0;
	s20 =	rddreg [dreg:$0x8]  }
0x36: {  	[tilespmem:s29], [sflag:$0x1] =	stream.linear.gather [hbm4b:s20+s19], $0x7D0, $0x38;
	[tilespmem:$0x1ED30] =	vst v63  }
0x37: {  	s31 =	simm.s32 $0x1BE50;
	s30 =	rddreg [dreg:$0x9]  }
0x38: {  	[tilespmem:s31], [sflag:$0x1] =	stream.linear.gather [hbm4b:s30+s19], $0x7D0, $0x38;
	[tilespmem:$0x1ED30] =	vst v63  }
.LBB2_4:
0x39: {  	s20 =	smul.u32 $0xFA0, s19;
	_ =	sdelay $0x1  }
0x3a: {  	s12 =	sadd.s32 s20, s14  }
0x3b: {  	s12 =	sshrl.u32 s12, $0x3  }
0x3c: {  	s13 =	sadd.s32 s5, s12  }
0x3d: {  	[tilespmem:s0], [sflag:$0x1] =	stream.linear.gather [hbm4b:s13+s4], $0x7D0, $0x38;
	[tilespmem:$0x1ED30] =	vst v63  }
0x3e: {  	s13 =	sadd.s32 $0x61A80, s13  }
0x3f: {  	[tilespmem:s3], [sflag:$0x1] =	stream.linear.gather [hbm4b:s13+s4], $0x7D0, $0x38;
	[tilespmem:$0x1ED30] =	vst v63  }
0x40: {  	s12 =	sadd.s32 s1, s12  }
0x41: {  	[tilespmem:s6], [sflag:$0x1] =	stream.linear.gather [hbm4b:s12+s4], $0x7D0, $0x38;
	[tilespmem:$0x1ED30] =	vst v63  }
0x42: {  	_ =	swait.ge [sflag:s28], $0x7D0  }
0x43: {  	[sflag:s28] =	ssyncset.done $0x0  }
0x44: {  	[sflag:s28] =	ssyncadd.s32 $0xFFFFF830  }
0x45: {  	_ =	swait.ge [sflag:s28], $0x7D0  }
0x46: {  	[sflag:s28] =	ssyncset.done $0x0  }
0x47: {  	[sflag:s28] =	ssyncadd.s32 $0xFFFFF830  }
0x48: {  	_ =	swait.ge [sflag:s28], $0x7D0  }
0x49: {  	p0 =	seq.s32 s19, $0x0;
	[sflag:s28] =	ssyncset.done $0x0  }
0x4a: {  	s12 =	simm.s32 @!p0 $0x2;
	[sflag:s28] =	ssyncadd.s32 $0xFFFFF830  }
0x4b: {  	_ =	swait.ge @!p0 [sflag:s12], $0x7D0  }
0x4c: {  	[sflag:s12] =	ssyncset.done @!p0 $0x0  }
0x4d: {  	s29 =	simm.s32 $0x0;
	[sflag:s12] =	ssyncadd.s32 @!p0 $0xFFFFF830  }
0x4e: {  	v2 =	vld [tilespmem:s29+$0x19F10];
	_ =	sdelay $0x2  }
0x4f: {  	v3 =	vld [tilespmem:s29+$0x1AEB0];
	_ =	sdelay $0x3  }
0x50: {  	v1 =	vld [tilespmem:s29+$0x1BE50]  }
0x51: {  	s30 =	simm.s32 $0x10;
	s12 =	simm.s32 $0x80;
	v2 =	vld.idx.msk [tilespmem:v2+s24+$0x0], $0xffff;
	[tilespmem:s29+$0x1CDF0] =	vst v3  }
.LBB2_5:
0x52: {  	p1 =	sne.s32 s12, $0x1F00;
	v3 =	vld [tilespmem:s30+$0x19F10];
	_ =	sdelay $0x2  }
0x53: {  	v4 =	vld [tilespmem:s30+$0x1AEB0]  }
.Ltmp1:
0x54: {  	(pc) =	sbr.rel @p1 .LBB2_5-.Ltmp1, $3  }
0x55: {  	v2 =	vmul.f32 v1, v2;
	_ =	sdelay $0x1  }
0x56: {  	v1 =	vld [tilespmem:s30+$0x1BE50];
	[tilespmem:s29+$0x1DD90] =	vst v2;
	s29 =	smov.u32 s30  }
0x57: {  	s30 =	sshra.s32 s12, $0x2;
	s12 =	sadd.s32 $0x40, s12;
	v2 =	vld.idx.msk [tilespmem:v3+s24+$0x0], $0xffff;
	[tilespmem:s29+$0x1CDF0] =	vst v4  }
0x58: {  	v3 =	vld [tilespmem:s30+$0x19F10];
	_ =	sdelay $0x4  }
0x59: {  	v1 =	vmul.f32 v1, v2  }
0x5a: {  	v4 =	vld [tilespmem:s30+$0x1AEB0]  }
0x5b: {  	v2 =	vld [tilespmem:s30+$0x1BE50];
	[tilespmem:s29+$0x1DD90] =	vst v1  }
0x5c: {  	v1 =	vld.idx.msk [tilespmem:v3+s24+$0x0], $0xffff;
	_ =	sdelay $0x4  }
0x5d: {  	p1 =	sgt.u32 s19, $0x17;
	v1 =	vmul.f32 v2, v1  }
0x5e: {  	s12 =	sadd.s32 @!p1 s20, s15;
	[tilespmem:s30+$0x1CDF0] =	vst v4  }
0x5f: {  	s12 =	sshrl.u32 @!p1 s12, $0x3;
	[tilespmem:s30+$0x1DD90] =	vst v1  }
0x60: {  	[spmem:s2] =	stream.indirect.scatter.add.f32 [tilespmem:s25], [sflag:$0x2], $0x1, s8, s7, $0xb8;
	[tilespmem:$0x1ED30] =	vst v63  }
0x61: {  	s20 =	simm.s32 @!p1 $0x0;
	s13 =	sadd.s32 @!p1 s5, s12;
	s29 =	simm.s32 @!p1 $0x19F10  }
0x62: {  	[tilespmem:s29], [sflag:$0x1] =	stream.linear.gather @!p1 [hbm4b:s13+s20], $0x7D0, $0x38;
	[tilespmem:$0x1ED30] =	vst v63  }
0x63: {  	s13 =	sadd.s32 @!p1 $0x61A80, s13;
	s29 =	simm.s32 @!p1 $0x1AEB0  }
0x64: {  	[tilespmem:s29], [sflag:$0x1] =	stream.linear.gather @!p1 [hbm4b:s13+s20], $0x7D0, $0x38;
	[tilespmem:$0x1ED30] =	vst v63  }
0x65: {  	s12 =	sadd.s32 @!p1 s1, s12;
	s13 =	simm.s32 @!p1 $0x1BE50  }
0x66: {  	[tilespmem:s13], [sflag:$0x1] =	stream.linear.gather @!p1 [hbm4b:s12+s20], $0x7D0, $0x38;
	[tilespmem:$0x1ED30] =	vst v63  }
0x67: {  	_ =	swait.ge [sflag:s28], $0x7D0  }
0x68: {  	[sflag:s28] =	ssyncset.done $0x0  }
0x69: {  	[sflag:s28] =	ssyncadd.s32 $0xFFFFF830  }
0x6a: {  	_ =	swait.ge [sflag:s28], $0x7D0  }
0x6b: {  	[sflag:s28] =	ssyncset.done $0x0  }
0x6c: {  	[sflag:s28] =	ssyncadd.s32 $0xFFFFF830  }
0x6d: {  	_ =	swait.ge [sflag:s28], $0x7D0  }
0x6e: {  	[sflag:s28] =	ssyncset.done $0x0  }
0x6f: {  	s12 =	simm.s32 @!p0 $0x2;
	[sflag:s28] =	ssyncadd.s32 $0xFFFFF830  }
0x70: {  	_ =	swait.ge @!p0 [sflag:s12], $0x7D0  }
0x71: {  	[sflag:s12] =	ssyncset.done @!p0 $0x0  }
0x72: {  	s20 =	simm.s32 $0x0;
	[sflag:s12] =	ssyncadd.s32 @!p0 $0xFFFFF830  }
0x73: {  	v2 =	vld [tilespmem:s20+$0x1A6E0];
	_ =	sdelay $0x2  }
0x74: {  	v3 =	vld [tilespmem:s20+$0x1B680];
	_ =	sdelay $0x3  }
0x75: {  	v1 =	vld [tilespmem:s20+$0x1C620]  }
0x76: {  	s29 =	simm.s32 $0x10;
	s12 =	simm.s32 $0x80;
	v2 =	vld.idx.msk [tilespmem:v2+s24+$0x0], $0xffff;
	[tilespmem:s20+$0x1D5C0] =	vst v3  }
.LBB2_7:
0x77: {  	p0 =	sne.s32 s12, $0x1F00;
	v3 =	vld [tilespmem:s29+$0x1A6E0];
	_ =	sdelay $0x2  }
0x78: {  	v4 =	vld [tilespmem:s29+$0x1B680]  }
.Ltmp2:
0x79: {  	(pc) =	sbr.rel @p0 .LBB2_7-.Ltmp2, $3  }
0x7a: {  	v2 =	vmul.f32 v1, v2;
	_ =	sdelay $0x1  }
0x7b: {  	v1 =	vld [tilespmem:s29+$0x1C620];
	[tilespmem:s20+$0x1E560] =	vst v2;
	s20 =	smov.u32 s29  }
0x7c: {  	s29 =	sshra.s32 s12, $0x2;
	s12 =	sadd.s32 $0x40, s12;
	v2 =	vld.idx.msk [tilespmem:v3+s24+$0x0], $0xffff;
	[tilespmem:s20+$0x1D5C0] =	vst v4  }
0x7d: {  	v3 =	vld [tilespmem:s29+$0x1A6E0];
	_ =	sdelay $0x4  }
0x7e: {  	v1 =	vmul.f32 v1, v2  }
0x7f: {  	v4 =	vld [tilespmem:s29+$0x1B680]  }
0x80: {  	v2 =	vld [tilespmem:s29+$0x1C620];
	[tilespmem:s20+$0x1E560] =	vst v1  }
0x81: {  	v1 =	vld.idx.msk [tilespmem:v3+s24+$0x0], $0xffff;
	_ =	sdelay $0x1  }
0x82: {  	s19 =	sadd.s32 $0x1, s19  }
0x83: {  	p0 =	sne.s32 s19, $0x19  }
.Ltmp3:
0x84: {  	_ = 	snop;
	(pc) =	sbr.rel @p0 .LBB2_4-.Ltmp3, $4  }
0x85: {  	v1 =	vmul.f32 v2, v1  }
0x86: {  	[tilespmem:s29+$0x1D5C0] =	vst v4  }
0x87: {  	[tilespmem:s29+$0x1E560] =	vst v1  }
0x88: {  	[spmem:s2] =	stream.indirect.scatter.add.f32 [tilespmem:s16], [sflag:$0x2], $0x1, s9, s7, $0xb8;
	[tilespmem:$0x1ED30] =	vst v63  }
0x89: {  	_ =	swait.ge [sflag:s17], $0x7D0  }
0x8a: {  	[sflag:s17] =	ssyncset.done $0x0  }
0x8b: {  	[sflag:s17] =	ssyncadd.s32 $0xFFFFF830  }
0x8c: {  	_ =	swait.ge [sflag:s17], $0x7D0  }
0x8d: {  	[sflag:s17] =	ssyncset.done $0x0  }
0x8e: {  	s12 =	stileid.u32;
	[sflag:s17] =	ssyncadd.s32 $0xFFFFF830  }
0x8f: {  	s12 =	sshll.u32 s12, $0x6;
	[bflag:$0x0] =	sbarrier.arrive $0xFFFF  }
0x90: {  	s20 =	sshrl.u32 s11, $0x3;
	s19 =	sor.u32 $0x1C03, s12;
	s30 =	rddreg [dreg:$0xa]  }
0x91: {  	[hbm:s30], [sflag:s19] =	dma.local [spmem:s20], $0x30E  }
0x92: {  	_ =	swait.ge [sflag:s26], $0x30E  }
0x93: {  	[sflag:s26] =	ssyncset.done $0x0  }
0x94: {  	[sflag:s26] =	ssyncadd.s32 $0xFFFFFCF2  }
0x95: {  	[bflag:$0x0] =	sbarrier.arrive $0xFFFF  }
0x96: {  	s31 =	simm.s32 $0x0;
	s13 =	rddreg [dreg:$0x5]  }
0x97: {  	[tilespmem:s24], [sflag:$0x1] =	stream.linear.gather [hbm4b:s13+s31], $0x186A0, $0x38;
	[tilespmem:$0x1ED30] =	vst v63  }
0x98: {  	s12 =	simm.s32 $0x40;
	s13 =	simm.s32 $0x0  }
.LBB2_10:
0x99: {  	p0 =	sne.s32 s12, $0x1F00;
	[tilespmem:s13+$0x1DD90] =	vst v0;
	s13 =	smov.u32 s12;
	s12 =	sadd.s32 $0x40, s12  }
.Ltmp4:
0x9a: {  	(pc) =	sbr.rel @p0 .LBB2_10-.Ltmp4, $2  }
0x9b: {  	_ =	sdelay $0x2  }
0x9c: {  	s13 =	sshra.s32 s13, $0x2  }
0x9d: {  	[tilespmem:s13+$0x1DD90] =	vst v0  }
0x9e: {  	[spmem:s11] =	stream.linear.scatter [tilespmem:s25], [sflag:$0x3], $0x7D0, $0x38;
	[tilespmem:$0x1ED30] =	vst v63  }
0x9f: {  	_ =	swait.ge [sflag:s26], $0x7D0  }
0xa0: {  	[sflag:s26] =	ssyncset.done $0x0  }
0xa1: {  	[sflag:s26] =	ssyncadd.s32 $0xFFFFF830  }
0xa2: {  	[spmem:s21] =	stream.linear.scatter [tilespmem:s25], [sflag:$0x3], $0x7D0, $0x38;
	[tilespmem:$0x1ED30] =	vst v63  }
0xa3: {  	_ =	swait.ge [sflag:s26], $0x7D0  }
0xa4: {  	[sflag:s26] =	ssyncset.done $0x0  }
0xa5: {  	[sflag:s26] =	ssyncadd.s32 $0xFFFFF830  }
0xa6: {  	[spmem:s22] =	stream.linear.scatter [tilespmem:s25], [sflag:$0x3], $0x7D0, $0x38;
	[tilespmem:$0x1ED30] =	vst v63  }
0xa7: {  	_ =	swait.ge [sflag:s26], $0x7D0  }
0xa8: {  	[sflag:s26] =	ssyncset.done $0x0  }
0xa9: {  	[sflag:s26] =	ssyncadd.s32 $0xFFFFF830  }
0xaa: {  	[spmem:s23] =	stream.linear.scatter [tilespmem:s25], [sflag:$0x3], $0x7D0, $0x38;
	[tilespmem:$0x1ED30] =	vst v63  }
0xab: {  	_ =	swait.ge [sflag:s26], $0x7D0  }
0xac: {  	[sflag:s26] =	ssyncset.done $0x0  }
0xad: {  	[sflag:s26] =	ssyncadd.s32 $0xFFFFF830  }
0xae: {  	_ =	swait.ge [sflag:s28], $0x186A0  }
0xaf: {  	[sflag:s28] =	ssyncset.done $0x0  }
0xb0: {  	[sflag:s28] =	ssyncadd.s32 $0xFFFE7960  }
0xb1: {  	s29 =	simm.s32 $0x0;
	s12 =	simm.s32 $0x19F10;
	[bflag:$0x0] =	sbarrier.arrive $0xFFFF  }
0xb2: {  	[tilespmem:s12], [sflag:$0x1] =	stream.linear.gather [hbm4b:s10+s29], $0x7D0, $0x38;
	[tilespmem:$0x1ED30] =	vst v63  }
0xb3: {  	s31 =	simm.s32 $0x1AEB0;
	s30 =	rddreg [dreg:$0x8]  }
0xb4: {  	[tilespmem:s31], [sflag:$0x1] =	stream.linear.gather [hbm4b:s30+s29], $0x7D0, $0x38;
	[tilespmem:$0x1ED30] =	vst v63  }
0xb5: {  	s30 =	rddreg [dreg:$0x9];
	s31 =	simm.s32 $0x1BE50  }
0xb6: {  	[tilespmem:s31], [sflag:$0x1] =	stream.linear.gather [hbm4b:s30+s29], $0x7D0, $0x38;
	[tilespmem:$0x1ED30] =	vst v63  }
.LBB2_12:
0xb7: {  	s30 =	smul.u32 $0xFA0, s29;
	_ =	sdelay $0x1  }
0xb8: {  	s12 =	sadd.s32 s30, s14  }
0xb9: {  	s12 =	sshrl.u32 s12, $0x3  }
0xba: {  	s13 =	sadd.s32 s5, s12  }
0xbb: {  	[tilespmem:s0], [sflag:$0x1] =	stream.linear.gather [hbm4b:s13+s4], $0x7D0, $0x38;
	[tilespmem:$0x1ED30] =	vst v63  }
0xbc: {  	s13 =	sadd.s32 $0x61A80, s13  }
0xbd: {  	[tilespmem:s3], [sflag:$0x1] =	stream.linear.gather [hbm4b:s13+s4], $0x7D0, $0x38;
	[tilespmem:$0x1ED30] =	vst v63  }
0xbe: {  	s12 =	sadd.s32 s1, s12  }
0xbf: {  	[tilespmem:s6], [sflag:$0x1] =	stream.linear.gather [hbm4b:s12+s4], $0x7D0, $0x38;
	[tilespmem:$0x1ED30] =	vst v63  }
0xc0: {  	_ =	swait.ge [sflag:s28], $0x7D0  }
0xc1: {  	[sflag:s28] =	ssyncset.done $0x0  }
0xc2: {  	[sflag:s28] =	ssyncadd.s32 $0xFFFFF830  }
0xc3: {  	_ =	swait.ge [sflag:s28], $0x7D0  }
0xc4: {  	[sflag:s28] =	ssyncset.done $0x0  }
0xc5: {  	[sflag:s28] =	ssyncadd.s32 $0xFFFFF830  }
0xc6: {  	_ =	swait.ge [sflag:s28], $0x7D0  }
0xc7: {  	p0 =	seq.s32 s29, $0x0;
	[sflag:s28] =	ssyncset.done $0x0  }
0xc8: {  	s12 =	simm.s32 @!p0 $0x2;
	[sflag:s28] =	ssyncadd.s32 $0xFFFFF830  }
0xc9: {  	_ =	swait.ge @!p0 [sflag:s12], $0x7D0  }
0xca: {  	[sflag:s12] =	ssyncset.done @!p0 $0x0  }
0xcb: {  	s31 =	simm.s32 $0x0;
	[sflag:s12] =	ssyncadd.s32 @!p0 $0xFFFFF830  }
0xcc: {  	v2 =	vld [tilespmem:s31+$0x19F10];
	_ =	sdelay $0x2  }
0xcd: {  	v3 =	vld [tilespmem:s31+$0x1AEB0];
	_ =	sdelay $0x3  }
0xce: {  	v1 =	vld [tilespmem:s31+$0x1BE50]  }
0xcf: {  	s13 =	simm.s32 $0x80;
	s12 =	simm.s32 $0x10;
	v2 =	vld.idx.msk [tilespmem:v2+s24+$0x0], $0xffff;
	[tilespmem:s31+$0x1CDF0] =	vst v3  }
.LBB2_13:
0xd0: {  	p1 =	sne.s32 s13, $0x1F00;
	v3 =	vld [tilespmem:s12+$0x19F10];
	_ =	sdelay $0x2  }
0xd1: {  	v4 =	vld [tilespmem:s12+$0x1AEB0]  }
.Ltmp5:
0xd2: {  	(pc) =	sbr.rel @p1 .LBB2_13-.Ltmp5, $3  }
0xd3: {  	v2 =	vmul.f32 v1, v2;
	_ =	sdelay $0x1  }
0xd4: {  	v1 =	vld [tilespmem:s12+$0x1BE50];
	[tilespmem:s31+$0x1DD90] =	vst v2;
	s31 =	smov.u32 s12  }
0xd5: {  	s12 =	sshra.s32 s13, $0x2;
	s13 =	sadd.s32 $0x40, s13;
	v2 =	vld.idx.msk [tilespmem:v3+s24+$0x0], $0xffff;
	[tilespmem:s31+$0x1CDF0] =	vst v4  }
0xd6: {  	v3 =	vld [tilespmem:s12+$0x19F10];
	_ =	sdelay $0x4  }
0xd7: {  	v1 =	vmul.f32 v1, v2  }
0xd8: {  	v4 =	vld [tilespmem:s12+$0x1AEB0]  }
0xd9: {  	v2 =	vld [tilespmem:s12+$0x1BE50];
	[tilespmem:s31+$0x1DD90] =	vst v1  }
0xda: {  	v1 =	vld.idx.msk [tilespmem:v3+s24+$0x0], $0xffff;
	_ =	sdelay $0x4  }
0xdb: {  	v1 =	vmul.f32 v2, v1  }
0xdc: {  	p1 =	sgt.u32 s29, $0x17;
	[tilespmem:s12+$0x1CDF0] =	vst v4  }
0xdd: {  	[tilespmem:s12+$0x1DD90] =	vst v1;
	s12 =	sadd.s32 @!p1 s30, s15  }
0xde: {  	[spmem:s2] =	stream.indirect.scatter.add.f32 [tilespmem:s25], [sflag:$0x2], $0x1, s8, s7, $0xb8;
	[tilespmem:$0x1ED30] =	vst v63  }
0xdf: {  	s12 =	sshrl.u32 @!p1 s12, $0x3  }
0xe0: {  	s31 =	simm.s32 @!p1 $0x19F10;
	s30 =	simm.s32 @!p1 $0x0;
	s13 =	sadd.s32 @!p1 s5, s12  }
0xe1: {  	[tilespmem:s31], [sflag:$0x1] =	stream.linear.gather @!p1 [hbm4b:s13+s30], $0x7D0, $0x38;
	[tilespmem:$0x1ED30] =	vst v63  }
0xe2: {  	s13 =	sadd.s32 @!p1 $0x61A80, s13;
	s31 =	simm.s32 @!p1 $0x1AEB0  }
0xe3: {  	[tilespmem:s31], [sflag:$0x1] =	stream.linear.gather @!p1 [hbm4b:s13+s30], $0x7D0, $0x38;
	[tilespmem:$0x1ED30] =	vst v63  }
0xe4: {  	s12 =	sadd.s32 @!p1 s1, s12;
	s13 =	simm.s32 @!p1 $0x1BE50  }
0xe5: {  	[tilespmem:s13], [sflag:$0x1] =	stream.linear.gather @!p1 [hbm4b:s12+s30], $0x7D0, $0x38;
	[tilespmem:$0x1ED30] =	vst v63  }
0xe6: {  	_ =	swait.ge [sflag:s28], $0x7D0  }
0xe7: {  	[sflag:s28] =	ssyncset.done $0x0  }
0xe8: {  	[sflag:s28] =	ssyncadd.s32 $0xFFFFF830  }
0xe9: {  	_ =	swait.ge [sflag:s28], $0x7D0  }
0xea: {  	[sflag:s28] =	ssyncset.done $0x0  }
0xeb: {  	[sflag:s28] =	ssyncadd.s32 $0xFFFFF830  }
0xec: {  	_ =	swait.ge [sflag:s28], $0x7D0  }
0xed: {  	[sflag:s28] =	ssyncset.done $0x0  }
0xee: {  	s12 =	simm.s32 @!p0 $0x2;
	[sflag:s28] =	ssyncadd.s32 $0xFFFFF830  }
0xef: {  	_ =	swait.ge @!p0 [sflag:s12], $0x7D0  }
0xf0: {  	[sflag:s12] =	ssyncset.done @!p0 $0x0  }
0xf1: {  	s30 =	simm.s32 $0x0;
	[sflag:s12] =	ssyncadd.s32 @!p0 $0xFFFFF830  }
0xf2: {  	v2 =	vld [tilespmem:s30+$0x1A6E0];
	_ =	sdelay $0x2  }
0xf3: {  	v3 =	vld [tilespmem:s30+$0x1B680];
	_ =	sdelay $0x3  }
0xf4: {  	v1 =	vld [tilespmem:s30+$0x1C620]  }
0xf5: {  	s13 =	simm.s32 $0x80;
	s12 =	simm.s32 $0x10;
	v2 =	vld.idx.msk [tilespmem:v2+s24+$0x0], $0xffff;
	[tilespmem:s30+$0x1D5C0] =	vst v3  }
.LBB2_15:
0xf6: {  	p0 =	sne.s32 s13, $0x1F00;
	v3 =	vld [tilespmem:s12+$0x1A6E0];
	_ =	sdelay $0x2  }
0xf7: {  	v4 =	vld [tilespmem:s12+$0x1B680]  }
.Ltmp6:
0xf8: {  	(pc) =	sbr.rel @p0 .LBB2_15-.Ltmp6, $3  }
0xf9: {  	v2 =	vmul.f32 v1, v2;
	_ =	sdelay $0x1  }
0xfa: {  	v1 =	vld [tilespmem:s12+$0x1C620];
	[tilespmem:s30+$0x1E560] =	vst v2;
	s30 =	smov.u32 s12  }
0xfb: {  	s12 =	sshra.s32 s13, $0x2;
	s13 =	sadd.s32 $0x40, s13;
	v2 =	vld.idx.msk [tilespmem:v3+s24+$0x0], $0xffff;
	[tilespmem:s30+$0x1D5C0] =	vst v4  }
0xfc: {  	v3 =	vld [tilespmem:s12+$0x1A6E0];
	_ =	sdelay $0x4  }
0xfd: {  	v1 =	vmul.f32 v1, v2  }
0xfe: {  	v4 =	vld [tilespmem:s12+$0x1B680]  }
0xff: {  	v2 =	vld [tilespmem:s12+$0x1C620];
	[tilespmem:s30+$0x1E560] =	vst v1  }
0x100: {  	v1 =	vld.idx.msk [tilespmem:v3+s24+$0x0], $0xffff;
	_ =	sdelay $0x1  }
0x101: {  	s29 =	sadd.s32 $0x1, s29  }
0x102: {  	p0 =	sne.s32 s29, $0x19  }
.Ltmp7:
0x103: {  	_ = 	snop;
	(pc) =	sbr.rel @p0 .LBB2_12-.Ltmp7, $4  }
0x104: {  	v1 =	vmul.f32 v2, v1  }
0x105: {  	[tilespmem:s12+$0x1D5C0] =	vst v4  }
0x106: {  	[tilespmem:s12+$0x1E560] =	vst v1  }
0x107: {  	[spmem:s2] =	stream.indirect.scatter.add.f32 [tilespmem:s16], [sflag:$0x2], $0x1, s9, s7, $0xb8;
	[tilespmem:$0x1ED30] =	vst v63  }
0x108: {  	_ =	swait.ge [sflag:s17], $0x7D0  }
0x109: {  	[sflag:s17] =	ssyncset.done $0x0  }
0x10a: {  	[sflag:s17] =	ssyncadd.s32 $0xFFFFF830  }
0x10b: {  	_ =	swait.ge [sflag:s17], $0x7D0  }
0x10c: {  	[sflag:s17] =	ssyncset.done $0x0  }
0x10d: {  	[sflag:s17] =	ssyncadd.s32 $0xFFFFF830  }
0x10e: {  	[bflag:$0x0] =	sbarrier.arrive $0xFFFF  }
0x10f: {  	s12 =	rddreg [dreg:$0xb]  }
0x110: {  	[hbm:s12], [sflag:s19] =	dma.local [spmem:s20], $0x30E  }
0x111: {  	_ =	swait.ge [sflag:s26], $0x30E  }
0x112: {  	[sflag:s26] =	ssyncset.done $0x0  }
0x113: {  	[sflag:s26] =	ssyncadd.s32 $0xFFFFFCF2  }
0x114: {  	[bflag:$0x0] =	sbarrier.arrive $0xFFFF  }
0x115: {  	s31 =	simm.s32 $0x0;
	s13 =	rddreg [dreg:$0x6]  }
0x116: {  	[tilespmem:s24], [sflag:$0x1] =	stream.linear.gather [hbm4b:s13+s31], $0x186A0, $0x38;
	[tilespmem:$0x1ED30] =	vst v63  }
0x117: {  	s12 =	simm.s32 $0x40;
	s13 =	simm.s32 $0x0  }
.LBB2_18:
0x118: {  	p0 =	sne.s32 s12, $0x1F00;
	[tilespmem:s13+$0x1DD90] =	vst v0;
	s13 =	smov.u32 s12;
	s12 =	sadd.s32 $0x40, s12  }
.Ltmp8:
0x119: {  	(pc) =	sbr.rel @p0 .LBB2_18-.Ltmp8, $2  }
0x11a: {  	_ =	sdelay $0x2  }
0x11b: {  	s13 =	sshra.s32 s13, $0x2  }
0x11c: {  	[tilespmem:s13+$0x1DD90] =	vst v0  }
0x11d: {  	[spmem:s11] =	stream.linear.scatter [tilespmem:s25], [sflag:$0x3], $0x7D0, $0x38;
	[tilespmem:$0x1ED30] =	vst v63  }
0x11e: {  	_ =	swait.ge [sflag:s26], $0x7D0  }
0x11f: {  	[sflag:s26] =	ssyncset.done $0x0  }
0x120: {  	[sflag:s26] =	ssyncadd.s32 $0xFFFFF830  }
0x121: {  	[spmem:s21] =	stream.linear.scatter [tilespmem:s25], [sflag:$0x3], $0x7D0, $0x38;
	[tilespmem:$0x1ED30] =	vst v63  }
0x122: {  	_ =	swait.ge [sflag:s26], $0x7D0  }
0x123: {  	[sflag:s26] =	ssyncset.done $0x0  }
0x124: {  	[sflag:s26] =	ssyncadd.s32 $0xFFFFF830  }
0x125: {  	[spmem:s22] =	stream.linear.scatter [tilespmem:s25], [sflag:$0x3], $0x7D0, $0x38;
	[tilespmem:$0x1ED30] =	vst v63  }
0x126: {  	_ =	swait.ge [sflag:s26], $0x7D0  }
0x127: {  	[sflag:s26] =	ssyncset.done $0x0  }
0x128: {  	[sflag:s26] =	ssyncadd.s32 $0xFFFFF830  }
0x129: {  	[spmem:s23] =	stream.linear.scatter [tilespmem:s25], [sflag:$0x3], $0x7D0, $0x38;
	[tilespmem:$0x1ED30] =	vst v63  }
0x12a: {  	_ =	swait.ge [sflag:s26], $0x7D0  }
0x12b: {  	[sflag:s26] =	ssyncset.done $0x0  }
0x12c: {  	[sflag:s26] =	ssyncadd.s32 $0xFFFFF830  }
0x12d: {  	_ =	swait.ge [sflag:s28], $0x186A0  }
0x12e: {  	[sflag:s28] =	ssyncset.done $0x0  }
0x12f: {  	[sflag:s28] =	ssyncadd.s32 $0xFFFE7960  }
0x130: {  	s29 =	simm.s32 $0x0;
	s12 =	simm.s32 $0x19F10;
	[bflag:$0x0] =	sbarrier.arrive $0xFFFF  }
0x131: {  	[tilespmem:s12], [sflag:$0x1] =	stream.linear.gather [hbm4b:s10+s29], $0x7D0, $0x38;
	[tilespmem:$0x1ED30] =	vst v63  }
0x132: {  	s31 =	simm.s32 $0x1AEB0;
	s30 =	rddreg [dreg:$0x8]  }
0x133: {  	[tilespmem:s31], [sflag:$0x1] =	stream.linear.gather [hbm4b:s30+s29], $0x7D0, $0x38;
	[tilespmem:$0x1ED30] =	vst v63  }
0x134: {  	s30 =	rddreg [dreg:$0x9];
	s31 =	simm.s32 $0x1BE50  }
0x135: {  	[tilespmem:s31], [sflag:$0x1] =	stream.linear.gather [hbm4b:s30+s29], $0x7D0, $0x38;
	[tilespmem:$0x1ED30] =	vst v63  }
.LBB2_20:
0x136: {  	s30 =	smul.u32 $0xFA0, s29;
	_ =	sdelay $0x1  }
0x137: {  	s12 =	sadd.s32 s30, s14  }
0x138: {  	s12 =	sshrl.u32 s12, $0x3  }
0x139: {  	s13 =	sadd.s32 s5, s12  }
0x13a: {  	[tilespmem:s0], [sflag:$0x1] =	stream.linear.gather [hbm4b:s13+s4], $0x7D0, $0x38;
	[tilespmem:$0x1ED30] =	vst v63  }
0x13b: {  	s13 =	sadd.s32 $0x61A80, s13  }
0x13c: {  	[tilespmem:s3], [sflag:$0x1] =	stream.linear.gather [hbm4b:s13+s4], $0x7D0, $0x38;
	[tilespmem:$0x1ED30] =	vst v63  }
0x13d: {  	s12 =	sadd.s32 s1, s12  }
0x13e: {  	[tilespmem:s6], [sflag:$0x1] =	stream.linear.gather [hbm4b:s12+s4], $0x7D0, $0x38;
	[tilespmem:$0x1ED30] =	vst v63  }
0x13f: {  	_ =	swait.ge [sflag:s28], $0x7D0  }
0x140: {  	[sflag:s28] =	ssyncset.done $0x0  }
0x141: {  	[sflag:s28] =	ssyncadd.s32 $0xFFFFF830  }
0x142: {  	_ =	swait.ge [sflag:s28], $0x7D0  }
0x143: {  	[sflag:s28] =	ssyncset.done $0x0  }
0x144: {  	[sflag:s28] =	ssyncadd.s32 $0xFFFFF830  }
0x145: {  	_ =	swait.ge [sflag:s28], $0x7D0  }
0x146: {  	p0 =	seq.s32 s29, $0x0;
	[sflag:s28] =	ssyncset.done $0x0  }
0x147: {  	s12 =	simm.s32 @!p0 $0x2;
	[sflag:s28] =	ssyncadd.s32 $0xFFFFF830  }
0x148: {  	_ =	swait.ge @!p0 [sflag:s12], $0x7D0  }
0x149: {  	[sflag:s12] =	ssyncset.done @!p0 $0x0  }
0x14a: {  	s31 =	simm.s32 $0x0;
	[sflag:s12] =	ssyncadd.s32 @!p0 $0xFFFFF830  }
0x14b: {  	v2 =	vld [tilespmem:s31+$0x19F10];
	_ =	sdelay $0x2  }
0x14c: {  	v3 =	vld [tilespmem:s31+$0x1AEB0];
	_ =	sdelay $0x3  }
0x14d: {  	v1 =	vld [tilespmem:s31+$0x1BE50]  }
0x14e: {  	s13 =	simm.s32 $0x80;
	s12 =	simm.s32 $0x10;
	v2 =	vld.idx.msk [tilespmem:v2+s24+$0x0], $0xffff;
	[tilespmem:s31+$0x1CDF0] =	vst v3  }
.LBB2_21:
0x14f: {  	p1 =	sne.s32 s13, $0x1F00;
	v3 =	vld [tilespmem:s12+$0x19F10];
	_ =	sdelay $0x2  }
0x150: {  	v4 =	vld [tilespmem:s12+$0x1AEB0]  }
.Ltmp9:
0x151: {  	(pc) =	sbr.rel @p1 .LBB2_21-.Ltmp9, $3  }
0x152: {  	v2 =	vmul.f32 v1, v2;
	_ =	sdelay $0x1  }
0x153: {  	v1 =	vld [tilespmem:s12+$0x1BE50];
	[tilespmem:s31+$0x1DD90] =	vst v2;
	s31 =	smov.u32 s12  }
0x154: {  	s12 =	sshra.s32 s13, $0x2;
	s13 =	sadd.s32 $0x40, s13;
	v2 =	vld.idx.msk [tilespmem:v3+s24+$0x0], $0xffff;
	[tilespmem:s31+$0x1CDF0] =	vst v4  }
0x155: {  	v3 =	vld [tilespmem:s12+$0x19F10];
	_ =	sdelay $0x4  }
0x156: {  	v1 =	vmul.f32 v1, v2  }
0x157: {  	v4 =	vld [tilespmem:s12+$0x1AEB0]  }
0x158: {  	v2 =	vld [tilespmem:s12+$0x1BE50];
	[tilespmem:s31+$0x1DD90] =	vst v1  }
0x159: {  	v1 =	vld.idx.msk [tilespmem:v3+s24+$0x0], $0xffff;
	_ =	sdelay $0x4  }
0x15a: {  	v1 =	vmul.f32 v2, v1  }
0x15b: {  	p1 =	sgt.u32 s29, $0x17;
	[tilespmem:s12+$0x1CDF0] =	vst v4  }
0x15c: {  	[tilespmem:s12+$0x1DD90] =	vst v1;
	s12 =	sadd.s32 @!p1 s30, s15  }
0x15d: {  	[spmem:s2] =	stream.indirect.scatter.add.f32 [tilespmem:s25], [sflag:$0x2], $0x1, s8, s7, $0xb8;
	[tilespmem:$0x1ED30] =	vst v63  }
0x15e: {  	s12 =	sshrl.u32 @!p1 s12, $0x3  }
0x15f: {  	s31 =	simm.s32 @!p1 $0x19F10;
	s30 =	simm.s32 @!p1 $0x0;
	s13 =	sadd.s32 @!p1 s5, s12  }
0x160: {  	[tilespmem:s31], [sflag:$0x1] =	stream.linear.gather @!p1 [hbm4b:s13+s30], $0x7D0, $0x38;
	[tilespmem:$0x1ED30] =	vst v63  }
0x161: {  	s13 =	sadd.s32 @!p1 $0x61A80, s13;
	s31 =	simm.s32 @!p1 $0x1AEB0  }
0x162: {  	[tilespmem:s31], [sflag:$0x1] =	stream.linear.gather @!p1 [hbm4b:s13+s30], $0x7D0, $0x38;
	[tilespmem:$0x1ED30] =	vst v63  }
0x163: {  	s12 =	sadd.s32 @!p1 s1, s12;
	s13 =	simm.s32 @!p1 $0x1BE50  }
0x164: {  	[tilespmem:s13], [sflag:$0x1] =	stream.linear.gather @!p1 [hbm4b:s12+s30], $0x7D0, $0x38;
	[tilespmem:$0x1ED30] =	vst v63  }
0x165: {  	_ =	swait.ge [sflag:s28], $0x7D0  }
0x166: {  	[sflag:s28] =	ssyncset.done $0x0  }
0x167: {  	[sflag:s28] =	ssyncadd.s32 $0xFFFFF830  }
0x168: {  	_ =	swait.ge [sflag:s28], $0x7D0  }
0x169: {  	[sflag:s28] =	ssyncset.done $0x0  }
0x16a: {  	[sflag:s28] =	ssyncadd.s32 $0xFFFFF830  }
0x16b: {  	_ =	swait.ge [sflag:s28], $0x7D0  }
0x16c: {  	[sflag:s28] =	ssyncset.done $0x0  }
0x16d: {  	s12 =	simm.s32 @!p0 $0x2;
	[sflag:s28] =	ssyncadd.s32 $0xFFFFF830  }
0x16e: {  	_ =	swait.ge @!p0 [sflag:s12], $0x7D0  }
0x16f: {  	[sflag:s12] =	ssyncset.done @!p0 $0x0  }
0x170: {  	s30 =	simm.s32 $0x0;
	[sflag:s12] =	ssyncadd.s32 @!p0 $0xFFFFF830  }
0x171: {  	v2 =	vld [tilespmem:s30+$0x1A6E0];
	_ =	sdelay $0x2  }
0x172: {  	v3 =	vld [tilespmem:s30+$0x1B680];
	_ =	sdelay $0x3  }
0x173: {  	v1 =	vld [tilespmem:s30+$0x1C620]  }
0x174: {  	s13 =	simm.s32 $0x80;
	s12 =	simm.s32 $0x10;
	v2 =	vld.idx.msk [tilespmem:v2+s24+$0x0], $0xffff;
	[tilespmem:s30+$0x1D5C0] =	vst v3  }
.LBB2_23:
0x175: {  	p0 =	sne.s32 s13, $0x1F00;
	v3 =	vld [tilespmem:s12+$0x1A6E0];
	_ =	sdelay $0x2  }
0x176: {  	v4 =	vld [tilespmem:s12+$0x1B680]  }
.Ltmp10:
0x177: {  	(pc) =	sbr.rel @p0 .LBB2_23-.Ltmp10, $3  }
0x178: {  	v2 =	vmul.f32 v1, v2;
	_ =	sdelay $0x1  }
0x179: {  	v1 =	vld [tilespmem:s12+$0x1C620];
	[tilespmem:s30+$0x1E560] =	vst v2;
	s30 =	smov.u32 s12  }
0x17a: {  	s12 =	sshra.s32 s13, $0x2;
	s13 =	sadd.s32 $0x40, s13;
	v2 =	vld.idx.msk [tilespmem:v3+s24+$0x0], $0xffff;
	[tilespmem:s30+$0x1D5C0] =	vst v4  }
0x17b: {  	v3 =	vld [tilespmem:s12+$0x1A6E0];
	_ =	sdelay $0x4  }
0x17c: {  	v1 =	vmul.f32 v1, v2  }
0x17d: {  	v4 =	vld [tilespmem:s12+$0x1B680]  }
0x17e: {  	v2 =	vld [tilespmem:s12+$0x1C620];
	[tilespmem:s30+$0x1E560] =	vst v1  }
0x17f: {  	v1 =	vld.idx.msk [tilespmem:v3+s24+$0x0], $0xffff;
	_ =	sdelay $0x1  }
0x180: {  	s29 =	sadd.s32 $0x1, s29  }
0x181: {  	p0 =	sne.s32 s29, $0x19  }
.Ltmp11:
0x182: {  	_ = 	snop;
	(pc) =	sbr.rel @p0 .LBB2_20-.Ltmp11, $4  }
0x183: {  	v1 =	vmul.f32 v2, v1  }
0x184: {  	[tilespmem:s12+$0x1D5C0] =	vst v4  }
0x185: {  	[tilespmem:s12+$0x1E560] =	vst v1  }
0x186: {  	[spmem:s2] =	stream.indirect.scatter.add.f32 [tilespmem:s16], [sflag:$0x2], $0x1, s9, s7, $0xb8;
	[tilespmem:$0x1ED30] =	vst v63  }
0x187: {  	_ =	swait.ge [sflag:s17], $0x7D0  }
0x188: {  	[sflag:s17] =	ssyncset.done $0x0  }
0x189: {  	[sflag:s17] =	ssyncadd.s32 $0xFFFFF830  }
0x18a: {  	_ =	swait.ge [sflag:s17], $0x7D0  }
0x18b: {  	[sflag:s17] =	ssyncset.done $0x0  }
0x18c: {  	[sflag:s17] =	ssyncadd.s32 $0xFFFFF830  }
0x18d: {  	[bflag:$0x0] =	sbarrier.arrive $0xFFFF  }
0x18e: {  	s12 =	rddreg [dreg:$0xc]  }
0x18f: {  	[hbm:s12], [sflag:s19] =	dma.local [spmem:s20], $0x30E  }
0x190: {  	_ =	swait.ge [sflag:s26], $0x30E  }
0x191: {  	[sflag:s26] =	ssyncset.done $0x0  }
0x192: {  	[sflag:s26] =	ssyncadd.s32 $0xFFFFFCF2  }
0x193: {  	[bflag:$0x0] =	sbarrier.arrive $0xFFFF  }
0x194: {  	s31 =	simm.s32 $0x0;
	s13 =	rddreg [dreg:$0x7]  }
0x195: {  	[tilespmem:s24], [sflag:$0x1] =	stream.linear.gather [hbm4b:s13+s31], $0x186A0, $0x38;
	[tilespmem:$0x1ED30] =	vst v63  }
0x196: {  	s12 =	simm.s32 $0x40;
	s13 =	simm.s32 $0x0  }
.LBB2_26:
0x197: {  	p0 =	sne.s32 s12, $0x1F00;
	[tilespmem:s13+$0x1DD90] =	vst v0;
	s13 =	smov.u32 s12;
	s12 =	sadd.s32 $0x40, s12  }
.Ltmp12:
0x198: {  	(pc) =	sbr.rel @p0 .LBB2_26-.Ltmp12, $2  }
0x199: {  	_ =	sdelay $0x2  }
0x19a: {  	s13 =	sshra.s32 s13, $0x2  }
0x19b: {  	[tilespmem:s13+$0x1DD90] =	vst v0  }
0x19c: {  	[spmem:s11] =	stream.linear.scatter [tilespmem:s25], [sflag:$0x3], $0x7D0, $0x38;
	[tilespmem:$0x1ED30] =	vst v63  }
0x19d: {  	_ =	swait.ge [sflag:s26], $0x7D0  }
0x19e: {  	[sflag:s26] =	ssyncset.done $0x0  }
0x19f: {  	[sflag:s26] =	ssyncadd.s32 $0xFFFFF830  }
0x1a0: {  	[spmem:s21] =	stream.linear.scatter [tilespmem:s25], [sflag:$0x3], $0x7D0, $0x38;
	[tilespmem:$0x1ED30] =	vst v63  }
0x1a1: {  	_ =	swait.ge [sflag:s26], $0x7D0  }
0x1a2: {  	[sflag:s26] =	ssyncset.done $0x0  }
0x1a3: {  	[sflag:s26] =	ssyncadd.s32 $0xFFFFF830  }
0x1a4: {  	[spmem:s22] =	stream.linear.scatter [tilespmem:s25], [sflag:$0x3], $0x7D0, $0x38;
	[tilespmem:$0x1ED30] =	vst v63  }
0x1a5: {  	_ =	swait.ge [sflag:s26], $0x7D0  }
0x1a6: {  	[sflag:s26] =	ssyncset.done $0x0  }
0x1a7: {  	[sflag:s26] =	ssyncadd.s32 $0xFFFFF830  }
0x1a8: {  	[spmem:s23] =	stream.linear.scatter [tilespmem:s25], [sflag:$0x3], $0x7D0, $0x38;
	[tilespmem:$0x1ED30] =	vst v63  }
0x1a9: {  	_ =	swait.ge [sflag:s26], $0x7D0  }
0x1aa: {  	[sflag:s26] =	ssyncset.done $0x0  }
0x1ab: {  	[sflag:s26] =	ssyncadd.s32 $0xFFFFF830  }
0x1ac: {  	_ =	swait.ge [sflag:s28], $0x186A0  }
0x1ad: {  	[sflag:s28] =	ssyncset.done $0x0  }
0x1ae: {  	[sflag:s28] =	ssyncadd.s32 $0xFFFE7960  }
0x1af: {  	s29 =	simm.s32 $0x0;
	s12 =	simm.s32 $0x19F10;
	[bflag:$0x0] =	sbarrier.arrive $0xFFFF  }
0x1b0: {  	[tilespmem:s12], [sflag:$0x1] =	stream.linear.gather [hbm4b:s10+s29], $0x7D0, $0x38;
	[tilespmem:$0x1ED30] =	vst v63  }
0x1b1: {  	s31 =	simm.s32 $0x1AEB0;
	s30 =	rddreg [dreg:$0x8]  }
0x1b2: {  	[tilespmem:s31], [sflag:$0x1] =	stream.linear.gather [hbm4b:s30+s29], $0x7D0, $0x38;
	[tilespmem:$0x1ED30] =	vst v63  }
0x1b3: {  	s30 =	rddreg [dreg:$0x9];
	s31 =	simm.s32 $0x1BE50  }
0x1b4: {  	[tilespmem:s31], [sflag:$0x1] =	stream.linear.gather [hbm4b:s30+s29], $0x7D0, $0x38;
	[tilespmem:$0x1ED30] =	vst v63  }
.LBB2_28:
0x1b5: {  	s30 =	smul.u32 $0xFA0, s29;
	_ =	sdelay $0x1  }
0x1b6: {  	s12 =	sadd.s32 s30, s14  }
0x1b7: {  	s12 =	sshrl.u32 s12, $0x3  }
0x1b8: {  	s13 =	sadd.s32 s5, s12  }
0x1b9: {  	[tilespmem:s0], [sflag:$0x1] =	stream.linear.gather [hbm4b:s13+s4], $0x7D0, $0x38;
	[tilespmem:$0x1ED30] =	vst v63  }
0x1ba: {  	s13 =	sadd.s32 $0x61A80, s13  }
0x1bb: {  	[tilespmem:s3], [sflag:$0x1] =	stream.linear.gather [hbm4b:s13+s4], $0x7D0, $0x38;
	[tilespmem:$0x1ED30] =	vst v63  }
0x1bc: {  	s12 =	sadd.s32 s1, s12  }
0x1bd: {  	[tilespmem:s6], [sflag:$0x1] =	stream.linear.gather [hbm4b:s12+s4], $0x7D0, $0x38;
	[tilespmem:$0x1ED30] =	vst v63  }
0x1be: {  	_ =	swait.ge [sflag:s28], $0x7D0  }
0x1bf: {  	[sflag:s28] =	ssyncset.done $0x0  }
0x1c0: {  	[sflag:s28] =	ssyncadd.s32 $0xFFFFF830  }
0x1c1: {  	_ =	swait.ge [sflag:s28], $0x7D0  }
0x1c2: {  	[sflag:s28] =	ssyncset.done $0x0  }
0x1c3: {  	[sflag:s28] =	ssyncadd.s32 $0xFFFFF830  }
0x1c4: {  	_ =	swait.ge [sflag:s28], $0x7D0  }
0x1c5: {  	p0 =	seq.s32 s29, $0x0;
	[sflag:s28] =	ssyncset.done $0x0  }
0x1c6: {  	s12 =	simm.s32 @!p0 $0x2;
	[sflag:s28] =	ssyncadd.s32 $0xFFFFF830  }
0x1c7: {  	_ =	swait.ge @!p0 [sflag:s12], $0x7D0  }
0x1c8: {  	[sflag:s12] =	ssyncset.done @!p0 $0x0  }
0x1c9: {  	s31 =	simm.s32 $0x0;
	[sflag:s12] =	ssyncadd.s32 @!p0 $0xFFFFF830  }
0x1ca: {  	v2 =	vld [tilespmem:s31+$0x19F10];
	_ =	sdelay $0x2  }
0x1cb: {  	v3 =	vld [tilespmem:s31+$0x1AEB0];
	_ =	sdelay $0x3  }
0x1cc: {  	v1 =	vld [tilespmem:s31+$0x1BE50]  }
0x1cd: {  	s13 =	simm.s32 $0x80;
	s12 =	simm.s32 $0x10;
	v2 =	vld.idx.msk [tilespmem:v2+s24+$0x0], $0xffff;
	[tilespmem:s31+$0x1CDF0] =	vst v3  }
.LBB2_29:
0x1ce: {  	p1 =	sne.s32 s13, $0x1F00;
	v3 =	vld [tilespmem:s12+$0x19F10];
	_ =	sdelay $0x2  }
0x1cf: {  	v4 =	vld [tilespmem:s12+$0x1AEB0]  }
.Ltmp13:
0x1d0: {  	(pc) =	sbr.rel @p1 .LBB2_29-.Ltmp13, $3  }
0x1d1: {  	v2 =	vmul.f32 v1, v2;
	_ =	sdelay $0x1  }
0x1d2: {  	v1 =	vld [tilespmem:s12+$0x1BE50];
	[tilespmem:s31+$0x1DD90] =	vst v2;
	s31 =	smov.u32 s12  }
0x1d3: {  	s12 =	sshra.s32 s13, $0x2;
	s13 =	sadd.s32 $0x40, s13;
	v2 =	vld.idx.msk [tilespmem:v3+s24+$0x0], $0xffff;
	[tilespmem:s31+$0x1CDF0] =	vst v4  }
0x1d4: {  	v3 =	vld [tilespmem:s12+$0x19F10];
	_ =	sdelay $0x4  }
0x1d5: {  	v1 =	vmul.f32 v1, v2  }
0x1d6: {  	v4 =	vld [tilespmem:s12+$0x1AEB0]  }
0x1d7: {  	v2 =	vld [tilespmem:s12+$0x1BE50];
	[tilespmem:s31+$0x1DD90] =	vst v1  }
0x1d8: {  	v1 =	vld.idx.msk [tilespmem:v3+s24+$0x0], $0xffff;
	_ =	sdelay $0x4  }
0x1d9: {  	v1 =	vmul.f32 v2, v1  }
0x1da: {  	p1 =	sgt.u32 s29, $0x17;
	[tilespmem:s12+$0x1CDF0] =	vst v4  }
0x1db: {  	[tilespmem:s12+$0x1DD90] =	vst v1;
	s12 =	sadd.s32 @!p1 s30, s15  }
0x1dc: {  	[spmem:s2] =	stream.indirect.scatter.add.f32 [tilespmem:s25], [sflag:$0x2], $0x1, s8, s7, $0xb8;
	[tilespmem:$0x1ED30] =	vst v63  }
0x1dd: {  	s12 =	sshrl.u32 @!p1 s12, $0x3  }
0x1de: {  	s31 =	simm.s32 @!p1 $0x19F10;
	s30 =	simm.s32 @!p1 $0x0;
	s13 =	sadd.s32 @!p1 s5, s12  }
0x1df: {  	[tilespmem:s31], [sflag:$0x1] =	stream.linear.gather @!p1 [hbm4b:s13+s30], $0x7D0, $0x38;
	[tilespmem:$0x1ED30] =	vst v63  }
0x1e0: {  	s13 =	sadd.s32 @!p1 $0x61A80, s13;
	s31 =	simm.s32 @!p1 $0x1AEB0  }
0x1e1: {  	[tilespmem:s31], [sflag:$0x1] =	stream.linear.gather @!p1 [hbm4b:s13+s30], $0x7D0, $0x38;
	[tilespmem:$0x1ED30] =	vst v63  }
0x1e2: {  	s12 =	sadd.s32 @!p1 s1, s12;
	s13 =	simm.s32 @!p1 $0x1BE50  }
0x1e3: {  	[tilespmem:s13], [sflag:$0x1] =	stream.linear.gather @!p1 [hbm4b:s12+s30], $0x7D0, $0x38;
	[tilespmem:$0x1ED30] =	vst v63  }
0x1e4: {  	_ =	swait.ge [sflag:s28], $0x7D0  }
0x1e5: {  	[sflag:s28] =	ssyncset.done $0x0  }
0x1e6: {  	[sflag:s28] =	ssyncadd.s32 $0xFFFFF830  }
0x1e7: {  	_ =	swait.ge [sflag:s28], $0x7D0  }
0x1e8: {  	[sflag:s28] =	ssyncset.done $0x0  }
0x1e9: {  	[sflag:s28] =	ssyncadd.s32 $0xFFFFF830  }
0x1ea: {  	_ =	swait.ge [sflag:s28], $0x7D0  }
0x1eb: {  	[sflag:s28] =	ssyncset.done $0x0  }
0x1ec: {  	s12 =	simm.s32 @!p0 $0x2;
	[sflag:s28] =	ssyncadd.s32 $0xFFFFF830  }
0x1ed: {  	_ =	swait.ge @!p0 [sflag:s12], $0x7D0  }
0x1ee: {  	[sflag:s12] =	ssyncset.done @!p0 $0x0  }
0x1ef: {  	s30 =	simm.s32 $0x0;
	[sflag:s12] =	ssyncadd.s32 @!p0 $0xFFFFF830  }
0x1f0: {  	v2 =	vld [tilespmem:s30+$0x1A6E0];
	_ =	sdelay $0x2  }
0x1f1: {  	v3 =	vld [tilespmem:s30+$0x1B680];
	_ =	sdelay $0x3  }
0x1f2: {  	v1 =	vld [tilespmem:s30+$0x1C620]  }
0x1f3: {  	s13 =	simm.s32 $0x80;
	s12 =	simm.s32 $0x10;
	v2 =	vld.idx.msk [tilespmem:v2+s24+$0x0], $0xffff;
	[tilespmem:s30+$0x1D5C0] =	vst v3  }
.LBB2_31:
0x1f4: {  	p0 =	sne.s32 s13, $0x1F00;
	v3 =	vld [tilespmem:s12+$0x1A6E0];
	_ =	sdelay $0x2  }
0x1f5: {  	v4 =	vld [tilespmem:s12+$0x1B680]  }
.Ltmp14:
0x1f6: {  	(pc) =	sbr.rel @p0 .LBB2_31-.Ltmp14, $3  }
0x1f7: {  	v2 =	vmul.f32 v1, v2;
	_ =	sdelay $0x1  }
0x1f8: {  	v1 =	vld [tilespmem:s12+$0x1C620];
	[tilespmem:s30+$0x1E560] =	vst v2;
	s30 =	smov.u32 s12  }
0x1f9: {  	s12 =	sshra.s32 s13, $0x2;
	s13 =	sadd.s32 $0x40, s13;
	v2 =	vld.idx.msk [tilespmem:v3+s24+$0x0], $0xffff;
	[tilespmem:s30+$0x1D5C0] =	vst v4  }
0x1fa: {  	v3 =	vld [tilespmem:s12+$0x1A6E0];
	_ =	sdelay $0x4  }
0x1fb: {  	v1 =	vmul.f32 v1, v2  }
0x1fc: {  	v4 =	vld [tilespmem:s12+$0x1B680]  }
0x1fd: {  	v2 =	vld [tilespmem:s12+$0x1C620];
	[tilespmem:s30+$0x1E560] =	vst v1  }
0x1fe: {  	v1 =	vld.idx.msk [tilespmem:v3+s24+$0x0], $0xffff;
	_ =	sdelay $0x1  }
0x1ff: {  	s29 =	sadd.s32 $0x1, s29  }
0x200: {  	p0 =	sne.s32 s29, $0x19  }
.Ltmp15:
0x201: {  	_ = 	snop;
	(pc) =	sbr.rel @p0 .LBB2_28-.Ltmp15, $4  }
0x202: {  	v1 =	vmul.f32 v2, v1  }
0x203: {  	[tilespmem:s12+$0x1D5C0] =	vst v4  }
0x204: {  	[tilespmem:s12+$0x1E560] =	vst v1  }
0x205: {  	[spmem:s2] =	stream.indirect.scatter.add.f32 [tilespmem:s16], [sflag:$0x2], $0x1, s9, s7, $0xb8;
	[tilespmem:$0x1ED30] =	vst v63  }
0x206: {  	_ =	swait.ge [sflag:s17], $0x7D0  }
0x207: {  	[sflag:s17] =	ssyncset.done $0x0  }
0x208: {  	[sflag:s17] =	ssyncadd.s32 $0xFFFFF830  }
0x209: {  	_ =	swait.ge [sflag:s17], $0x7D0  }
0x20a: {  	[sflag:s17] =	ssyncset.done $0x0  }
0x20b: {  	[sflag:s17] =	ssyncadd.s32 $0xFFFFF830  }
0x20c: {  	[bflag:$0x0] =	sbarrier.arrive $0xFFFF  }
0x20d: {  	s12 =	rddreg [dreg:$0xd]  }
0x20e: {  	[hbm:s12], [sflag:s19] =	dma.local [spmem:s20], $0x30E  }
0x20f: {  	_ =	swait.ge [sflag:s26], $0x30E  }
0x210: {  	s18 =	sadd.s32 $0x1, s18;
	s31 =	rddreg [dreg:$0xe]  }
0x211: {  	p0 =	sne.s32 s18, s31  }
.Ltmp16:
0x212: {  	_ = 	snop;
	(pc) =	sbr.rel @p0 .LBB2_1-.Ltmp16, $3  }
0x213: {  	[sflag:s26] =	ssyncset.done $0x0  }
0x214: {  	[sflag:s26] =	ssyncadd.s32 $0xFFFFFCF2  }
0x215: {  	[bflag:$0x0] =	sbarrier.arrive $0xFFFF;
	_ =	sdelay $0x1  }
0x216: {  	_ =	sfence.sel $0x180000  }
0x217: {  	[bflag:$0x0] =	sbarrier.arrive $0xFFFF  }
0x218: {  	_ =	strace $0x90000047  }
0x219: {  	s0 =	stileid.u32;
	[bflag:$0x2] =	sbarrier.arrive $0xFFFF  }
0x21a: {  	p0 =	sne.s32 s0, $0x0;
	s0 =	rddreg [dreg:$0x3]  }
0x21b: {  	s0 =	sadd.s32 @!p0 $0x100000, s0  }
0x21c: {  	[sflag:s0] =	ssyncadd.tile.s32 @!p0 $0x1;
	_ =	shalt  }
.Lfunc_end2:
_tile_overlayer_lowered:
.L_overlay_start_2:
0x21d: {  	(tag) =	ssettag $0x2  }
0x21e: {  	s0 =	rddreg [dreg:$0x0];
	s2 =	stileid.u32  }
0x21f: {  	s1 =	rddreg [dreg:$0x1];
	p0 =	sne.s32 s2, $0x0  }
0x220: {  	s3 =	rddreg [dreg:$0x2];
	[bflag:$0x3] =	sbarrier.arrive $0xFFFF;
	s2 =	simm.s32 @!p0 $0x1C03  }
0x221: {  	[timem:s3], [sflag:s2] =	dma.local @!p0 [hbm:s0], s1  }
0x222: {  	s0 =	simm.s32 @!p0 $0x3  }
0x223: {  	_ =	swait.ge @!p0 [sflag:s0], s1  }
0x224: {  	s1 =	ssub.s32 @!p0 $0x0, s1;
	[sflag:s0] =	ssyncset.done @!p0 $0x0  }
0x225: {  	[sflag:s0] =	ssyncadd.s32 @!p0 s1  }
0x226: {  	[bflag:$0x3] =	sbarrier.arrive $0xFFFF  }
0x227: {  	_ =	shalt  }

// kernel: kernel.9.cloned.1.call-start
scs
__scs_entry_jumppad:
0x0: {  	(pc) =	sbr.rel $0x88, $3  }
0x1: {  	(tag) =	ssettag $0x0;
	lr =	simm.s32 $0x1  }
0x2: {  	[smem:$0x3F98] =	sst lr;
	_ =	strace $0xD0000000  }
0x3: {  	_ = 	snop  }
0x4: {  	_ = 	snop  }
0x5: {  	_ = 	snop  }
0x6: {  	_ = 	snop  }
0x7: {  	_ = 	snop  }
__scs_overlays_trampoline_lowered:
0x8: {  	[smem:$0x3FA7] =	sst s0  }
0x9: {  	[smem:$0x3FA8] =	sst s1  }
0xa: {  	[smem:$0x3FA9] =	sst s2  }
0xb: {  	[smem:$0x3FAA] =	sst s3  }
0xc: {  	[smem:$0x3FAB] =	sst s4  }
0xd: {  	[smem:$0x3FAC] =	sst s5  }
0xe: {  	[smem:$0x3FAD] =	sst s6  }
0xf: {  	[smem:$0x3FAE] =	sst s7  }
0x10: {  	[smem:$0x3FAF] =	sst s8  }
0x11: {  	[smem:$0x3FB0] =	sst s9;
	s0 =	simm.s32 @!p0 $0x0  }
0x12: {  	s1 =	sld [smem:$0x3F96];
	s0 =	simm.s32 @p0 $0x1  }
0x13: {  	[smem:$0x3FB1] =	sst s0;
	s0 =	simm.s32 @!p1 $0x0  }
0x14: {  	s2 =	sld [smem:$0x3F95];
	s0 =	simm.s32 @p1 $0x1  }
0x15: {  	[smem:$0x3FB2] =	sst s0;
	s0 =	simm.s32 @!p2 $0x0  }
0x16: {  	s3 =	sld [smem:$0x3FDB];
	s0 =	simm.s32 @p2 $0x1  }
0x17: {  	s4 =	simm.s32 $0x1BF5;
	[smem:$0x3FB4] =	sst s0  }
0x18: {  	s0 =	sld [smem:$0x3F97];
	_ =	swait.ge [sflag:s4], $0x0  }
0x19: {  	s7 =	sld [smem:$0x3F98]  }
0x1a: {  	s8 =	sadd.s32 $0xFFFFE003, lr  }
0x1b: {  	s9 =	sadd.s32 $0xFFFFFEF7, lr;
	s5 =	simm.s32 $0xFFFFFFFF;
	p2 =	slt.u32 s8, $0xFFFFF086  }
0x1c: {  	p1 =	slt.u32 s9, $0xF7A;
	s5 =	simm.s32 @!p2 $0x0  }
0x1d: {  	s5 =	simm.s32 @p1 $0x1;
	p0 =	seq.s32 s7, s2  }
0x1e: {  	s7 =	smul.u32 @!p0 $0xF7A, s2;
	p2 =	seq.s32 @!p0 s5, $0x0  }
0x1f: {  	s9 =	smul.u32 $0xF7A, s1;
	s8 =	simm.s32 @!p0 $0x1BF5;
	p2 =	por !p2, p0  }
0x20: {  	[sflag:s8] =	ssyncset.s32 @!p0 $0xFFFFF086;
	s6 =	sadd.s32 @!p0 s3, s7;
	s7 =	simm.s32 @!p0 $0x108  }
0x21: {  	s3 =	sadd.s32 s3, s9;
	s6 =	sadd.s32 @!p0 $0x88, s6;
	s7 =	simm.s32 @p2 $0x1082  }
0x22: {  	[simem:s7], [sflag:s8] =	dma.local @!p0 [hbm:s6], $0xF7A  }
0x23: {  	s9 =	sor.u32 $0xD0000000, s2;
	s6 =	simm.s32 $0x108;
	_ =	swait.ge @!p0 [sflag:s8], $0x0  }
0x24: {  	s3 =	sadd.s32 $0x88, s3;
	s6 =	simm.s32 @!p1 $0x1082;
	[sflag:s4] =	ssyncset.s32 $0xFFFFF086  }
0x25: {  	[simem:s6], [sflag:s4] =	dma.local [hbm:s3], $0xF7A  }
0x26: {  	[smem:$0x3F98] =	sst s1;
	(tag) =	ssettag s2;
	_ =	strace s9  }
0x27: {  	s1 =	sld [smem:$0x3FA8]  }
0x28: {  	s2 =	sld [smem:$0x3FA9]  }
0x29: {  	s4 =	sld [smem:$0x3FAB]  }
0x2a: {  	p0 =	seq.s32 s5, $0x0;
	s5 =	sld [smem:$0x3FAC]  }
0x2b: {  	s6 =	sld [smem:$0x3FAD]  }
0x2c: {  	s7 =	sld [smem:$0x3FAE]  }
0x2d: {  	s3 =	simm.s32 $0x108;
	s8 =	sld [smem:$0x3FAF]  }
0x2e: {  	s3 =	simm.s32 @!p0 $0x1082;
	s9 =	sld [smem:$0x3FB0]  }
0x2f: {  	lr =	sadd.s32 s0, s3;
	s0 =	sld [smem:$0x3FA7]  }
0x30: {  	s3 =	sld [smem:$0x3FAA]  }
0x31: {  	[smem:$0x3FB3] =	sst s10  }
0x32: {  	s10 =	sld [smem:$0x3FB1];
	_ =	sdelay $0x3  }
0x33: {  	p0 =	seq.s32 s10, $0x1;
	s10 =	sld [smem:$0x3FB3];
	_ =	sdelay $0x3  }
0x34: {  	[smem:$0x3FB3] =	sst s10  }
0x35: {  	s10 =	sld [smem:$0x3FB2];
	_ =	sdelay $0x3  }
0x36: {  	p1 =	seq.s32 s10, $0x1;
	s10 =	sld [smem:$0x3FB3];
	_ =	sdelay $0x3  }
0x37: {  	[smem:$0x3FB3] =	sst s10  }
0x38: {  	s10 =	sld [smem:$0x3FB4]  }
0x39: {  	_ = 	snop;
	(pc) =	sbr.ind lr, $3  }
0x3a: {  	_ = 	snop  }
0x3b: {  	_ = 	snop  }
0x3c: {  	p2 =	seq.s32 s10, $0x1;
	s10 =	sld [smem:$0x3FB3]  }
0x3d: {  	_ =	shalt  }
0x3e: {  	_ =	shalt  }
0x3f: {  	_ =	shalt  }
0x40: {  	_ =	shalt  }
0x41: {  	_ =	shalt  }
0x42: {  	_ =	shalt  }
0x43: {  	_ =	shalt  }
0x44: {  	_ =	shalt  }
0x45: {  	_ =	shalt  }
0x46: {  	_ =	shalt  }
0x47: {  	_ =	shalt  }
0x48: {  	_ =	shalt  }
0x49: {  	_ =	shalt  }
0x4a: {  	_ =	shalt  }
0x4b: {  	_ =	shalt  }
0x4c: {  	_ =	shalt  }
0x4d: {  	_ =	shalt  }
0x4e: {  	_ =	shalt  }
0x4f: {  	_ =	shalt  }
0x50: {  	_ =	shalt  }
0x51: {  	_ =	shalt  }
0x52: {  	_ =	shalt  }
0x53: {  	_ =	shalt  }
0x54: {  	_ =	shalt  }
0x55: {  	_ =	shalt  }
0x56: {  	_ =	shalt  }
0x57: {  	_ =	shalt  }
0x58: {  	_ =	shalt  }
0x59: {  	_ =	shalt  }
0x5a: {  	_ =	shalt  }
0x5b: {  	_ =	shalt  }
0x5c: {  	_ =	shalt  }
0x5d: {  	_ =	shalt  }
0x5e: {  	_ =	shalt  }
0x5f: {  	_ =	shalt  }
0x60: {  	_ =	shalt  }
0x61: {  	_ =	shalt  }
0x62: {  	_ =	shalt  }
0x63: {  	_ =	shalt  }
0x64: {  	_ =	shalt  }
0x65: {  	_ =	shalt  }
0x66: {  	_ =	shalt  }
0x67: {  	_ =	shalt  }
0x68: {  	_ =	shalt  }
0x69: {  	_ =	shalt  }
0x6a: {  	_ =	shalt  }
0x6b: {  	_ =	shalt  }
0x6c: {  	_ =	shalt  }
0x6d: {  	_ =	shalt  }
0x6e: {  	_ =	shalt  }
0x6f: {  	_ =	shalt  }
0x70: {  	_ =	shalt  }
0x71: {  	_ =	shalt  }
0x72: {  	_ =	shalt  }
0x73: {  	_ =	shalt  }
0x74: {  	_ =	shalt  }
0x75: {  	_ =	shalt  }
0x76: {  	_ =	shalt  }
0x77: {  	_ =	shalt  }
0x78: {  	_ =	shalt  }
0x79: {  	_ =	shalt  }
0x7a: {  	_ =	shalt  }
0x7b: {  	_ =	shalt  }
0x7c: {  	_ =	shalt  }
0x7d: {  	_ =	shalt  }
0x7e: {  	_ =	shalt  }
0x7f: {  	_ =	shalt  }
0x80: {  	_ =	shalt  }
0x81: {  	_ =	shalt  }
0x82: {  	_ =	shalt  }
0x83: {  	_ =	shalt  }
0x84: {  	_ =	shalt  }
0x85: {  	_ =	shalt  }
0x86: {  	_ =	shalt  }
0x87: {  	_ =	shalt  }
.Lfunc_end0:
.L_simem_size_0:
called_computation.1_lowered:
.L_overlay_start_0:
0x88: {  	s2 =	sld [smem:$0x3FD9]  }
0x89: {  	s3 =	sld [smem:$0x3FFE];
	_ =	sdelay $0x1  }
0x8a: {  	s1 =	srdreg.scid  }
0x8b: {  	s0 =	sand.u32 $0x1, s1  }
0x8c: {  	s17 =	sshll.u32 s0, $0xA;
	s2 =	sadd.s32 s3, s2  }
0x8d: {  	s2 =	sadd.s32 s2, s17  }
0x8e: {  	[smem:$0x3FBF] =	sst s2  }
0x8f: {  	_ = 	snop  }
0x90: {  	s2 =	sld [smem:$0x3FC7];
	(tm) =	ssettm $0x1  }
0x91: {  	s18 =	sld [smem:$0x3FFB];
	_ =	sdelay $0x3  }
0x92: {  	_ =	strace s18  }
0x93: {  	s3 =	sld [smem:$0x3FFC];
	_ =	sdelay $0x3  }
0x94: {  	_ =	strace s3  }
0x95: {  	s3 =	sld [smem:$0x3FFD];
	_ =	sdelay $0x3  }
0x96: {  	_ =	strace s3  }
0x97: {  	_ =	strace $0x8FFFFFFF  }
0x98: {  	s19 =	sld [smem:$0x3FDB];
	_ =	sdelay $0x1  }
0x99: {  	s4 =	simm.s32 $_scs_section_size  }
0x9a: {  	s5 =	simm.s32 $_size__tile_overlayer_lowered;
	s6 =	simm.s32 $_tile_overlayer_lowered  }
0x9b: {  	s22 =	simm.s32 $0x1BFF;
	s21 =	sshll.u32 s6, $0x1;
	s3 =	sadd.s32 s4, s19  }
0x9c: {  	s7 =	simm.s32 $0x0;
	s20 =	sshll.u32 s5, $0x1;
	s5 =	sadd.s32 s21, s3  }
0x9d: {  	[timem:s7], [sflag:s22] =	dma.local [hbm:s5], s20  }
0x9e: {  	_ =	swait.ge [sflag:s22], s20  }
0x9f: {  	s4 =	ssub.s32 $0x0, s20;
	[sflag:s22] =	ssyncset.done $0x0  }
0xa0: {  	[sflag:s22] =	ssyncadd.s32 s4;
	_ =	sdelay $0x1  }
0xa1: {  	s23 =	simm.s32 $0x1B8B  }
0xa2: {  	_ =	swait.ge [sflag:s23], $0x1  }
0xa3: {  	[sflag:s23] =	ssyncset.done $0x0  }
0xa4: {  	s25 =	simm.s32 $0x1B8E;
	s24 =	sld [smem:$0x3FFE];
	[sflag:s23] =	ssyncadd.s32 $0xFFFFFFFF  }
0xa5: {  	s26 =	simm.s32 $execute0_lowered;
	[smem:$0x3FD2] =	sst s25  }
0xa6: {  	s5 =	sshll.u32 s26, $0x1;
	_ =	strace $0x80000049;
	[dreg:$0x1] =	wrdreg $0xFFFFFFFF  }
0xa7: {  	s28 =	simm.s32 $_size_execute0_lowered;
	s3 =	sadd.s32 s3, s5;
	[dreg:$0x0] =	wrdreg $0x0  }
0xa8: {  	s5 =	sshll.u32 s28, $0x1;
	[dreg:$0x2] =	wrdreg s3  }
0xa9: {  	[dreg:$0x3] =	wrdreg s5  }
0xaa: {  	[dreg:$0x4] =	wrdreg $0xC0  }
0xab: {  	_ =	task [dreg:s7], $0x5FFFF  }
0xac: {  	[dreg:$0x1] =	wrdreg $0xFFFFFFFF  }
0xad: {  	[dreg:$0x0] =	wrdreg $0x60  }
0xae: {  	[dreg:$0x2] =	wrdreg s24  }
0xaf: {  	[dreg:$0x3] =	wrdreg s2  }
0xb0: {  	[dreg:$0x4] =	wrdreg $0x0  }
0xb1: {  	[dreg:$0x5] =	wrdreg $0x9  }
0xb2: {  	_ =	task.clear_ibuf [dreg:s7], $0x6FFFF;
	_ =	strace $0x90000049  }
0xb3: {  	s29 =	simm.s32 $0x9;
	_ =	strace $0x8000004B  }
0xb4: {  	_ =	swait.ge [sflag:s29], $0x1  }
0xb5: {  	[sflag:s29] =	ssyncadd.s32 $0xFFFFFFFF  }
0xb6: {  	_ =	strace $0x9000004B  }
0xb7: {  	_ =	sfence  }
0xb8: {  	s30 =	sld [smem:$0x0];
	_ =	sdelay $0x2  }
0xb9: {  	s31 =	sshll.u32 s1, $0xD;
	s1 =	sshrl.u32 s1, $0x2  }
0xba: {  	s3 =	sand.u32 $0x4000, s31;
	s1 =	sadd.s32 s1, s30  }
0xbb: {  	s0 =	sor.u32 s3, s0;
	s1 =	sshll.u32 s1, $0x11  }
0xbc: {  	s0 =	sor.u32 s1, s0  }
0xbd: {  	s0 =	sadd.s32 $0x8F2B, s0  }
0xbe: {  	[sflag:s0] =	ssyncadd.remote.s32 $0x1  }
0xbf: {  	_ =	sfence.sel $0xFFFF  }
0xc0: {  	[dreg:$0x0] =	wrdreg $0xFFFFFFFF;
	(pc) =	sbr.abs _section_cstart, $3  }
0xc1: {  	[dreg:$0x1] =	wrdreg $0xFFFFFFFF  }
0xc2: {  	_ =	task.clear_ibuf [dreg:s7], $0x2FFFF;
	_ =	strace $0x9FFFFFFF  }
0xc3: {  	(tm) =	ssettm $0x7FFFFFFF  }
tec
execute0_lowered:
.L_overlay_start_1:
0x0: {  	(tag) =	ssettag $0x1  }
0x1: {  	s0 =	rddreg [dreg:$0x0]  }
0x2: {  	s2 =	rddreg [dreg:$0x1]  }
0x3: {  	s3 =	rddreg [dreg:$0x2]  }
0x4: {  	s1 =	srdreg.scid;
	s8 =	stileid.u32;
	s4 =	simm.s32 $0x0  }
0x5: {  	s18 =	simm.s32 $0x1870;
	s19 =	simm.s32 $0x1DD90;
	s20 =	simm.s32 $0x3  }
0x6: {  	s21 =	simm.s32 $0x1;
	s28 =	simm.s32 $0x1C620;
	s29 =	simm.s32 $0x7D0  }
0x7: {  	s30 =	simm.s32 $0x1CDF0;
	s31 =	simm.s32 $0x1D5C0;
	s22 =	simm.s32 $0x0  }
0x8: {  	s1 =	sand.u32 $0x1, s1;
	s5 =	smul.u32 $0x1870, s8;
	[smem:$0x7FF] =	sst s4  }
0x9: {  	s9 =	sadd.s32 $0xA00, s0;
	s6 =	sshll.u32 s1, $0x4;
	s7 =	smul.u32 $0x186A0, s1  }
0xa: {  	_ =	strace $0x8000004A;
	[dreg:$0x4] =	wrdreg s9;
	s1 =	ssub.s32 $0x2, s1  }
0xb: {  	s6 =	sor.u32 s8, s6;
	s24 =	smin.u32 s5, $0x16E30;
	s5 =	sadd.s32 $0xD200, s0  }
0xc: {  	s10 =	sshrl.u32 s1, $0x1;
	s6 =	smul.u32 $0x186A0, s6;
	s7 =	sadd.s32 s7, s24  }
0xd: {  	s1 =	ssub.s32 s1, s10;
	s8 =	sadd.s32 s24, s3;
	s7 =	sshrl.u32 s7, $0x3  }
0xe: {  	s14 =	smax.u32 s1, $0x1;
	s15 =	sadd.s32 $0x7D0, s8;
	s16 =	sadd.s32 $0xFA0, s8  }
0xf: {  	s17 =	sadd.s32 $0x10A0, s8;
	s1 =	simm.s32 $0x2;
	s25 =	sshrl.u32 s6, $0x3  }
0x10: {  	s0 =	sadd.s32 s7, s0;
	s11 =	sadd.s32 $0x7D0, s6;
	s12 =	sadd.s32 $0xFA0, s6  }
0x11: {  	s7 =	sadd.s32 s5, s25;
	s9 =	sadd.s32 s2, s25;
	s13 =	sadd.s32 $0x3E00, s0  }
0x12: {  	s25 =	simm.s32 $0x1A6E0;
	s26 =	sadd.s32 $0x61A80, s7;
	[dreg:$0x6] =	wrdreg s9  }
0x13: {  	v0 =	vimm.f32 $0.0e+00;
	s0 =	simm.s32 $0x1E560;
	[dreg:$0x5] =	wrdreg s26;
	s26 =	simm.s32 $0x1B680  }
.LBB2_1:
0x14: {  	s6 =	rddreg [dreg:$0x4]  }
0x15: {  	[tilespmem:s18], [sflag:$0x1] =	stream.linear.gather [hbm4b:s6+s4], $0x186A0, $0x38;
	[tilespmem:$0x1ED30] =	vst v63  }
0x16: {  	s9 =	simm.s32 $0x0;
	s6 =	simm.s32 $0x40  }
.LBB2_2:
0x17: {  	p0 =	sne.s32 s6, $0x1F00;
	[tilespmem:s9+$0x1DD90] =	vst v0;
	s9 =	smov.u32 s6;
	s6 =	sadd.s32 $0x40, s6  }
.Ltmp0:
0x18: {  	(pc) =	sbr.rel @p0 .LBB2_2-.Ltmp0, $2  }
0x19: {  	_ =	sdelay $0x2  }
0x1a: {  	s9 =	sshra.s32 s9, $0x2  }
0x1b: {  	[tilespmem:s9+$0x1DD90] =	vst v0  }
0x1c: {  	[spmem:s8] =	stream.linear.scatter [tilespmem:s19], [sflag:$0x3], $0x7D0, $0x38;
	[tilespmem:$0x1ED30] =	vst v63  }
0x1d: {  	_ =	swait.ge [sflag:s20], $0x7D0  }
0x1e: {  	[sflag:s20] =	ssyncset.done $0x0  }
0x1f: {  	[sflag:s20] =	ssyncadd.s32 $0xFFFFF830  }
0x20: {  	[spmem:s15] =	stream.linear.scatter [tilespmem:s19], [sflag:$0x3], $0x7D0, $0x38;
	[tilespmem:$0x1ED30] =	vst v63  }
0x21: {  	_ =	swait.ge [sflag:s20], $0x7D0  }
0x22: {  	[sflag:s20] =	ssyncset.done $0x0  }
0x23: {  	[sflag:s20] =	ssyncadd.s32 $0xFFFFF830  }
0x24: {  	[spmem:s16] =	stream.linear.scatter [tilespmem:s19], [sflag:$0x3], $0x7D0, $0x38;
	[tilespmem:$0x1ED30] =	vst v63  }
0x25: {  	_ =	swait.ge [sflag:s20], $0x7D0  }
0x26: {  	[sflag:s20] =	ssyncset.done $0x0  }
0x27: {  	[sflag:s20] =	ssyncadd.s32 $0xFFFFF830  }
0x28: {  	[spmem:s17] =	stream.linear.scatter [tilespmem:s19], [sflag:$0x3], $0x7D0, $0x38;
	[tilespmem:$0x1ED30] =	vst v63  }
0x29: {  	_ =	swait.ge [sflag:s20], $0x7D0  }
0x2a: {  	[sflag:s20] =	ssyncset.done $0x0  }
0x2b: {  	[sflag:s20] =	ssyncadd.s32 $0xFFFFF830  }
0x2c: {  	_ =	swait.ge [sflag:s21], $0x186A0  }
0x2d: {  	[sflag:s21] =	ssyncset.done $0x0  }
0x2e: {  	[sflag:s21] =	ssyncadd.s32 $0xFFFE7960  }
0x2f: {  	s23 =	simm.s32 $0x0;
	s6 =	simm.s32 $0x19F10;
	[bflag:$0x0] =	sbarrier.arrive $0xFFFF  }
0x30: {  	[tilespmem:s6], [sflag:$0x1] =	stream.linear.gather [hbm4b:s7+s23], $0x7D0, $0x38;
	[tilespmem:$0x1ED30] =	vst v63  }
0x31: {  	s24 =	simm.s32 $0x1AEB0;
	s10 =	rddreg [dreg:$0x5]  }
0x32: {  	[tilespmem:s24], [sflag:$0x1] =	stream.linear.gather [hbm4b:s10+s23], $0x7D0, $0x38;
	[tilespmem:$0x1ED30] =	vst v63  }
0x33: {  	s10 =	rddreg [dreg:$0x6];
	s24 =	simm.s32 $0x1BE50  }
0x34: {  	[tilespmem:s24], [sflag:$0x1] =	stream.linear.gather [hbm4b:s10+s23], $0x7D0, $0x38;
	[tilespmem:$0x1ED30] =	vst v63  }
.LBB2_4:
0x35: {  	s24 =	smul.u32 $0xFA0, s23;
	_ =	sdelay $0x1  }
0x36: {  	s6 =	sadd.s32 s24, s11  }
0x37: {  	s6 =	sshrl.u32 s6, $0x3  }
0x38: {  	s9 =	sadd.s32 s5, s6  }
0x39: {  	[tilespmem:s25], [sflag:$0x1] =	stream.linear.gather [hbm4b:s9+s4], $0x7D0, $0x38;
	[tilespmem:$0x1ED30] =	vst v63  }
0x3a: {  	s9 =	sadd.s32 $0x61A80, s9  }
0x3b: {  	[tilespmem:s26], [sflag:$0x1] =	stream.linear.gather [hbm4b:s9+s4], $0x7D0, $0x38;
	[tilespmem:$0x1ED30] =	vst v63  }
0x3c: {  	s6 =	sadd.s32 s2, s6  }
0x3d: {  	[tilespmem:s28], [sflag:$0x1] =	stream.linear.gather [hbm4b:s6+s4], $0x7D0, $0x38;
	[tilespmem:$0x1ED30] =	vst v63  }
0x3e: {  	_ =	swait.ge [sflag:s21], $0x7D0  }
0x3f: {  	[sflag:s21] =	ssyncset.done $0x0  }
0x40: {  	[sflag:s21] =	ssyncadd.s32 $0xFFFFF830  }
0x41: {  	_ =	swait.ge [sflag:s21], $0x7D0  }
0x42: {  	[sflag:s21] =	ssyncset.done $0x0  }
0x43: {  	[sflag:s21] =	ssyncadd.s32 $0xFFFFF830  }
0x44: {  	_ =	swait.ge [sflag:s21], $0x7D0  }
0x45: {  	p0 =	seq.s32 s23, $0x0;
	[sflag:s21] =	ssyncset.done $0x0  }
0x46: {  	s6 =	simm.s32 @!p0 $0x2;
	[sflag:s21] =	ssyncadd.s32 $0xFFFFF830  }
0x47: {  	_ =	swait.ge @!p0 [sflag:s6], $0x7D0  }
0x48: {  	[sflag:s6] =	ssyncset.done @!p0 $0x0  }
0x49: {  	[sflag:s6] =	ssyncadd.s32 @!p0 $0xFFFFF830;
	s6 =	simm.s32 $0x0  }
0x4a: {  	v2 =	vld [tilespmem:s6+$0x19F10];
	_ =	sdelay $0x2  }
0x4b: {  	v3 =	vld [tilespmem:s6+$0x1AEB0];
	_ =	sdelay $0x3  }
0x4c: {  	v1 =	vld [tilespmem:s6+$0x1BE50]  }
0x4d: {  	s10 =	simm.s32 $0x80;
	s9 =	simm.s32 $0x10;
	v2 =	vld.idx.msk [tilespmem:v2+s18+$0x0], $0xffff;
	[tilespmem:s6+$0x1CDF0] =	vst v3  }
.LBB2_5:
0x4e: {  	p1 =	sne.s32 s10, $0x1F00;
	v3 =	vld [tilespmem:s9+$0x19F10];
	_ =	sdelay $0x2  }
0x4f: {  	v4 =	vld [tilespmem:s9+$0x1AEB0]  }
.Ltmp1:
0x50: {  	(pc) =	sbr.rel @p1 .LBB2_5-.Ltmp1, $3  }
0x51: {  	v2 =	vmul.f32 v1, v2;
	_ =	sdelay $0x1  }
0x52: {  	v1 =	vld [tilespmem:s9+$0x1BE50];
	[tilespmem:s6+$0x1DD90] =	vst v2;
	s6 =	smov.u32 s9  }
0x53: {  	s9 =	sshra.s32 s10, $0x2;
	s10 =	sadd.s32 $0x40, s10;
	v2 =	vld.idx.msk [tilespmem:v3+s18+$0x0], $0xffff;
	[tilespmem:s6+$0x1CDF0] =	vst v4  }
0x54: {  	v3 =	vld [tilespmem:s9+$0x19F10];
	_ =	sdelay $0x4  }
0x55: {  	v1 =	vmul.f32 v1, v2  }
0x56: {  	v4 =	vld [tilespmem:s9+$0x1AEB0]  }
0x57: {  	v2 =	vld [tilespmem:s9+$0x1BE50];
	[tilespmem:s6+$0x1DD90] =	vst v1  }
0x58: {  	v1 =	vld.idx.msk [tilespmem:v3+s18+$0x0], $0xffff;
	_ =	sdelay $0x4  }
0x59: {  	p1 =	sgt.u32 s23, $0x17;
	v1 =	vmul.f32 v2, v1  }
0x5a: {  	s6 =	sadd.s32 @!p1 s24, s12;
	[tilespmem:s9+$0x1CDF0] =	vst v4  }
0x5b: {  	s6 =	sshrl.u32 @!p1 s6, $0x3;
	[tilespmem:s9+$0x1DD90] =	vst v1  }
0x5c: {  	[spmem:s3] =	stream.indirect.scatter.add.f32 [tilespmem:s19], [sflag:$0x2], $0x1, s30, s29, $0xb8;
	[tilespmem:$0x1ED30] =	vst v63  }
0x5d: {  	s10 =	simm.s32 @!p1 $0x0;
	s24 =	simm.s32 @!p1 $0x19F10;
	s9 =	sadd.s32 @!p1 s5, s6  }
0x5e: {  	[tilespmem:s24], [sflag:$0x1] =	stream.linear.gather @!p1 [hbm4b:s9+s10], $0x7D0, $0x38;
	[tilespmem:$0x1ED30] =	vst v63  }
0x5f: {  	s9 =	sadd.s32 @!p1 $0x61A80, s9;
	s24 =	simm.s32 @!p1 $0x1AEB0  }
0x60: {  	[tilespmem:s24], [sflag:$0x1] =	stream.linear.gather @!p1 [hbm4b:s9+s10], $0x7D0, $0x38;
	[tilespmem:$0x1ED30] =	vst v63  }
0x61: {  	s6 =	sadd.s32 @!p1 s2, s6;
	s9 =	simm.s32 @!p1 $0x1BE50  }
0x62: {  	[tilespmem:s9], [sflag:$0x1] =	stream.linear.gather @!p1 [hbm4b:s6+s10], $0x7D0, $0x38;
	[tilespmem:$0x1ED30] =	vst v63  }
0x63: {  	_ =	swait.ge [sflag:s21], $0x7D0  }
0x64: {  	[sflag:s21] =	ssyncset.done $0x0  }
0x65: {  	[sflag:s21] =	ssyncadd.s32 $0xFFFFF830  }
0x66: {  	_ =	swait.ge [sflag:s21], $0x7D0  }
0x67: {  	[sflag:s21] =	ssyncset.done $0x0  }
0x68: {  	[sflag:s21] =	ssyncadd.s32 $0xFFFFF830  }
0x69: {  	_ =	swait.ge [sflag:s21], $0x7D0  }
0x6a: {  	[sflag:s21] =	ssyncset.done $0x0  }
0x6b: {  	s6 =	simm.s32 @!p0 $0x2;
	[sflag:s21] =	ssyncadd.s32 $0xFFFFF830  }
0x6c: {  	_ =	swait.ge @!p0 [sflag:s6], $0x7D0  }
0x6d: {  	[sflag:s6] =	ssyncset.done @!p0 $0x0  }
0x6e: {  	[sflag:s6] =	ssyncadd.s32 @!p0 $0xFFFFF830;
	s6 =	simm.s32 $0x0  }
0x6f: {  	v2 =	vld [tilespmem:s6+$0x1A6E0];
	_ =	sdelay $0x2  }
0x70: {  	v3 =	vld [tilespmem:s6+$0x1B680];
	_ =	sdelay $0x3  }
0x71: {  	v1 =	vld [tilespmem:s6+$0x1C620]  }
0x72: {  	s9 =	simm.s32 $0x10;
	s10 =	simm.s32 $0x80;
	v2 =	vld.idx.msk [tilespmem:v2+s18+$0x0], $0xffff;
	[tilespmem:s6+$0x1D5C0] =	vst v3  }
.LBB2_7:
0x73: {  	p0 =	sne.s32 s10, $0x1F00;
	v3 =	vld [tilespmem:s9+$0x1A6E0];
	_ =	sdelay $0x2  }
0x74: {  	v4 =	vld [tilespmem:s9+$0x1B680]  }
.Ltmp2:
0x75: {  	(pc) =	sbr.rel @p0 .LBB2_7-.Ltmp2, $3  }
0x76: {  	v2 =	vmul.f32 v1, v2;
	_ =	sdelay $0x1  }
0x77: {  	v1 =	vld [tilespmem:s9+$0x1C620];
	[tilespmem:s6+$0x1E560] =	vst v2;
	s6 =	smov.u32 s9  }
0x78: {  	s9 =	sshra.s32 s10, $0x2;
	s10 =	sadd.s32 $0x40, s10;
	v2 =	vld.idx.msk [tilespmem:v3+s18+$0x0], $0xffff;
	[tilespmem:s6+$0x1D5C0] =	vst v4  }
0x79: {  	v3 =	vld [tilespmem:s9+$0x1A6E0];
	_ =	sdelay $0x4  }
0x7a: {  	v1 =	vmul.f32 v1, v2  }
0x7b: {  	v4 =	vld [tilespmem:s9+$0x1B680]  }
0x7c: {  	v2 =	vld [tilespmem:s9+$0x1C620];
	[tilespmem:s6+$0x1E560] =	vst v1  }
0x7d: {  	v1 =	vld.idx.msk [tilespmem:v3+s18+$0x0], $0xffff;
	_ =	sdelay $0x1  }
0x7e: {  	s23 =	sadd.s32 $0x1, s23  }
0x7f: {  	p0 =	sne.s32 s23, $0x19  }
.Ltmp3:
0x80: {  	_ = 	snop;
	(pc) =	sbr.rel @p0 .LBB2_4-.Ltmp3, $4  }
0x81: {  	v1 =	vmul.f32 v2, v1  }
0x82: {  	[tilespmem:s9+$0x1D5C0] =	vst v4  }
0x83: {  	[tilespmem:s9+$0x1E560] =	vst v1  }
0x84: {  	[spmem:s3] =	stream.indirect.scatter.add.f32 [tilespmem:s0], [sflag:$0x2], $0x1, s31, s29, $0xb8;
	[tilespmem:$0x1ED30] =	vst v63  }
0x85: {  	_ =	swait.ge [sflag:s1], $0x7D0  }
0x86: {  	[sflag:s1] =	ssyncset.done $0x0  }
0x87: {  	[sflag:s1] =	ssyncadd.s32 $0xFFFFF830  }
0x88: {  	s6 =	stileid.u32;
	_ =	swait.ge [sflag:s1], $0x7D0  }
0x89: {  	s9 =	sshrl.u32 s8, $0x3;
	s22 =	sadd.s32 $0x1, s22;
	[sflag:s1] =	ssyncset.done $0x0  }
0x8a: {  	s6 =	sshll.u32 s6, $0x6;
	p0 =	sne.s32 s22, s14;
	[sflag:s1] =	ssyncadd.s32 $0xFFFFF830  }
.Ltmp4:
0x8b: {  	s6 =	sor.u32 $0x1C03, s6;
	[bflag:$0x0] =	sbarrier.arrive $0xFFFF;
	(pc) =	sbr.rel @p0 .LBB2_1-.Ltmp4, $4  }
0x8c: {  	[hbm:s13], [sflag:s6] =	dma.local [spmem:s9], $0x30E  }
0x8d: {  	_ =	swait.ge [sflag:s20], $0x30E  }
0x8e: {  	[sflag:s20] =	ssyncset.done $0x0  }
0x8f: {  	[sflag:s20] =	ssyncadd.s32 $0xFFFFFCF2  }
0x90: {  	_ =	sfence.sel $0x180000  }
0x91: {  	[bflag:$0x0] =	sbarrier.arrive $0xFFFF  }
0x92: {  	_ =	strace $0x9000004A  }
0x93: {  	s0 =	stileid.u32;
	[bflag:$0x2] =	sbarrier.arrive $0xFFFF  }
0x94: {  	p0 =	sne.s32 s0, $0x0;
	s0 =	rddreg [dreg:$0x3]  }
0x95: {  	s0 =	sadd.s32 @!p0 $0x100000, s0  }
0x96: {  	[sflag:s0] =	ssyncadd.tile.s32 @!p0 $0x1;
	_ =	shalt  }
.Lfunc_end2:
_tile_overlayer_lowered:
.L_overlay_start_2:
0x97: {  	(tag) =	ssettag $0x2  }
0x98: {  	s0 =	rddreg [dreg:$0x0];
	s2 =	stileid.u32  }
0x99: {  	s1 =	rddreg [dreg:$0x1];
	p0 =	sne.s32 s2, $0x0  }
0x9a: {  	s3 =	rddreg [dreg:$0x2];
	[bflag:$0x3] =	sbarrier.arrive $0xFFFF;
	s2 =	simm.s32 @!p0 $0x1C03  }
0x9b: {  	[timem:s3], [sflag:s2] =	dma.local @!p0 [hbm:s0], s1  }
0x9c: {  	s0 =	simm.s32 @!p0 $0x3  }
0x9d: {  	_ =	swait.ge @!p0 [sflag:s0], s1  }
0x9e: {  	s1 =	ssub.s32 @!p0 $0x0, s1;
	[sflag:s0] =	ssyncset.done @!p0 $0x0  }
0x9f: {  	[sflag:s0] =	ssyncadd.s32 @!p0 s1  }
0xa0: {  	[bflag:$0x3] =	sbarrier.arrive $0xFFFF  }
0xa1: {  	_ =	shalt  }

</sc_bundles>
